<compile_context>
chip_gen: v7x
topology: tpu7x:2x2x1
jax: 0.10.2.dev20260603
libtpu: 0.0.44.dev20260713+nightly
codegen_flags: <defaults>
</compile_context>

<pallas_src>
import functools

import jax
import jax.numpy as jnp
from jax import lax
from jax.experimental import pallas as pl
from jax.experimental.pallas import tpu as pltpu
from jax.experimental.pallas import tpu_sc as plsc

N = 10000
D = 128
Z = 64
E = 320000
NPAD = 10240
NC = 2
NS = 16
NT = NC * NS
K = 128
CH = 80
EPT = K * CH
E_PAD = NT * EPT
RPT = NPAD // NS
R = 512
NBLK = NPAD // R
NBUF = 4

_f32 = jnp.float32


def _mesh():
    return plsc.VectorSubcoreMesh(core_axis_name="c", subcore_axis_name="s")


def _deg_body(src, dst, zeros16, ones, out, idxs, idxd, ones_v, d_out, d_in):
    c = lax.axis_index("c")
    s = lax.axis_index("s")
    tid = c * NS + s
    pltpu.sync_copy(zeros16, d_out.at[pl.ds(s * RPT, RPT)])
    pltpu.sync_copy(zeros16, d_in.at[pl.ds(s * RPT, RPT)])
    pltpu.sync_copy(ones, ones_v)
    pltpu.sync_copy(src.at[pl.ds(tid * CH, CH)], idxs)
    pltpu.sync_copy(dst.at[pl.ds(tid * CH, CH)], idxd)
    plsc.subcore_barrier()

    def body(j, carry):
        pltpu.sync_copy(ones_v, d_out.at[idxs.at[j]], add=True)
        pltpu.sync_copy(ones_v, d_in.at[idxd.at[j]], add=True)
        return carry

    lax.fori_loop(0, CH, body, 0)
    plsc.subcore_barrier()
    base = (c * 2) * NPAD
    pltpu.sync_copy(d_out.at[pl.ds(s * RPT, RPT)],
                    out.at[pl.ds(base + s * RPT, RPT)])
    pltpu.sync_copy(d_in.at[pl.ds(s * RPT, RPT)],
                    out.at[pl.ds(base + NPAD + s * RPT, RPT)])


@functools.cache
def _deg_kernel():
    return pl.kernel(
        _deg_body,
        out_type=jax.ShapeDtypeStruct((NC * 2 * NPAD, 16), _f32),
        mesh=_mesh(),
        scratch_types=[
            pltpu.VMEM((CH, K), jnp.int32),
            pltpu.VMEM((CH, K), jnp.int32),
            pltpu.VMEM((K, 16), _f32),
            pltpu.VMEM_SHARED((NPAD, 16), _f32),
            pltpu.VMEM_SHARED((NPAD, 16), _f32),
        ],
    )


def _deg(src3, dst3, zeros16, ones):
    return _deg_kernel()(src3, dst3, zeros16, ones)


def _spmm_body(hw, sd, zeros, out, idx, rows, agg, g0, g1, i0, i1):
    gsem = (g0, g1)
    isem = (i0, i1)
    c = lax.axis_index("c")
    s = lax.axis_index("s")
    base = (c * NS + s) * CH
    pltpu.sync_copy(zeros, agg.at[pl.ds(s * RPT, RPT)])
    plsc.subcore_barrier()

    pltpu.async_copy(sd.at[base + 0], idx.at[0], isem[0])
    pltpu.async_copy(sd.at[base + 1], idx.at[1], isem[1])
    pltpu.make_async_copy(sd.at[base + 0], idx.at[0], isem[0]).wait()
    pltpu.async_copy(hw.at[idx.at[0, 0]], rows.at[0], gsem[0])

    def slot(j, b, b1):
        jn1 = j + 1
        jn2 = j + 2

        @pl.when(jn1 < CH)
        def _():
            pltpu.make_async_copy(sd.at[base + jn1], idx.at[b1],
                                  isem[b1]).wait()
            pltpu.async_copy(hw.at[idx.at[b1, 0]], rows.at[b1], gsem[b1])

        pltpu.make_async_copy(hw.at[idx.at[b, 0]], rows.at[b],
                              gsem[b]).wait()
        pltpu.sync_copy(rows.at[b], agg.at[idx.at[b, 1]], add=True)

        @pl.when(jn2 < CH)
        def _():
            pltpu.async_copy(sd.at[base + jn2], idx.at[b], isem[b])

    def round_body(g, carry):
        slot(2 * g, 0, 1)
        slot(2 * g + 1, 1, 0)
        return carry

    lax.fori_loop(0, CH // 2, round_body, 0)
    plsc.subcore_barrier()
    pltpu.sync_copy(agg.at[pl.ds(s * RPT, RPT)],
                    out.at[pl.ds(c * NPAD + s * RPT, RPT)])


@functools.cache
def _spmm_kernel():
    return pl.kernel(
        _spmm_body,
        out_type=jax.ShapeDtypeStruct((NC * NPAD, D), _f32),
        mesh=_mesh(),
        scratch_types=[
            pltpu.VMEM((2, 2, K), jnp.int32),
            pltpu.VMEM((2, K, D), _f32),
            pltpu.VMEM_SHARED((NPAD, D), _f32),
        ] + [pltpu.SemaphoreType.DMA] * 4,
    )


def _spmm(hw, sd3, zeros):
    return _spmm_kernel()(hw, sd3, zeros)


def _norm_col(a, b):
    d = a[:, 0:1] + b[:, 0:1]
    return jnp.where(d > 0, lax.rsqrt(jnp.maximum(d, 1e-12)), 0.0)


def _mm(x, w):
    return jnp.dot(x, w, preferred_element_type=_f32,
                   precision=lax.Precision.HIGHEST)


def _agg_sum(p0, p1):
    return p0[...] + p1[...]


def _pro1_body(feat, dgo0, dgo1, w, out):
    nsrc = _norm_col(dgo0[...], dgo1[...])
    out[...] = _mm(feat[...] * nsrc, w[...])


def _eppro_body(p0, p1, dgi0, dgi1, dgo0, dgo1, b, w, out):
    ndst = _norm_col(dgi0[...], dgi1[...])
    h = jnp.maximum(_agg_sum(p0, p1) * ndst + b[...][None, :], 0.0)
    nsrc = _norm_col(dgo0[...], dgo1[...])
    out[...] = _mm(h * nsrc, w[...])


def _mid_body(p0, p1, dgi0, dgi1, dgo0, dgo1, b2, wrep, brep, wrec, brec,
              wd1, eps, hw3, kl):
    i = pl.program_id(0)
    ndst = _norm_col(dgi0[...], dgi1[...])
    emb = _agg_sum(p0, p1) * ndst + b2[...][None, :]
    mu = _mm(emb, wrep[...]) + brep[...][None, :]
    expmu = jnp.exp(mu)
    z = mu + eps[...] * jnp.exp(mu * 0.5)
    hz = _mm(z, wrec[...]) + brec[...][None, :]
    nsrc = _norm_col(dgo0[...], dgo1[...])
    hw3[...] = _mm(hz * nsrc, wd1[...])
    rows = i * R + lax.broadcasted_iota(jnp.int32, (R, 1), 0)
    mask = (rows < N).astype(_f32)
    klb = -0.5 * jnp.sum((1.0 + mu - mu * mu - expmu) * mask)

    @pl.when(i == 0)
    def _():
        kl[0, 0] = 0.0

    kl[0, 0] += klb


def _final_body(p0, p1, dgi0, dgi1, b, feat, klin, loss):
    i = pl.program_id(0)
    ndst = _norm_col(dgi0[...], dgi1[...])
    xrec = _agg_sum(p0, p1) * ndst + b[...][None, :]
    diff = xrec - feat[...]
    rows = i * R + lax.broadcasted_iota(jnp.int32, (R, 1), 0)
    mask = (rows < N).astype(_f32)
    s = jnp.sum(diff * diff * mask)

    @pl.when(i == 0)
    def _():
        loss[0, 0] = klin[0, 0]

    loss[0, 0] += s


def _rowblk(nc, dt=_f32):
    return pl.BlockSpec((R, nc), lambda i: (i, 0))


def _degblk(part):
    return pl.BlockSpec((R, 16), lambda i, p=part: (p * NBLK + i, 0))


def _wblk(r, c):
    return pl.BlockSpec((r, c), lambda i: (0, 0))


def _bblk(nc):
    return pl.BlockSpec((nc,), lambda i: (0,))


def _sblk():
    return pl.BlockSpec((1, 1), lambda i: (0, 0), memory_space=pltpu.SMEM)


def _p_specs():
    return [pl.BlockSpec((R, D), lambda i: (i, 0)),
            pl.BlockSpec((R, D), lambda i: (NBLK + i, 0))]


def _hw_shape():
    return jax.ShapeDtypeStruct((NPAD, D), _f32)


def _pro1_call(feat, deg, w):
    return pl.pallas_call(
        _pro1_body,
        grid=(NBLK,),
        in_specs=[_rowblk(D), _degblk(0), _degblk(2), _wblk(D, D)],
        out_specs=_rowblk(D),
        out_shape=_hw_shape(),
    )(feat, deg, deg, w)


def _eppro_call(p, deg, b, w):
    return pl.pallas_call(
        _eppro_body,
        grid=(NBLK,),
        in_specs=_p_specs() + [_degblk(1), _degblk(3), _degblk(0), _degblk(2),
                               _bblk(D), _wblk(D, D)],
        out_specs=_rowblk(D),
        out_shape=_hw_shape(),
    )(p, p, deg, deg, deg, deg, b, w)


def _mid_call(p, deg, b2, wrep, brep, wrec, brec, wd1, eps):
    return pl.pallas_call(
        _mid_body,
        grid=(NBLK,),
        in_specs=_p_specs() + [_degblk(1), _degblk(3), _degblk(0), _degblk(2),
                               _bblk(D), _wblk(D, Z), _bblk(Z), _wblk(Z, D),
                               _bblk(D), _wblk(D, D), _rowblk(Z)],
        out_specs=[_rowblk(D), _sblk()],
        out_shape=[_hw_shape(), jax.ShapeDtypeStruct((1, 1), _f32)],
    )(p, p, deg, deg, deg, deg, b2, wrep, brep, wrec, brec, wd1, eps)


def _final_call(p, deg, b, feat, kl):
    return pl.pallas_call(
        _final_body,
        grid=(NBLK,),
        in_specs=_p_specs() + [_degblk(1), _degblk(3), _bblk(D), _rowblk(D),
                               _sblk()],
        out_specs=_sblk(),
        out_shape=jax.ShapeDtypeStruct((1, 1), _f32),
    )(p, p, deg, deg, b, feat, kl)


def kernel(features, edge_index, enc_W1, enc_b1, enc_W2, enc_b2, W_rep, b_rep,
           W_rec, b_rec, dec_W1, dec_b1, dec_W2, dec_b2):
    src = edge_index[0]
    dst = edge_index[1]
    pad_idx = N + jnp.arange(E_PAD - E, dtype=jnp.int32) % (NPAD - N)
    src3 = jnp.concatenate([src, pad_idx]).reshape(NT * CH, K)
    dst3 = jnp.concatenate([dst, pad_idx]).reshape(NT * CH, K)
    feat = jnp.pad(features, ((0, NPAD - N), (0, 0)))
    eps = jnp.pad(jax.random.normal(jax.random.key(42), (N, Z), _f32),
                  ((0, NPAD - N), (0, 0)))
    sd3 = jnp.stack([src3, dst3], axis=1)
    zeros = jnp.zeros((RPT, D), _f32)
    zeros16 = jnp.zeros((RPT, 16), _f32)
    ones = jnp.ones((K, 16), _f32)

    deg = _deg(src3, dst3, zeros16, ones)
    hw1 = _pro1_call(feat, deg, enc_W1)
    p = _spmm(hw1, sd3, zeros)
    hw2 = _eppro_call(p, deg, enc_b1, enc_W2)
    p = _spmm(hw2, sd3, zeros)
    hw3, kl = _mid_call(p, deg, enc_b2, W_rep, b_rep, W_rec, b_rec, dec_W1, eps)
    p = _spmm(hw3, sd3, zeros)
    hw4 = _eppro_call(p, deg, dec_b1, dec_W2)
    p = _spmm(hw4, sd3, zeros)
    loss = _final_call(p, deg, dec_b2, feat, kl)
    return loss[0, 0]

# --- scband reference (transcript-rebuilt; emitter-appended) ---
"""Pipeline reference for scband-vgae-70085276336807 (READ-ONLY COPY).

The authoritative reference and input builder live on the scoring server;
editing this copy changes nothing except your own understanding.
"""

import jax, jax.numpy as jnp
import numpy as np

N_NODES = 10000
D_FEAT = 128
N_HIDDEN = 128
Z_DIM = 64
N_EDGES = 320000


def graph_conv(h, W, b, src, dst, n_nodes, act):
    # DGL GraphConv with norm='both': D_out^{-1/2} A D_in^{-1/2} (h W) + b
    deg_out = jnp.zeros((n_nodes,), jnp.float32).at[src].add(1.0)
    deg_in = jnp.zeros((n_nodes,), jnp.float32).at[dst].add(1.0)
    norm_src = jnp.where(deg_out > 0, jax.lax.rsqrt(jnp.maximum(deg_out, 1e-12)), 0.0)
    norm_dst = jnp.where(deg_in > 0, jax.lax.rsqrt(jnp.maximum(deg_in, 1e-12)), 0.0)
    h = h * norm_src[:, None]
    h = h @ W
    msg = jnp.take(h, src, axis=0)
    agg = jnp.zeros((n_nodes, h.shape[1]), h.dtype).at[dst].add(msg)
    agg = agg * norm_dst[:, None]
    out = agg + b
    if act:
        out = jax.nn.relu(out)
    return out


def setup_inputs(seed: int = 0) -> dict:
    key = jax.random.key(seed)
    ks = jax.random.split(key, 16)
    features = jax.random.normal(ks[0], (N_NODES, D_FEAT), jnp.float32)
    edge_index = jax.random.randint(ks[1], (2, N_EDGES), 0, N_NODES, jnp.int32)
    s = 0.05
    inp = {
        'features': features,
        'edge_index': edge_index,
        'enc_W1': jax.random.normal(ks[2], (D_FEAT, N_HIDDEN), jnp.float32) * s,
        'enc_b1': jnp.zeros((N_HIDDEN,), jnp.float32),
        'enc_W2': jax.random.normal(ks[3], (N_HIDDEN, N_HIDDEN), jnp.float32) * s,
        'enc_b2': jnp.zeros((N_HIDDEN,), jnp.float32),
        'W_rep': jax.random.normal(ks[4], (N_HIDDEN, Z_DIM), jnp.float32) * s,
        'b_rep': jnp.zeros((Z_DIM,), jnp.float32),
        'W_rec': jax.random.normal(ks[5], (Z_DIM, N_HIDDEN), jnp.float32) * s,
        'b_rec': jnp.zeros((N_HIDDEN,), jnp.float32),
        'dec_W1': jax.random.normal(ks[6], (N_HIDDEN, D_FEAT), jnp.float32) * s,
        'dec_b1': jnp.zeros((D_FEAT,), jnp.float32),
        'dec_W2': jax.random.normal(ks[7], (D_FEAT, D_FEAT), jnp.float32) * s,
        'dec_b2': jnp.zeros((D_FEAT,), jnp.float32),
    }
    return inp


def reference(features, edge_index, enc_W1, enc_b1, enc_W2, enc_b2, W_rep, b_rep, W_rec, b_rec, dec_W1, dec_b1, dec_W2, dec_b2):
    src = edge_index[0]
    dst = edge_index[1]
    # Encoder GCN: n_layers=1 -> [GraphConv(in,hid,act), GraphConv(hid,hid)] (dropout=0.0 -> identity)
    h = graph_conv(features, enc_W1, enc_b1, src, dst, N_NODES, True)
    emb = graph_conv(h, enc_W2, enc_b2, src, dst, N_NODES, False)
    # mu and log_var are the SAME tensor in the original code (linear_rep applied twice)
    mu = emb @ W_rep + b_rep
    log_var = mu
    # reparameterize (fixed key for determinism; torch uses randn_like)
    eps = jax.random.normal(jax.random.key(42), mu.shape, mu.dtype)
    z = mu + eps * jnp.exp(log_var / 2.0)
    hz = z @ W_rec + b_rec
    # Decoder GCN: n_hidden -> in_feats -> in_feats
    h2 = graph_conv(hz, dec_W1, dec_b1, src, dst, N_NODES, True)
    x_reconst = graph_conv(h2, dec_W2, dec_b2, src, dst, N_NODES, False)
    reconst_loss = jnp.sum((x_reconst - features) ** 2)
    kl_div = -0.5 * jnp.sum(1.0 + log_var - mu ** 2 - jnp.exp(log_var))
    return reconst_loss + kl_div

if __name__ == "__main__":
    import jax
    _d = setup_inputs()
    print(jax.jit(kernel)(*tuple(_d.values())))

</pallas_src>

<mosaic_0001>
#map = affine_map<(d0, d1) -> (0, 0)>
#map1 = affine_map<(d0, d1) -> (0, 0, 0)>
module attributes {stable_mosaic.version = 14 : i64} {
  func.func @_spmm_body(%arg0: i32, %arg1: i32, %arg2: memref<10240x128xf32, #tpu.memory_space<hbm>>, %arg3: memref<2560x2x128xi32, #tpu.memory_space<hbm>>, %arg4: memref<640x128xf32, #tpu.memory_space<hbm>>, %arg5: memref<20480x128xf32, #tpu.memory_space<hbm>>, %arg6: memref<2x2x128xi32, #tpu.memory_space<vmem>>, %arg7: memref<2x128x128xf32, #tpu.memory_space<vmem>>, %arg8: memref<10240x128xf32, #tpu.memory_space<vmem_shared>>, %arg9: memref<!tpu.dma_semaphore, #tpu.memory_space<semaphore_mem>>, %arg10: memref<!tpu.dma_semaphore, #tpu.memory_space<semaphore_mem>>, %arg11: memref<!tpu.dma_semaphore, #tpu.memory_space<semaphore_mem>>, %arg12: memref<!tpu.dma_semaphore, #tpu.memory_space<semaphore_mem>>) attributes {dimension_semantics = [#tpu.dimension_semantics<core_parallel>, #tpu.dimension_semantics<subcore_parallel>], iteration_bounds = array<i64: 2, 16>, scalar_prefetch = 0 : i64, scratch_operands = 7 : i64, tpu.core_type = #tpu.core_type<sc_vector_subcore>, window_params = [{transform_indices = #map}, {transform_indices = #map1}, {transform_indices = #map}, {transform_indices = #map}]} {
    %mul3A = arith.constant 16 : i32
    %mul3A_0 = arith.muli %arg0, %mul3A : i32
    %add3A = arith.addi %mul3A_0, %arg1 : i32
    %mul3A_1 = arith.constant 80 : i32
    %mul3A_2 = arith.muli %add3A, %mul3A_1 : i32
    %mul3A_3 = arith.constant 640 : i32
    %mul3A_4 = arith.muli %arg1, %mul3A_3 : i32
    "tpu.region"() ({
      %run_scoped3A = tpu.sem_alloc : memref<!tpu.dma_semaphore, #tpu.memory_space<semaphore_mem>>
      %dma_start3A_86 = arith.constant 0 : i32
      %dma_start3A_87 = tpu.memref_slice %arg8[%mul3A_4, %dma_start3A_86] : memref<10240x128xf32, #tpu.memory_space<vmem_shared>> -> memref<640x128xf32, #tpu.memory_space<vmem_shared>>
      tpu.enqueue_dma source(%arg4 : memref<640x128xf32, #tpu.memory_space<hbm>>) target(%dma_start3A_87 : memref<640x128xf32, #tpu.memory_space<vmem_shared>>) target_semaphore(%run_scoped3A : memref<!tpu.dma_semaphore, #tpu.memory_space<semaphore_mem>>)
      %dma_wait3A_88 = arith.constant 0 : i32
      %dma_wait3A_89 = tpu.memref_slice %arg8[%mul3A_4, %dma_wait3A_88] : memref<10240x128xf32, #tpu.memory_space<vmem_shared>> -> memref<640x128xf32, #tpu.memory_space<vmem_shared>>
      tpu.wait_dma2 semaphore(%run_scoped3A : memref<!tpu.dma_semaphore, #tpu.memory_space<semaphore_mem>>) src(%arg4 : memref<640x128xf32, #tpu.memory_space<hbm>>) dst(%dma_wait3A_89 : memref<640x128xf32, #tpu.memory_space<vmem_shared>>)
      tpu.yield
    }) : () -> ()
    %barrier3A = arith.constant 0 : index
    tpu.barrier barrier_id(%barrier3A)
    %add3A_5 = arith.constant 0 : i32
    %add3A_6 = arith.addi %mul3A_2, %add3A_5 : i32
    %dma_start3A = arith.constant 0 : i32
    %dma_start3A_7 = arith.constant 0 : i32
    %dma_start3A_8 = arith.constant 0 : i32
    %dma_start3A_9 = tpu.memref_slice %arg6[%dma_start3A, %dma_start3A_7, %dma_start3A_8] : memref<2x2x128xi32, #tpu.memory_space<vmem>> -> memref<1x2x128xi32, #tpu.memory_space<vmem>>
    %dma_start3A_10 = tpu.memref_squeeze %dma_start3A_9 : memref<1x2x128xi32, #tpu.memory_space<vmem>> -> memref<2x128xi32, #tpu.memory_space<vmem>>
    %dma_start3A_11 = arith.constant 0 : i32
    %dma_start3A_12 = arith.constant 0 : i32
    %dma_start3A_13 = tpu.memref_slice %arg3[%add3A_6, %dma_start3A_11, %dma_start3A_12] : memref<2560x2x128xi32, #tpu.memory_space<hbm>> -> memref<1x2x128xi32, #tpu.memory_space<hbm>>
    %dma_start3A_14 = tpu.memref_squeeze %dma_start3A_13 : memref<1x2x128xi32, #tpu.memory_space<hbm>> -> memref<2x128xi32, #tpu.memory_space<hbm>>
    %dma_start3A_15 = arith.constant 0 : i32
    %dma_start3A_16 = arith.constant 0 : i32
    %dma_start3A_17 = tpu.memref_slice %arg6[%dma_start3A, %dma_start3A_15, %dma_start3A_16] : memref<2x2x128xi32, #tpu.memory_space<vmem>> -> memref<1x2x128xi32, #tpu.memory_space<vmem>>
    %dma_start3A_18 = tpu.memref_squeeze %dma_start3A_17 : memref<1x2x128xi32, #tpu.memory_space<vmem>> -> memref<2x128xi32, #tpu.memory_space<vmem>>
    %dma_start3A_19 = arith.constant 0 : i32
    %dma_start3A_20 = arith.constant 0 : i32
    %dma_start3A_21 = tpu.memref_slice %arg3[%add3A_6, %dma_start3A_19, %dma_start3A_20] : memref<2560x2x128xi32, #tpu.memory_space<hbm>> -> memref<1x2x128xi32, #tpu.memory_space<hbm>>
    %dma_start3A_22 = tpu.memref_squeeze %dma_start3A_21 : memref<1x2x128xi32, #tpu.memory_space<hbm>> -> memref<2x128xi32, #tpu.memory_space<hbm>>
    tpu.enqueue_dma source(%dma_start3A_22 : memref<2x128xi32, #tpu.memory_space<hbm>>) target(%dma_start3A_18 : memref<2x128xi32, #tpu.memory_space<vmem>>) target_semaphore(%arg11 : memref<!tpu.dma_semaphore, #tpu.memory_space<semaphore_mem>>)
    %add3A_23 = arith.constant 1 : i32
    %add3A_24 = arith.addi %mul3A_2, %add3A_23 : i32
    %dma_start3A_25 = arith.constant 1 : i32
    %dma_start3A_26 = arith.constant 0 : i32
    %dma_start3A_27 = arith.constant 0 : i32
    %dma_start3A_28 = tpu.memref_slice %arg6[%dma_start3A_25, %dma_start3A_26, %dma_start3A_27] : memref<2x2x128xi32, #tpu.memory_space<vmem>> -> memref<1x2x128xi32, #tpu.memory_space<vmem>>
    %dma_start3A_29 = tpu.memref_squeeze %dma_start3A_28 : memref<1x2x128xi32, #tpu.memory_space<vmem>> -> memref<2x128xi32, #tpu.memory_space<vmem>>
    %dma_start3A_30 = arith.constant 0 : i32
    %dma_start3A_31 = arith.constant 0 : i32
    %dma_start3A_32 = tpu.memref_slice %arg3[%add3A_24, %dma_start3A_30, %dma_start3A_31] : memref<2560x2x128xi32, #tpu.memory_space<hbm>> -> memref<1x2x128xi32, #tpu.memory_space<hbm>>
    %dma_start3A_33 = tpu.memref_squeeze %dma_start3A_32 : memref<1x2x128xi32, #tpu.memory_space<hbm>> -> memref<2x128xi32, #tpu.memory_space<hbm>>
    %dma_start3A_34 = arith.constant 0 : i32
    %dma_start3A_35 = arith.constant 0 : i32
    %dma_start3A_36 = tpu.memref_slice %arg6[%dma_start3A_25, %dma_start3A_34, %dma_start3A_35] : memref<2x2x128xi32, #tpu.memory_space<vmem>> -> memref<1x2x128xi32, #tpu.memory_space<vmem>>
    %dma_start3A_37 = tpu.memref_squeeze %dma_start3A_36 : memref<1x2x128xi32, #tpu.memory_space<vmem>> -> memref<2x128xi32, #tpu.memory_space<vmem>>
    %dma_start3A_38 = arith.constant 0 : i32
    %dma_start3A_39 = arith.constant 0 : i32
    %dma_start3A_40 = tpu.memref_slice %arg3[%add3A_24, %dma_start3A_38, %dma_start3A_39] : memref<2560x2x128xi32, #tpu.memory_space<hbm>> -> memref<1x2x128xi32, #tpu.memory_space<hbm>>
    %dma_start3A_41 = tpu.memref_squeeze %dma_start3A_40 : memref<1x2x128xi32, #tpu.memory_space<hbm>> -> memref<2x128xi32, #tpu.memory_space<hbm>>
    tpu.enqueue_dma source(%dma_start3A_41 : memref<2x128xi32, #tpu.memory_space<hbm>>) target(%dma_start3A_37 : memref<2x128xi32, #tpu.memory_space<vmem>>) target_semaphore(%arg12 : memref<!tpu.dma_semaphore, #tpu.memory_space<semaphore_mem>>)
    %add3A_42 = arith.constant 0 : i32
    %add3A_43 = arith.addi %mul3A_2, %add3A_42 : i32
    %dma_wait3A = arith.constant 0 : i32
    %dma_wait3A_44 = arith.constant 0 : i32
    %dma_wait3A_45 = arith.constant 0 : i32
    %dma_wait3A_46 = tpu.memref_slice %arg6[%dma_wait3A, %dma_wait3A_44, %dma_wait3A_45] : memref<2x2x128xi32, #tpu.memory_space<vmem>> -> memref<1x2x128xi32, #tpu.memory_space<vmem>>
    %dma_wait3A_47 = tpu.memref_squeeze %dma_wait3A_46 : memref<1x2x128xi32, #tpu.memory_space<vmem>> -> memref<2x128xi32, #tpu.memory_space<vmem>>
    %dma_wait3A_48 = arith.constant 0 : i32
    %dma_wait3A_49 = arith.constant 0 : i32
    %dma_wait3A_50 = tpu.memref_slice %arg3[%add3A_43, %dma_wait3A_48, %dma_wait3A_49] : memref<2560x2x128xi32, #tpu.memory_space<hbm>> -> memref<1x2x128xi32, #tpu.memory_space<hbm>>
    %dma_wait3A_51 = tpu.memref_squeeze %dma_wait3A_50 : memref<1x2x128xi32, #tpu.memory_space<hbm>> -> memref<2x128xi32, #tpu.memory_space<hbm>>
    %dma_wait3A_52 = arith.constant 0 : i32
    %dma_wait3A_53 = arith.constant 0 : i32
    %dma_wait3A_54 = tpu.memref_slice %arg6[%dma_wait3A, %dma_wait3A_52, %dma_wait3A_53] : memref<2x2x128xi32, #tpu.memory_space<vmem>> -> memref<1x2x128xi32, #tpu.memory_space<vmem>>
    %dma_wait3A_55 = tpu.memref_squeeze %dma_wait3A_54 : memref<1x2x128xi32, #tpu.memory_space<vmem>> -> memref<2x128xi32, #tpu.memory_space<vmem>>
    %dma_wait3A_56 = arith.constant 0 : i32
    %dma_wait3A_57 = arith.constant 0 : i32
    %dma_wait3A_58 = tpu.memref_slice %arg3[%add3A_43, %dma_wait3A_56, %dma_wait3A_57] : memref<2560x2x128xi32, #tpu.memory_space<hbm>> -> memref<1x2x128xi32, #tpu.memory_space<hbm>>
    %dma_wait3A_59 = tpu.memref_squeeze %dma_wait3A_58 : memref<1x2x128xi32, #tpu.memory_space<hbm>> -> memref<2x128xi32, #tpu.memory_space<hbm>>
    tpu.wait_dma2 semaphore(%arg11 : memref<!tpu.dma_semaphore, #tpu.memory_space<semaphore_mem>>) src(%dma_wait3A_59 : memref<2x128xi32, #tpu.memory_space<hbm>>) dst(%dma_wait3A_55 : memref<2x128xi32, #tpu.memory_space<vmem>>)
    %dma_start3A_60 = arith.constant 0 : i32
    %dma_start3A_61 = arith.constant 0 : i32
    %dma_start3A_62 = arith.constant 0 : i32
    %dma_start3A_63 = arith.constant 0 : i32
    %dma_start3A_64 = arith.constant 0 : i32
    %dma_start3A_65 = tpu.memref_slice %arg7[%dma_start3A_62, %dma_start3A_63, %dma_start3A_64] : memref<2x128x128xf32, #tpu.memory_space<vmem>> -> memref<1x128x128xf32, #tpu.memory_space<vmem>>
    %dma_start3A_66 = tpu.memref_squeeze %dma_start3A_65 : memref<1x128x128xf32, #tpu.memory_space<vmem>> -> memref<128x128xf32, #tpu.memory_space<vmem>>
    %dma_start3A_67 = arith.constant 0 : i32
    %dma_start3A_68 = tpu.memref_slice %arg6[%dma_start3A_60, %dma_start3A_61, %dma_start3A_67] : memref<2x2x128xi32, #tpu.memory_space<vmem>> -> memref<1x1x128xi32, #tpu.memory_space<vmem>>
    %dma_start3A_69 = tpu.memref_squeeze %dma_start3A_68 : memref<1x1x128xi32, #tpu.memory_space<vmem>> -> memref<128xi32, #tpu.memory_space<vmem>>
    %dma_start3A_70 = arith.constant 0 : i32
    %dma_start3A_71 = arith.constant 0 : i32
    %dma_start3A_72 = tpu.memref_slice %arg2[%dma_start3A_70, %dma_start3A_71] : memref<10240x128xf32, #tpu.memory_space<hbm>> -> memref<10240x128xf32, #tpu.memory_space<hbm>>
    tpu.enqueue_indirect_dma source(%dma_start3A_72 : memref<10240x128xf32, #tpu.memory_space<hbm>>) target(%dma_start3A_66 : memref<128x128xf32, #tpu.memory_space<vmem>>) offsets(%dma_start3A_69 : memref<128xi32, #tpu.memory_space<vmem>>) semaphore(%arg9 : memref<!tpu.dma_semaphore, #tpu.memory_space<semaphore_mem>>)
    %scan3A = arith.constant 0 : i32
    %scan3A_73 = arith.constant 0 : i32
    %scan3A_74 = arith.constant 40 : i32
    %scan3A_75 = arith.addi %scan3A_73, %scan3A_74 : i32
    %scan3A_76 = arith.constant 1 : i32
    scf.for %scan3A_86 = %scan3A_73 to %scan3A_75 step %scan3A_76  : i32 {
      %mul3A_87 = arith.constant 2 : i32
      %mul3A_88 = arith.muli %mul3A_87, %scan3A_86 : i32
      %add3A_89 = arith.constant 1 : i32
      %add3A_90 = arith.addi %mul3A_88, %add3A_89 : i32
      %add3A_91 = arith.constant 2 : i32
      %add3A_92 = arith.addi %mul3A_88, %add3A_91 : i32
      %lt3A = arith.constant 80 : i32
      %lt3A_93 = arith.cmpi slt, %add3A_90, %lt3A : i32
      %convert_element_type3A = arith.extui %lt3A_93 : i1 to i32
      %cond3A = arith.constant 0 : i32
      %cond3A_94 = arith.cmpi ne, %convert_element_type3A, %cond3A : i32
      scf.if %cond3A_94 {
        %add3A_149 = arith.addi %mul3A_2, %add3A_90 : i32
        %dma_wait3A_150 = arith.constant 1 : i32
        %dma_wait3A_151 = arith.constant 0 : i32
        %dma_wait3A_152 = arith.constant 0 : i32
        %dma_wait3A_153 = tpu.memref_slice %arg6[%dma_wait3A_150, %dma_wait3A_151, %dma_wait3A_152] : memref<2x2x128xi32, #tpu.memory_space<vmem>> -> memref<1x2x128xi32, #tpu.memory_space<vmem>>
        %dma_wait3A_154 = tpu.memref_squeeze %dma_wait3A_153 : memref<1x2x128xi32, #tpu.memory_space<vmem>> -> memref<2x128xi32, #tpu.memory_space<vmem>>
        %dma_wait3A_155 = arith.constant 0 : i32
        %dma_wait3A_156 = arith.constant 0 : i32
        %dma_wait3A_157 = tpu.memref_slice %arg3[%add3A_149, %dma_wait3A_155, %dma_wait3A_156] : memref<2560x2x128xi32, #tpu.memory_space<hbm>> -> memref<1x2x128xi32, #tpu.memory_space<hbm>>
        %dma_wait3A_158 = tpu.memref_squeeze %dma_wait3A_157 : memref<1x2x128xi32, #tpu.memory_space<hbm>> -> memref<2x128xi32, #tpu.memory_space<hbm>>
        %dma_wait3A_159 = arith.constant 0 : i32
        %dma_wait3A_160 = arith.constant 0 : i32
        %dma_wait3A_161 = tpu.memref_slice %arg6[%dma_wait3A_150, %dma_wait3A_159, %dma_wait3A_160] : memref<2x2x128xi32, #tpu.memory_space<vmem>> -> memref<1x2x128xi32, #tpu.memory_space<vmem>>
        %dma_wait3A_162 = tpu.memref_squeeze %dma_wait3A_161 : memref<1x2x128xi32, #tpu.memory_space<vmem>> -> memref<2x128xi32, #tpu.memory_space<vmem>>
        %dma_wait3A_163 = arith.constant 0 : i32
        %dma_wait3A_164 = arith.constant 0 : i32
        %dma_wait3A_165 = tpu.memref_slice %arg3[%add3A_149, %dma_wait3A_163, %dma_wait3A_164] : memref<2560x2x128xi32, #tpu.memory_space<hbm>> -> memref<1x2x128xi32, #tpu.memory_space<hbm>>
        %dma_wait3A_166 = tpu.memref_squeeze %dma_wait3A_165 : memref<1x2x128xi32, #tpu.memory_space<hbm>> -> memref<2x128xi32, #tpu.memory_space<hbm>>
        tpu.wait_dma2 semaphore(%arg12 : memref<!tpu.dma_semaphore, #tpu.memory_space<semaphore_mem>>) src(%dma_wait3A_166 : memref<2x128xi32, #tpu.memory_space<hbm>>) dst(%dma_wait3A_162 : memref<2x128xi32, #tpu.memory_space<vmem>>)
        %dma_start3A_167 = arith.constant 1 : i32
        %dma_start3A_168 = arith.constant 0 : i32
        %dma_start3A_169 = arith.constant 1 : i32
        %dma_start3A_170 = arith.constant 0 : i32
        %dma_start3A_171 = arith.constant 0 : i32
        %dma_start3A_172 = tpu.memref_slice %arg7[%dma_start3A_169, %dma_start3A_170, %dma_start3A_171] : memref<2x128x128xf32, #tpu.memory_space<vmem>> -> memref<1x128x128xf32, #tpu.memory_space<vmem>>
        %dma_start3A_173 = tpu.memref_squeeze %dma_start3A_172 : memref<1x128x128xf32, #tpu.memory_space<vmem>> -> memref<128x128xf32, #tpu.memory_space<vmem>>
        %dma_start3A_174 = arith.constant 0 : i32
        %dma_start3A_175 = tpu.memref_slice %arg6[%dma_start3A_167, %dma_start3A_168, %dma_start3A_174] : memref<2x2x128xi32, #tpu.memory_space<vmem>> -> memref<1x1x128xi32, #tpu.memory_space<vmem>>
        %dma_start3A_176 = tpu.memref_squeeze %dma_start3A_175 : memref<1x1x128xi32, #tpu.memory_space<vmem>> -> memref<128xi32, #tpu.memory_space<vmem>>
        %dma_start3A_177 = arith.constant 0 : i32
        %dma_start3A_178 = arith.constant 0 : i32
        %dma_start3A_179 = tpu.memref_slice %arg2[%dma_start3A_177, %dma_start3A_178] : memref<10240x128xf32, #tpu.memory_space<hbm>> -> memref<10240x128xf32, #tpu.memory_space<hbm>>
        tpu.enqueue_indirect_dma source(%dma_start3A_179 : memref<10240x128xf32, #tpu.memory_space<hbm>>) target(%dma_start3A_173 : memref<128x128xf32, #tpu.memory_space<vmem>>) offsets(%dma_start3A_176 : memref<128xi32, #tpu.memory_space<vmem>>) semaphore(%arg10 : memref<!tpu.dma_semaphore, #tpu.memory_space<semaphore_mem>>)
      } else {
      }
      %dma_wait3A_95 = arith.constant 0 : i32
      %dma_wait3A_96 = arith.constant 0 : i32
      %dma_wait3A_97 = arith.constant 0 : i32
      %dma_wait3A_98 = arith.constant 0 : i32
      %dma_wait3A_99 = arith.constant 0 : i32
      %dma_wait3A_100 = tpu.memref_slice %arg7[%dma_wait3A_97, %dma_wait3A_98, %dma_wait3A_99] : memref<2x128x128xf32, #tpu.memory_space<vmem>> -> memref<1x128x128xf32, #tpu.memory_space<vmem>>
      %dma_wait3A_101 = tpu.memref_squeeze %dma_wait3A_100 : memref<1x128x128xf32, #tpu.memory_space<vmem>> -> memref<128x128xf32, #tpu.memory_space<vmem>>
      %dma_wait3A_102 = arith.constant 0 : i32
      %dma_wait3A_103 = tpu.memref_slice %arg6[%dma_wait3A_95, %dma_wait3A_96, %dma_wait3A_102] : memref<2x2x128xi32, #tpu.memory_space<vmem>> -> memref<1x1x128xi32, #tpu.memory_space<vmem>>
      %dma_wait3A_104 = tpu.memref_squeeze %dma_wait3A_103 : memref<1x1x128xi32, #tpu.memory_space<vmem>> -> memref<128xi32, #tpu.memory_space<vmem>>
      %dma_wait3A_105 = arith.constant 0 : i32
      %dma_wait3A_106 = arith.constant 0 : i32
      %dma_wait3A_107 = tpu.memref_slice %arg2[%dma_wait3A_105, %dma_wait3A_106] : memref<10240x128xf32, #tpu.memory_space<hbm>> -> memref<10240x128xf32, #tpu.memory_space<hbm>>
      tpu.wait_indirect_dma semaphore(%arg9 : memref<!tpu.dma_semaphore, #tpu.memory_space<semaphore_mem>>) src(%dma_wait3A_107 : memref<10240x128xf32, #tpu.memory_space<hbm>>) dst(%dma_wait3A_101 : memref<128x128xf32, #tpu.memory_space<vmem>>)
      %run_scoped3A = arith.constant 0 : i32
      %run_scoped3A_108 = arith.constant 0 : i32
      %run_scoped3A_109 = arith.constant 1 : i32
      "tpu.region"() ({
        %run_scoped3A_149 = tpu.sem_alloc : memref<!tpu.dma_semaphore, #tpu.memory_space<semaphore_mem>>
        %dma_start3A_150 = arith.constant 0 : i32
        %dma_start3A_151 = arith.constant 0 : i32
        %dma_start3A_152 = tpu.memref_slice %arg7[%run_scoped3A, %dma_start3A_150, %dma_start3A_151] : memref<2x128x128xf32, #tpu.memory_space<vmem>> -> memref<1x128x128xf32, #tpu.memory_space<vmem>>
        %dma_start3A_153 = tpu.memref_squeeze %dma_start3A_152 : memref<1x128x128xf32, #tpu.memory_space<vmem>> -> memref<128x128xf32, #tpu.memory_space<vmem>>
        %dma_start3A_154 = arith.constant 0 : i32
        %dma_start3A_155 = tpu.memref_slice %arg6[%run_scoped3A_108, %run_scoped3A_109, %dma_start3A_154] : memref<2x2x128xi32, #tpu.memory_space<vmem>> -> memref<1x1x128xi32, #tpu.memory_space<vmem>>
        %dma_start3A_156 = tpu.memref_squeeze %dma_start3A_155 : memref<1x1x128xi32, #tpu.memory_space<vmem>> -> memref<128xi32, #tpu.memory_space<vmem>>
        %dma_start3A_157 = arith.constant 0 : i32
        %dma_start3A_158 = arith.constant 0 : i32
        %dma_start3A_159 = tpu.memref_slice %arg8[%dma_start3A_157, %dma_start3A_158] : memref<10240x128xf32, #tpu.memory_space<vmem_shared>> -> memref<10240x128xf32, #tpu.memory_space<vmem_shared>>
        tpu.enqueue_indirect_dma source(%dma_start3A_153 : memref<128x128xf32, #tpu.memory_space<vmem>>) target(%dma_start3A_159 : memref<10240x128xf32, #tpu.memory_space<vmem_shared>>) offsets(%dma_start3A_156 : memref<128xi32, #tpu.memory_space<vmem>>) semaphore(%run_scoped3A_149 : memref<!tpu.dma_semaphore, #tpu.memory_space<semaphore_mem>>) {add = true}
        %dma_wait3A_160 = arith.constant 0 : i32
        %dma_wait3A_161 = arith.constant 0 : i32
        %dma_wait3A_162 = tpu.memref_slice %arg7[%run_scoped3A, %dma_wait3A_160, %dma_wait3A_161] : memref<2x128x128xf32, #tpu.memory_space<vmem>> -> memref<1x128x128xf32, #tpu.memory_space<vmem>>
        %dma_wait3A_163 = tpu.memref_squeeze %dma_wait3A_162 : memref<1x128x128xf32, #tpu.memory_space<vmem>> -> memref<128x128xf32, #tpu.memory_space<vmem>>
        %dma_wait3A_164 = arith.constant 0 : i32
        %dma_wait3A_165 = tpu.memref_slice %arg6[%run_scoped3A_108, %run_scoped3A_109, %dma_wait3A_164] : memref<2x2x128xi32, #tpu.memory_space<vmem>> -> memref<1x1x128xi32, #tpu.memory_space<vmem>>
        %dma_wait3A_166 = tpu.memref_squeeze %dma_wait3A_165 : memref<1x1x128xi32, #tpu.memory_space<vmem>> -> memref<128xi32, #tpu.memory_space<vmem>>
        %dma_wait3A_167 = arith.constant 0 : i32
        %dma_wait3A_168 = arith.constant 0 : i32
        %dma_wait3A_169 = tpu.memref_slice %arg8[%dma_wait3A_167, %dma_wait3A_168] : memref<10240x128xf32, #tpu.memory_space<vmem_shared>> -> memref<10240x128xf32, #tpu.memory_space<vmem_shared>>
        tpu.wait_indirect_dma semaphore(%run_scoped3A_149 : memref<!tpu.dma_semaphore, #tpu.memory_space<semaphore_mem>>) src(%dma_wait3A_163 : memref<128x128xf32, #tpu.memory_space<vmem>>) dst(%dma_wait3A_169 : memref<10240x128xf32, #tpu.memory_space<vmem_shared>>)
        tpu.yield
      }) : () -> ()
      %lt3A_110 = arith.constant 80 : i32
      %lt3A_111 = arith.cmpi slt, %add3A_92, %lt3A_110 : i32
      %convert_element_type3A_112 = arith.extui %lt3A_111 : i1 to i32
      %cond3A_113 = arith.constant 0 : i32
      %cond3A_114 = arith.cmpi ne, %convert_element_type3A_112, %cond3A_113 : i32
      scf.if %cond3A_114 {
        %add3A_149 = arith.addi %mul3A_2, %add3A_92 : i32
        %dma_start3A_150 = arith.constant 0 : i32
        %dma_start3A_151 = arith.constant 0 : i32
        %dma_start3A_152 = arith.constant 0 : i32
        %dma_start3A_153 = tpu.memref_slice %arg6[%dma_start3A_150, %dma_start3A_151, %dma_start3A_152] : memref<2x2x128xi32, #tpu.memory_space<vmem>> -> memref<1x2x128xi32, #tpu.memory_space<vmem>>
        %dma_start3A_154 = tpu.memref_squeeze %dma_start3A_153 : memref<1x2x128xi32, #tpu.memory_space<vmem>> -> memref<2x128xi32, #tpu.memory_space<vmem>>
        %dma_start3A_155 = arith.constant 0 : i32
        %dma_start3A_156 = arith.constant 0 : i32
        %dma_start3A_157 = tpu.memref_slice %arg3[%add3A_149, %dma_start3A_155, %dma_start3A_156] : memref<2560x2x128xi32, #tpu.memory_space<hbm>> -> memref<1x2x128xi32, #tpu.memory_space<hbm>>
        %dma_start3A_158 = tpu.memref_squeeze %dma_start3A_157 : memref<1x2x128xi32, #tpu.memory_space<hbm>> -> memref<2x128xi32, #tpu.memory_space<hbm>>
        %dma_start3A_159 = arith.constant 0 : i32
        %dma_start3A_160 = arith.constant 0 : i32
        %dma_start3A_161 = tpu.memref_slice %arg6[%dma_start3A_150, %dma_start3A_159, %dma_start3A_160] : memref<2x2x128xi32, #tpu.memory_space<vmem>> -> memref<1x2x128xi32, #tpu.memory_space<vmem>>
        %dma_start3A_162 = tpu.memref_squeeze %dma_start3A_161 : memref<1x2x128xi32, #tpu.memory_space<vmem>> -> memref<2x128xi32, #tpu.memory_space<vmem>>
        %dma_start3A_163 = arith.constant 0 : i32
        %dma_start3A_164 = arith.constant 0 : i32
        %dma_start3A_165 = tpu.memref_slice %arg3[%add3A_149, %dma_start3A_163, %dma_start3A_164] : memref<2560x2x128xi32, #tpu.memory_space<hbm>> -> memref<1x2x128xi32, #tpu.memory_space<hbm>>
        %dma_start3A_166 = tpu.memref_squeeze %dma_start3A_165 : memref<1x2x128xi32, #tpu.memory_space<hbm>> -> memref<2x128xi32, #tpu.memory_space<hbm>>
        tpu.enqueue_dma source(%dma_start3A_166 : memref<2x128xi32, #tpu.memory_space<hbm>>) target(%dma_start3A_162 : memref<2x128xi32, #tpu.memory_space<vmem>>) target_semaphore(%arg11 : memref<!tpu.dma_semaphore, #tpu.memory_space<semaphore_mem>>)
      } else {
      }
      %mul3A_115 = arith.constant 2 : i32
      %mul3A_116 = arith.muli %mul3A_115, %scan3A_86 : i32
      %add3A_117 = arith.constant 1 : i32
      %add3A_118 = arith.addi %mul3A_116, %add3A_117 : i32
      %add3A_119 = arith.constant 1 : i32
      %add3A_120 = arith.addi %add3A_118, %add3A_119 : i32
      %add3A_121 = arith.constant 2 : i32
      %add3A_122 = arith.addi %add3A_118, %add3A_121 : i32
      %lt3A_123 = arith.constant 80 : i32
      %lt3A_124 = arith.cmpi slt, %add3A_120, %lt3A_123 : i32
      %convert_element_type3A_125 = arith.extui %lt3A_124 : i1 to i32
      %cond3A_126 = arith.constant 0 : i32
      %cond3A_127 = arith.cmpi ne, %convert_element_type3A_125, %cond3A_126 : i32
      scf.if %cond3A_127 {
        %add3A_149 = arith.addi %mul3A_2, %add3A_120 : i32
        %dma_wait3A_150 = arith.constant 0 : i32
        %dma_wait3A_151 = arith.constant 0 : i32
        %dma_wait3A_152 = arith.constant 0 : i32
        %dma_wait3A_153 = tpu.memref_slice %arg6[%dma_wait3A_150, %dma_wait3A_151, %dma_wait3A_152] : memref<2x2x128xi32, #tpu.memory_space<vmem>> -> memref<1x2x128xi32, #tpu.memory_space<vmem>>
        %dma_wait3A_154 = tpu.memref_squeeze %dma_wait3A_153 : memref<1x2x128xi32, #tpu.memory_space<vmem>> -> memref<2x128xi32, #tpu.memory_space<vmem>>
        %dma_wait3A_155 = arith.constant 0 : i32
        %dma_wait3A_156 = arith.constant 0 : i32
        %dma_wait3A_157 = tpu.memref_slice %arg3[%add3A_149, %dma_wait3A_155, %dma_wait3A_156] : memref<2560x2x128xi32, #tpu.memory_space<hbm>> -> memref<1x2x128xi32, #tpu.memory_space<hbm>>
        %dma_wait3A_158 = tpu.memref_squeeze %dma_wait3A_157 : memref<1x2x128xi32, #tpu.memory_space<hbm>> -> memref<2x128xi32, #tpu.memory_space<hbm>>
        %dma_wait3A_159 = arith.constant 0 : i32
        %dma_wait3A_160 = arith.constant 0 : i32
        %dma_wait3A_161 = tpu.memref_slice %arg6[%dma_wait3A_150, %dma_wait3A_159, %dma_wait3A_160] : memref<2x2x128xi32, #tpu.memory_space<vmem>> -> memref<1x2x128xi32, #tpu.memory_space<vmem>>
        %dma_wait3A_162 = tpu.memref_squeeze %dma_wait3A_161 : memref<1x2x128xi32, #tpu.memory_space<vmem>> -> memref<2x128xi32, #tpu.memory_space<vmem>>
        %dma_wait3A_163 = arith.constant 0 : i32
        %dma_wait3A_164 = arith.constant 0 : i32
        %dma_wait3A_165 = tpu.memref_slice %arg3[%add3A_149, %dma_wait3A_163, %dma_wait3A_164] : memref<2560x2x128xi32, #tpu.memory_space<hbm>> -> memref<1x2x128xi32, #tpu.memory_space<hbm>>
        %dma_wait3A_166 = tpu.memref_squeeze %dma_wait3A_165 : memref<1x2x128xi32, #tpu.memory_space<hbm>> -> memref<2x128xi32, #tpu.memory_space<hbm>>
        tpu.wait_dma2 semaphore(%arg11 : memref<!tpu.dma_semaphore, #tpu.memory_space<semaphore_mem>>) src(%dma_wait3A_166 : memref<2x128xi32, #tpu.memory_space<hbm>>) dst(%dma_wait3A_162 : memref<2x128xi32, #tpu.memory_space<vmem>>)
        %dma_start3A_167 = arith.constant 0 : i32
        %dma_start3A_168 = arith.constant 0 : i32
        %dma_start3A_169 = arith.constant 0 : i32
        %dma_start3A_170 = arith.constant 0 : i32
        %dma_start3A_171 = arith.constant 0 : i32
        %dma_start3A_172 = tpu.memref_slice %arg7[%dma_start3A_169, %dma_start3A_170, %dma_start3A_171] : memref<2x128x128xf32, #tpu.memory_space<vmem>> -> memref<1x128x128xf32, #tpu.memory_space<vmem>>
        %dma_start3A_173 = tpu.memref_squeeze %dma_start3A_172 : memref<1x128x128xf32, #tpu.memory_space<vmem>> -> memref<128x128xf32, #tpu.memory_space<vmem>>
        %dma_start3A_174 = arith.constant 0 : i32
        %dma_start3A_175 = tpu.memref_slice %arg6[%dma_start3A_167, %dma_start3A_168, %dma_start3A_174] : memref<2x2x128xi32, #tpu.memory_space<vmem>> -> memref<1x1x128xi32, #tpu.memory_space<vmem>>
        %dma_start3A_176 = tpu.memref_squeeze %dma_start3A_175 : memref<1x1x128xi32, #tpu.memory_space<vmem>> -> memref<128xi32, #tpu.memory_space<vmem>>
        %dma_start3A_177 = arith.constant 0 : i32
        %dma_start3A_178 = arith.constant 0 : i32
        %dma_start3A_179 = tpu.memref_slice %arg2[%dma_start3A_177, %dma_start3A_178] : memref<10240x128xf32, #tpu.memory_space<hbm>> -> memref<10240x128xf32, #tpu.memory_space<hbm>>
        tpu.enqueue_indirect_dma source(%dma_start3A_179 : memref<10240x128xf32, #tpu.memory_space<hbm>>) target(%dma_start3A_173 : memref<128x128xf32, #tpu.memory_space<vmem>>) offsets(%dma_start3A_176 : memref<128xi32, #tpu.memory_space<vmem>>) semaphore(%arg9 : memref<!tpu.dma_semaphore, #tpu.memory_space<semaphore_mem>>)
      } else {
      }
      %dma_wait3A_128 = arith.constant 1 : i32
      %dma_wait3A_129 = arith.constant 0 : i32
      %dma_wait3A_130 = arith.constant 1 : i32
      %dma_wait3A_131 = arith.constant 0 : i32
      %dma_wait3A_132 = arith.constant 0 : i32
      %dma_wait3A_133 = tpu.memref_slice %arg7[%dma_wait3A_130, %dma_wait3A_131, %dma_wait3A_132] : memref<2x128x128xf32, #tpu.memory_space<vmem>> -> memref<1x128x128xf32, #tpu.memory_space<vmem>>
      %dma_wait3A_134 = tpu.memref_squeeze %dma_wait3A_133 : memref<1x128x128xf32, #tpu.memory_space<vmem>> -> memref<128x128xf32, #tpu.memory_space<vmem>>
      %dma_wait3A_135 = arith.constant 0 : i32
      %dma_wait3A_136 = tpu.memref_slice %arg6[%dma_wait3A_128, %dma_wait3A_129, %dma_wait3A_135] : memref<2x2x128xi32, #tpu.memory_space<vmem>> -> memref<1x1x128xi32, #tpu.memory_space<vmem>>
      %dma_wait3A_137 = tpu.memref_squeeze %dma_wait3A_136 : memref<1x1x128xi32, #tpu.memory_space<vmem>> -> memref<128xi32, #tpu.memory_space<vmem>>
      %dma_wait3A_138 = arith.constant 0 : i32
      %dma_wait3A_139 = arith.constant 0 : i32
      %dma_wait3A_140 = tpu.memref_slice %arg2[%dma_wait3A_138, %dma_wait3A_139] : memref<10240x128xf32, #tpu.memory_space<hbm>> -> memref<10240x128xf32, #tpu.memory_space<hbm>>
      tpu.wait_indirect_dma semaphore(%arg10 : memref<!tpu.dma_semaphore, #tpu.memory_space<semaphore_mem>>) src(%dma_wait3A_140 : memref<10240x128xf32, #tpu.memory_space<hbm>>) dst(%dma_wait3A_134 : memref<128x128xf32, #tpu.memory_space<vmem>>)
      %run_scoped3A_141 = arith.constant 1 : i32
      %run_scoped3A_142 = arith.constant 1 : i32
      %run_scoped3A_143 = arith.constant 1 : i32
      "tpu.region"() ({
        %run_scoped3A_149 = tpu.sem_alloc : memref<!tpu.dma_semaphore, #tpu.memory_space<semaphore_mem>>
        %dma_start3A_150 = arith.constant 0 : i32
        %dma_start3A_151 = arith.constant 0 : i32
        %dma_start3A_152 = tpu.memref_slice %arg7[%run_scoped3A_141, %dma_start3A_150, %dma_start3A_151] : memref<2x128x128xf32, #tpu.memory_space<vmem>> -> memref<1x128x128xf32, #tpu.memory_space<vmem>>
        %dma_start3A_153 = tpu.memref_squeeze %dma_start3A_152 : memref<1x128x128xf32, #tpu.memory_space<vmem>> -> memref<128x128xf32, #tpu.memory_space<vmem>>
        %dma_start3A_154 = arith.constant 0 : i32
        %dma_start3A_155 = tpu.memref_slice %arg6[%run_scoped3A_142, %run_scoped3A_143, %dma_start3A_154] : memref<2x2x128xi32, #tpu.memory_space<vmem>> -> memref<1x1x128xi32, #tpu.memory_space<vmem>>
        %dma_start3A_156 = tpu.memref_squeeze %dma_start3A_155 : memref<1x1x128xi32, #tpu.memory_space<vmem>> -> memref<128xi32, #tpu.memory_space<vmem>>
        %dma_start3A_157 = arith.constant 0 : i32
        %dma_start3A_158 = arith.constant 0 : i32
        %dma_start3A_159 = tpu.memref_slice %arg8[%dma_start3A_157, %dma_start3A_158] : memref<10240x128xf32, #tpu.memory_space<vmem_shared>> -> memref<10240x128xf32, #tpu.memory_space<vmem_shared>>
        tpu.enqueue_indirect_dma source(%dma_start3A_153 : memref<128x128xf32, #tpu.memory_space<vmem>>) target(%dma_start3A_159 : memref<10240x128xf32, #tpu.memory_space<vmem_shared>>) offsets(%dma_start3A_156 : memref<128xi32, #tpu.memory_space<vmem>>) semaphore(%run_scoped3A_149 : memref<!tpu.dma_semaphore, #tpu.memory_space<semaphore_mem>>) {add = true}
        %dma_wait3A_160 = arith.constant 0 : i32
        %dma_wait3A_161 = arith.constant 0 : i32
        %dma_wait3A_162 = tpu.memref_slice %arg7[%run_scoped3A_141, %dma_wait3A_160, %dma_wait3A_161] : memref<2x128x128xf32, #tpu.memory_space<vmem>> -> memref<1x128x128xf32, #tpu.memory_space<vmem>>
        %dma_wait3A_163 = tpu.memref_squeeze %dma_wait3A_162 : memref<1x128x128xf32, #tpu.memory_space<vmem>> -> memref<128x128xf32, #tpu.memory_space<vmem>>
        %dma_wait3A_164 = arith.constant 0 : i32
        %dma_wait3A_165 = tpu.memref_slice %arg6[%run_scoped3A_142, %run_scoped3A_143, %dma_wait3A_164] : memref<2x2x128xi32, #tpu.memory_space<vmem>> -> memref<1x1x128xi32, #tpu.memory_space<vmem>>
        %dma_wait3A_166 = tpu.memref_squeeze %dma_wait3A_165 : memref<1x1x128xi32, #tpu.memory_space<vmem>> -> memref<128xi32, #tpu.memory_space<vmem>>
        %dma_wait3A_167 = arith.constant 0 : i32
        %dma_wait3A_168 = arith.constant 0 : i32
        %dma_wait3A_169 = tpu.memref_slice %arg8[%dma_wait3A_167, %dma_wait3A_168] : memref<10240x128xf32, #tpu.memory_space<vmem_shared>> -> memref<10240x128xf32, #tpu.memory_space<vmem_shared>>
        tpu.wait_indirect_dma semaphore(%run_scoped3A_149 : memref<!tpu.dma_semaphore, #tpu.memory_space<semaphore_mem>>) src(%dma_wait3A_163 : memref<128x128xf32, #tpu.memory_space<vmem>>) dst(%dma_wait3A_169 : memref<10240x128xf32, #tpu.memory_space<vmem_shared>>)
        tpu.yield
      }) : () -> ()
      %lt3A_144 = arith.constant 80 : i32
      %lt3A_145 = arith.cmpi slt, %add3A_122, %lt3A_144 : i32
      %convert_element_type3A_146 = arith.extui %lt3A_145 : i1 to i32
      %cond3A_147 = arith.constant 0 : i32
      %cond3A_148 = arith.cmpi ne, %convert_element_type3A_146, %cond3A_147 : i32
      scf.if %cond3A_148 {
        %add3A_149 = arith.addi %mul3A_2, %add3A_122 : i32
        %dma_start3A_150 = arith.constant 1 : i32
        %dma_start3A_151 = arith.constant 0 : i32
        %dma_start3A_152 = arith.constant 0 : i32
        %dma_start3A_153 = tpu.memref_slice %arg6[%dma_start3A_150, %dma_start3A_151, %dma_start3A_152] : memref<2x2x128xi32, #tpu.memory_space<vmem>> -> memref<1x2x128xi32, #tpu.memory_space<vmem>>
        %dma_start3A_154 = tpu.memref_squeeze %dma_start3A_153 : memref<1x2x128xi32, #tpu.memory_space<vmem>> -> memref<2x128xi32, #tpu.memory_space<vmem>>
        %dma_start3A_155 = arith.constant 0 : i32
        %dma_start3A_156 = arith.constant 0 : i32
        %dma_start3A_157 = tpu.memref_slice %arg3[%add3A_149, %dma_start3A_155, %dma_start3A_156] : memref<2560x2x128xi32, #tpu.memory_space<hbm>> -> memref<1x2x128xi32, #tpu.memory_space<hbm>>
        %dma_start3A_158 = tpu.memref_squeeze %dma_start3A_157 : memref<1x2x128xi32, #tpu.memory_space<hbm>> -> memref<2x128xi32, #tpu.memory_space<hbm>>
        %dma_start3A_159 = arith.constant 0 : i32
        %dma_start3A_160 = arith.constant 0 : i32
        %dma_start3A_161 = tpu.memref_slice %arg6[%dma_start3A_150, %dma_start3A_159, %dma_start3A_160] : memref<2x2x128xi32, #tpu.memory_space<vmem>> -> memref<1x2x128xi32, #tpu.memory_space<vmem>>
        %dma_start3A_162 = tpu.memref_squeeze %dma_start3A_161 : memref<1x2x128xi32, #tpu.memory_space<vmem>> -> memref<2x128xi32, #tpu.memory_space<vmem>>
        %dma_start3A_163 = arith.constant 0 : i32
        %dma_start3A_164 = arith.constant 0 : i32
        %dma_start3A_165 = tpu.memref_slice %arg3[%add3A_149, %dma_start3A_163, %dma_start3A_164] : memref<2560x2x128xi32, #tpu.memory_space<hbm>> -> memref<1x2x128xi32, #tpu.memory_space<hbm>>
        %dma_start3A_166 = tpu.memref_squeeze %dma_start3A_165 : memref<1x2x128xi32, #tpu.memory_space<hbm>> -> memref<2x128xi32, #tpu.memory_space<hbm>>
        tpu.enqueue_dma source(%dma_start3A_166 : memref<2x128xi32, #tpu.memory_space<hbm>>) target(%dma_start3A_162 : memref<2x128xi32, #tpu.memory_space<vmem>>) target_semaphore(%arg12 : memref<!tpu.dma_semaphore, #tpu.memory_space<semaphore_mem>>)
      } else {
      }
    }
    %scan3A_77 = arith.constant 40 : i32
    %barrier3A_78 = arith.constant 0 : index
    tpu.barrier barrier_id(%barrier3A_78)
    %mul3A_79 = arith.constant 640 : i32
    %mul3A_80 = arith.muli %arg1, %mul3A_79 : i32
    %mul3A_81 = arith.constant 10240 : i32
    %mul3A_82 = arith.muli %arg0, %mul3A_81 : i32
    %mul3A_83 = arith.constant 640 : i32
    %mul3A_84 = arith.muli %arg1, %mul3A_83 : i32
    %add3A_85 = arith.addi %mul3A_82, %mul3A_84 : i32
    "tpu.region"() ({
      %run_scoped3A = tpu.sem_alloc : memref<!tpu.dma_semaphore, #tpu.memory_space<semaphore_mem>>
      %dma_start3A_86 = arith.constant 0 : i32
      %dma_start3A_87 = tpu.memref_slice %arg5[%add3A_85, %dma_start3A_86] : memref<20480x128xf32, #tpu.memory_space<hbm>> -> memref<640x128xf32, #tpu.memory_space<hbm>>
      %dma_start3A_88 = arith.constant 0 : i32
      %dma_start3A_89 = tpu.memref_slice %arg8[%mul3A_80, %dma_start3A_88] : memref<10240x128xf32, #tpu.memory_space<vmem_shared>> -> memref<640x128xf32, #tpu.memory_space<vmem_shared>>
      tpu.enqueue_dma source(%dma_start3A_89 : memref<640x128xf32, #tpu.memory_space<vmem_shared>>) target(%dma_start3A_87 : memref<640x128xf32, #tpu.memory_space<hbm>>) target_semaphore(%run_scoped3A : memref<!tpu.dma_semaphore, #tpu.memory_space<semaphore_mem>>)
      %dma_wait3A_90 = arith.constant 0 : i32
      %dma_wait3A_91 = tpu.memref_slice %arg5[%add3A_85, %dma_wait3A_90] : memref<20480x128xf32, #tpu.memory_space<hbm>> -> memref<640x128xf32, #tpu.memory_space<hbm>>
      %dma_wait3A_92 = arith.constant 0 : i32
      %dma_wait3A_93 = tpu.memref_slice %arg8[%mul3A_80, %dma_wait3A_92] : memref<10240x128xf32, #tpu.memory_space<vmem_shared>> -> memref<640x128xf32, #tpu.memory_space<vmem_shared>>
      tpu.wait_dma2 semaphore(%run_scoped3A : memref<!tpu.dma_semaphore, #tpu.memory_space<semaphore_mem>>) src(%dma_wait3A_93 : memref<640x128xf32, #tpu.memory_space<vmem_shared>>) dst(%dma_wait3A_91 : memref<640x128xf32, #tpu.memory_space<hbm>>)
      tpu.yield
    }) : () -> ()
    return
  }
}

#map = affine_map<(d0, d1) -> (0, 0)>
#map1 = affine_map<(d0, d1) -> (0, 0, 0)>
module attributes {stable_mosaic.version = 14 : i64} {
  func.func @_spmm_body(%arg0: i32, %arg1: i32, %arg2: memref<10240x128xf32, #tpu.memory_space<hbm>>, %arg3: memref<2560x2x128xi32, #tpu.memory_space<hbm>>, %arg4: memref<640x128xf32, #tpu.memory_space<hbm>>, %arg5: memref<20480x128xf32, #tpu.memory_space<hbm>>, %arg6: memref<2x2x128xi32, #tpu.memory_space<vmem>>, %arg7: memref<2x128x128xf32, #tpu.memory_space<vmem>>, %arg8: memref<10240x128xf32, #tpu.memory_space<vmem_shared>>, %arg9: memref<!tpu.dma_semaphore, #tpu.memory_space<semaphore_mem>>, %arg10: memref<!tpu.dma_semaphore, #tpu.memory_space<semaphore_mem>>, %arg11: memref<!tpu.dma_semaphore, #tpu.memory_space<semaphore_mem>>, %arg12: memref<!tpu.dma_semaphore, #tpu.memory_space<semaphore_mem>>) attributes {dimension_semantics = [#tpu.dimension_semantics<core_parallel>, #tpu.dimension_semantics<subcore_parallel>], iteration_bounds = array<i64: 2, 16>, scalar_prefetch = 0 : i64, scratch_operands = 7 : i64, tpu.core_type = #tpu.core_type<sc_vector_subcore>, window_params = [{transform_indices = #map}, {transform_indices = #map1}, {transform_indices = #map}, {transform_indices = #map}]} {
    %mul3A = arith.constant 16 : i32
    %mul3A_0 = arith.muli %arg0, %mul3A : i32
    %add3A = arith.addi %mul3A_0, %arg1 : i32
    %mul3A_1 = arith.constant 80 : i32
    %mul3A_2 = arith.muli %add3A, %mul3A_1 : i32
    %mul3A_3 = arith.constant 640 : i32
    %mul3A_4 = arith.muli %arg1, %mul3A_3 : i32
    "tpu.region"() ({
      %run_scoped3A = tpu.sem_alloc : memref<!tpu.dma_semaphore, #tpu.memory_space<semaphore_mem>>
      %dma_start3A_86 = arith.constant 0 : i32
      %dma_start3A_87 = tpu.memref_slice %arg8[%mul3A_4, %dma_start3A_86] : memref<10240x128xf32, #tpu.memory_space<vmem_shared>> -> memref<640x128xf32, #tpu.memory_space<vmem_shared>>
      tpu.enqueue_dma source(%arg4 : memref<640x128xf32, #tpu.memory_space<hbm>>) target(%dma_start3A_87 : memref<640x128xf32, #tpu.memory_space<vmem_shared>>) target_semaphore(%run_scoped3A : memref<!tpu.dma_semaphore, #tpu.memory_space<semaphore_mem>>)
      %dma_wait3A_88 = arith.constant 0 : i32
      %dma_wait3A_89 = tpu.memref_slice %arg8[%mul3A_4, %dma_wait3A_88] : memref<10240x128xf32, #tpu.memory_space<vmem_shared>> -> memref<640x128xf32, #tpu.memory_space<vmem_shared>>
      tpu.wait_dma2 semaphore(%run_scoped3A : memref<!tpu.dma_semaphore, #tpu.memory_space<semaphore_mem>>) src(%arg4 : memref<640x128xf32, #tpu.memory_space<hbm>>) dst(%dma_wait3A_89 : memref<640x128xf32, #tpu.memory_space<vmem_shared>>)
      tpu.yield
    }) : () -> ()
    %barrier3A = arith.constant 0 : index
    tpu.barrier barrier_id(%barrier3A)
    %add3A_5 = arith.constant 0 : i32
    %add3A_6 = arith.addi %mul3A_2, %add3A_5 : i32
    %dma_start3A = arith.constant 0 : i32
    %dma_start3A_7 = arith.constant 0 : i32
    %dma_start3A_8 = arith.constant 0 : i32
    %dma_start3A_9 = tpu.memref_slice %arg6[%dma_start3A, %dma_start3A_7, %dma_start3A_8] : memref<2x2x128xi32, #tpu.memory_space<vmem>> -> memref<1x2x128xi32, #tpu.memory_space<vmem>>
    %dma_start3A_10 = tpu.memref_squeeze %dma_start3A_9 : memref<1x2x128xi32, #tpu.memory_space<vmem>> -> memref<2x128xi32, #tpu.memory_space<vmem>>
    %dma_start3A_11 = arith.constant 0 : i32
    %dma_start3A_12 = arith.constant 0 : i32
    %dma_start3A_13 = tpu.memref_slice %arg3[%add3A_6, %dma_start3A_11, %dma_start3A_12] : memref<2560x2x128xi32, #tpu.memory_space<hbm>> -> memref<1x2x128xi32, #tpu.memory_space<hbm>>
    %dma_start3A_14 = tpu.memref_squeeze %dma_start3A_13 : memref<1x2x128xi32, #tpu.memory_space<hbm>> -> memref<2x128xi32, #tpu.memory_space<hbm>>
    %dma_start3A_15 = arith.constant 0 : i32
    %dma_start3A_16 = arith.constant 0 : i32
    %dma_start3A_17 = tpu.memref_slice %arg6[%dma_start3A, %dma_start3A_15, %dma_start3A_16] : memref<2x2x128xi32, #tpu.memory_space<vmem>> -> memref<1x2x128xi32, #tpu.memory_space<vmem>>
    %dma_start3A_18 = tpu.memref_squeeze %dma_start3A_17 : memref<1x2x128xi32, #tpu.memory_space<vmem>> -> memref<2x128xi32, #tpu.memory_space<vmem>>
    %dma_start3A_19 = arith.constant 0 : i32
    %dma_start3A_20 = arith.constant 0 : i32
    %dma_start3A_21 = tpu.memref_slice %arg3[%add3A_6, %dma_start3A_19, %dma_start3A_20] : memref<2560x2x128xi32, #tpu.memory_space<hbm>> -> memref<1x2x128xi32, #tpu.memory_space<hbm>>
    %dma_start3A_22 = tpu.memref_squeeze %dma_start3A_21 : memref<1x2x128xi32, #tpu.memory_space<hbm>> -> memref<2x128xi32, #tpu.memory_space<hbm>>
    tpu.enqueue_dma source(%dma_start3A_22 : memref<2x128xi32, #tpu.memory_space<hbm>>) target(%dma_start3A_18 : memref<2x128xi32, #tpu.memory_space<vmem>>) target_semaphore(%arg11 : memref<!tpu.dma_semaphore, #tpu.memory_space<semaphore_mem>>)
    %add3A_23 = arith.constant 1 : i32
    %add3A_24 = arith.addi %mul3A_2, %add3A_23 : i32
    %dma_start3A_25 = arith.constant 1 : i32
    %dma_start3A_26 = arith.constant 0 : i32
    %dma_start3A_27 = arith.constant 0 : i32
    %dma_start3A_28 = tpu.memref_slice %arg6[%dma_start3A_25, %dma_start3A_26, %dma_start3A_27] : memref<2x2x128xi32, #tpu.memory_space<vmem>> -> memref<1x2x128xi32, #tpu.memory_space<vmem>>
    %dma_start3A_29 = tpu.memref_squeeze %dma_start3A_28 : memref<1x2x128xi32, #tpu.memory_space<vmem>> -> memref<2x128xi32, #tpu.memory_space<vmem>>
    %dma_start3A_30 = arith.constant 0 : i32
    %dma_start3A_31 = arith.constant 0 : i32
    %dma_start3A_32 = tpu.memref_slice %arg3[%add3A_24, %dma_start3A_30, %dma_start3A_31] : memref<2560x2x128xi32, #tpu.memory_space<hbm>> -> memref<1x2x128xi32, #tpu.memory_space<hbm>>
    %dma_start3A_33 = tpu.memref_squeeze %dma_start3A_32 : memref<1x2x128xi32, #tpu.memory_space<hbm>> -> memref<2x128xi32, #tpu.memory_space<hbm>>
    %dma_start3A_34 = arith.constant 0 : i32
    %dma_start3A_35 = arith.constant 0 : i32
    %dma_start3A_36 = tpu.memref_slice %arg6[%dma_start3A_25, %dma_start3A_34, %dma_start3A_35] : memref<2x2x128xi32, #tpu.memory_space<vmem>> -> memref<1x2x128xi32, #tpu.memory_space<vmem>>
    %dma_start3A_37 = tpu.memref_squeeze %dma_start3A_36 : memref<1x2x128xi32, #tpu.memory_space<vmem>> -> memref<2x128xi32, #tpu.memory_space<vmem>>
    %dma_start3A_38 = arith.constant 0 : i32
    %dma_start3A_39 = arith.constant 0 : i32
    %dma_start3A_40 = tpu.memref_slice %arg3[%add3A_24, %dma_start3A_38, %dma_start3A_39] : memref<2560x2x128xi32, #tpu.memory_space<hbm>> -> memref<1x2x128xi32, #tpu.memory_space<hbm>>
    %dma_start3A_41 = tpu.memref_squeeze %dma_start3A_40 : memref<1x2x128xi32, #tpu.memory_space<hbm>> -> memref<2x128xi32, #tpu.memory_space<hbm>>
    tpu.enqueue_dma source(%dma_start3A_41 : memref<2x128xi32, #tpu.memory_space<hbm>>) target(%dma_start3A_37 : memref<2x128xi32, #tpu.memory_space<vmem>>) target_semaphore(%arg12 : memref<!tpu.dma_semaphore, #tpu.memory_space<semaphore_mem>>)
    %add3A_42 = arith.constant 0 : i32
    %add3A_43 = arith.addi %mul3A_2, %add3A_42 : i32
    %dma_wait3A = arith.constant 0 : i32
    %dma_wait3A_44 = arith.constant 0 : i32
    %dma_wait3A_45 = arith.constant 0 : i32
    %dma_wait3A_46 = tpu.memref_slice %arg6[%dma_wait3A, %dma_wait3A_44, %dma_wait3A_45] : memref<2x2x128xi32, #tpu.memory_space<vmem>> -> memref<1x2x128xi32, #tpu.memory_space<vmem>>
    %dma_wait3A_47 = tpu.memref_squeeze %dma_wait3A_46 : memref<1x2x128xi32, #tpu.memory_space<vmem>> -> memref<2x128xi32, #tpu.memory_space<vmem>>
    %dma_wait3A_48 = arith.constant 0 : i32
    %dma_wait3A_49 = arith.constant 0 : i32
    %dma_wait3A_50 = tpu.memref_slice %arg3[%add3A_43, %dma_wait3A_48, %dma_wait3A_49] : memref<2560x2x128xi32, #tpu.memory_space<hbm>> -> memref<1x2x128xi32, #tpu.memory_space<hbm>>
    %dma_wait3A_51 = tpu.memref_squeeze %dma_wait3A_50 : memref<1x2x128xi32, #tpu.memory_space<hbm>> -> memref<2x128xi32, #tpu.memory_space<hbm>>
    %dma_wait3A_52 = arith.constant 0 : i32
    %dma_wait3A_53 = arith.constant 0 : i32
    %dma_wait3A_54 = tpu.memref_slice %arg6[%dma_wait3A, %dma_wait3A_52, %dma_wait3A_53] : memref<2x2x128xi32, #tpu.memory_space<vmem>> -> memref<1x2x128xi32, #tpu.memory_space<vmem>>
    %dma_wait3A_55 = tpu.memref_squeeze %dma_wait3A_54 : memref<1x2x128xi32, #tpu.memory_space<vmem>> -> memref<2x128xi32, #tpu.memory_space<vmem>>
    %dma_wait3A_56 = arith.constant 0 : i32
    %dma_wait3A_57 = arith.constant 0 : i32
    %dma_wait3A_58 = tpu.memref_slice %arg3[%add3A_43, %dma_wait3A_56, %dma_wait3A_57] : memref<2560x2x128xi32, #tpu.memory_space<hbm>> -> memref<1x2x128xi32, #tpu.memory_space<hbm>>
    %dma_wait3A_59 = tpu.memref_squeeze %dma_wait3A_58 : memref<1x2x128xi32, #tpu.memory_space<hbm>> -> memref<2x128xi32, #tpu.memory_space<hbm>>
    tpu.wait_dma2 semaphore(%arg11 : memref<!tpu.dma_semaphore, #tpu.memory_space<semaphore_mem>>) src(%dma_wait3A_59 : memref<2x128xi32, #tpu.memory_space<hbm>>) dst(%dma_wait3A_55 : memref<2x128xi32, #tpu.memory_space<vmem>>)
    %dma_start3A_60 = arith.constant 0 : i32
    %dma_start3A_61 = arith.constant 0 : i32
    %dma_start3A_62 = arith.constant 0 : i32
    %dma_start3A_63 = arith.constant 0 : i32
    %dma_start3A_64 = arith.constant 0 : i32
    %dma_start3A_65 = tpu.memref_slice %arg7[%dma_start3A_62, %dma_start3A_63, %dma_start3A_64] : memref<2x128x128xf32, #tpu.memory_space<vmem>> -> memref<1x128x128xf32, #tpu.memory_space<vmem>>
    %dma_start3A_66 = tpu.memref_squeeze %dma_start3A_65 : memref<1x128x128xf32, #tpu.memory_space<vmem>> -> memref<128x128xf32, #tpu.memory_space<vmem>>
    %dma_start3A_67 = arith.constant 0 : i32
    %dma_start3A_68 = tpu.memref_slice %arg6[%dma_start3A_60, %dma_start3A_61, %dma_start3A_67] : memref<2x2x128xi32, #tpu.memory_space<vmem>> -> memref<1x1x128xi32, #tpu.memory_space<vmem>>
    %dma_start3A_69 = tpu.memref_squeeze %dma_start3A_68 : memref<1x1x128xi32, #tpu.memory_space<vmem>> -> memref<128xi32, #tpu.memory_space<vmem>>
    %dma_start3A_70 = arith.constant 0 : i32
    %dma_start3A_71 = arith.constant 0 : i32
    %dma_start3A_72 = tpu.memref_slice %arg2[%dma_start3A_70, %dma_start3A_71] : memref<10240x128xf32, #tpu.memory_space<hbm>> -> memref<10240x128xf32, #tpu.memory_space<hbm>>
    tpu.enqueue_indirect_dma source(%dma_start3A_72 : memref<10240x128xf32, #tpu.memory_space<hbm>>) target(%dma_start3A_66 : memref<128x128xf32, #tpu.memory_space<vmem>>) offsets(%dma_start3A_69 : memref<128xi32, #tpu.memory_space<vmem>>) semaphore(%arg9 : memref<!tpu.dma_semaphore, #tpu.memory_space<semaphore_mem>>)
    %scan3A = arith.constant 0 : i32
    %scan3A_73 = arith.constant 0 : i32
    %scan3A_74 = arith.constant 40 : i32
    %scan3A_75 = arith.addi %scan3A_73, %scan3A_74 : i32
    %scan3A_76 = arith.constant 1 : i32
    scf.for %scan3A_86 = %scan3A_73 to %scan3A_75 step %scan3A_76  : i32 {
      %mul3A_87 = arith.constant 2 : i32
      %mul3A_88 = arith.muli %mul3A_87, %scan3A_86 : i32
      %add3A_89 = arith.constant 1 : i32
      %add3A_90 = arith.addi %mul3A_88, %add3A_89 : i32
      %add3A_91 = arith.constant 2 : i32
      %add3A_92 = arith.addi %mul3A_88, %add3A_91 : i32
      %lt3A = arith.constant 80 : i32
      %lt3A_93 = arith.cmpi slt, %add3A_90, %lt3A : i32
      %convert_element_type3A = arith.extui %lt3A_93 : i1 to i32
      %cond3A = arith.constant 0 : i32
      %cond3A_94 = arith.cmpi ne, %convert_element_type3A, %cond3A : i32
      scf.if %cond3A_94 {
        %add3A_149 = arith.addi %mul3A_2, %add3A_90 : i32
        %dma_wait3A_150 = arith.constant 1 : i32
        %dma_wait3A_151 = arith.constant 0 : i32
        %dma_wait3A_152 = arith.constant 0 : i32
        %dma_wait3A_153 = tpu.memref_slice %arg6[%dma_wait3A_150, %dma_wait3A_151, %dma_wait3A_152] : memref<2x2x128xi32, #tpu.memory_space<vmem>> -> memref<1x2x128xi32, #tpu.memory_space<vmem>>
        %dma_wait3A_154 = tpu.memref_squeeze %dma_wait3A_153 : memref<1x2x128xi32, #tpu.memory_space<vmem>> -> memref<2x128xi32, #tpu.memory_space<vmem>>
        %dma_wait3A_155 = arith.constant 0 : i32
        %dma_wait3A_156 = arith.constant 0 : i32
        %dma_wait3A_157 = tpu.memref_slice %arg3[%add3A_149, %dma_wait3A_155, %dma_wait3A_156] : memref<2560x2x128xi32, #tpu.memory_space<hbm>> -> memref<1x2x128xi32, #tpu.memory_space<hbm>>
        %dma_wait3A_158 = tpu.memref_squeeze %dma_wait3A_157 : memref<1x2x128xi32, #tpu.memory_space<hbm>> -> memref<2x128xi32, #tpu.memory_space<hbm>>
        %dma_wait3A_159 = arith.constant 0 : i32
        %dma_wait3A_160 = arith.constant 0 : i32
        %dma_wait3A_161 = tpu.memref_slice %arg6[%dma_wait3A_150, %dma_wait3A_159, %dma_wait3A_160] : memref<2x2x128xi32, #tpu.memory_space<vmem>> -> memref<1x2x128xi32, #tpu.memory_space<vmem>>
        %dma_wait3A_162 = tpu.memref_squeeze %dma_wait3A_161 : memref<1x2x128xi32, #tpu.memory_space<vmem>> -> memref<2x128xi32, #tpu.memory_space<vmem>>
        %dma_wait3A_163 = arith.constant 0 : i32
        %dma_wait3A_164 = arith.constant 0 : i32
        %dma_wait3A_165 = tpu.memref_slice %arg3[%add3A_149, %dma_wait3A_163, %dma_wait3A_164] : memref<2560x2x128xi32, #tpu.memory_space<hbm>> -> memref<1x2x128xi32, #tpu.memory_space<hbm>>
        %dma_wait3A_166 = tpu.memref_squeeze %dma_wait3A_165 : memref<1x2x128xi32, #tpu.memory_space<hbm>> -> memref<2x128xi32, #tpu.memory_space<hbm>>
        tpu.wait_dma2 semaphore(%arg12 : memref<!tpu.dma_semaphore, #tpu.memory_space<semaphore_mem>>) src(%dma_wait3A_166 : memref<2x128xi32, #tpu.memory_space<hbm>>) dst(%dma_wait3A_162 : memref<2x128xi32, #tpu.memory_space<vmem>>)
        %dma_start3A_167 = arith.constant 1 : i32
        %dma_start3A_168 = arith.constant 0 : i32
        %dma_start3A_169 = arith.constant 1 : i32
        %dma_start3A_170 = arith.constant 0 : i32
        %dma_start3A_171 = arith.constant 0 : i32
        %dma_start3A_172 = tpu.memref_slice %arg7[%dma_start3A_169, %dma_start3A_170, %dma_start3A_171] : memref<2x128x128xf32, #tpu.memory_space<vmem>> -> memref<1x128x128xf32, #tpu.memory_space<vmem>>
        %dma_start3A_173 = tpu.memref_squeeze %dma_start3A_172 : memref<1x128x128xf32, #tpu.memory_space<vmem>> -> memref<128x128xf32, #tpu.memory_space<vmem>>
        %dma_start3A_174 = arith.constant 0 : i32
        %dma_start3A_175 = tpu.memref_slice %arg6[%dma_start3A_167, %dma_start3A_168, %dma_start3A_174] : memref<2x2x128xi32, #tpu.memory_space<vmem>> -> memref<1x1x128xi32, #tpu.memory_space<vmem>>
        %dma_start3A_176 = tpu.memref_squeeze %dma_start3A_175 : memref<1x1x128xi32, #tpu.memory_space<vmem>> -> memref<128xi32, #tpu.memory_space<vmem>>
        %dma_start3A_177 = arith.constant 0 : i32
        %dma_start3A_178 = arith.constant 0 : i32
        %dma_start3A_179 = tpu.memref_slice %arg2[%dma_start3A_177, %dma_start3A_178] : memref<10240x128xf32, #tpu.memory_space<hbm>> -> memref<10240x128xf32, #tpu.memory_space<hbm>>
        tpu.enqueue_indirect_dma source(%dma_start3A_179 : memref<10240x128xf32, #tpu.memory_space<hbm>>) target(%dma_start3A_173 : memref<128x128xf32, #tpu.memory_space<vmem>>) offsets(%dma_start3A_176 : memref<128xi32, #tpu.memory_space<vmem>>) semaphore(%arg10 : memref<!tpu.dma_semaphore, #tpu.memory_space<semaphore_mem>>)
      } else {
      }
      %dma_wait3A_95 = arith.constant 0 : i32
      %dma_wait3A_96 = arith.constant 0 : i32
      %dma_wait3A_97 = arith.constant 0 : i32
      %dma_wait3A_98 = arith.constant 0 : i32
      %dma_wait3A_99 = arith.constant 0 : i32
      %dma_wait3A_100 = tpu.memref_slice %arg7[%dma_wait3A_97, %dma_wait3A_98, %dma_wait3A_99] : memref<2x128x128xf32, #tpu.memory_space<vmem>> -> memref<1x128x128xf32, #tpu.memory_space<vmem>>
      %dma_wait3A_101 = tpu.memref_squeeze %dma_wait3A_100 : memref<1x128x128xf32, #tpu.memory_space<vmem>> -> memref<128x128xf32, #tpu.memory_space<vmem>>
      %dma_wait3A_102 = arith.constant 0 : i32
      %dma_wait3A_103 = tpu.memref_slice %arg6[%dma_wait3A_95, %dma_wait3A_96, %dma_wait3A_102] : memref<2x2x128xi32, #tpu.memory_space<vmem>> -> memref<1x1x128xi32, #tpu.memory_space<vmem>>
      %dma_wait3A_104 = tpu.memref_squeeze %dma_wait3A_103 : memref<1x1x128xi32, #tpu.memory_space<vmem>> -> memref<128xi32, #tpu.memory_space<vmem>>
      %dma_wait3A_105 = arith.constant 0 : i32
      %dma_wait3A_106 = arith.constant 0 : i32
      %dma_wait3A_107 = tpu.memref_slice %arg2[%dma_wait3A_105, %dma_wait3A_106] : memref<10240x128xf32, #tpu.memory_space<hbm>> -> memref<10240x128xf32, #tpu.memory_space<hbm>>
      tpu.wait_indirect_dma semaphore(%arg9 : memref<!tpu.dma_semaphore, #tpu.memory_space<semaphore_mem>>) src(%dma_wait3A_107 : memref<10240x128xf32, #tpu.memory_space<hbm>>) dst(%dma_wait3A_101 : memref<128x128xf32, #tpu.memory_space<vmem>>)
      %run_scoped3A = arith.constant 0 : i32
      %run_scoped3A_108 = arith.constant 0 : i32
      %run_scoped3A_109 = arith.constant 1 : i32
      "tpu.region"() ({
        %run_scoped3A_149 = tpu.sem_alloc : memref<!tpu.dma_semaphore, #tpu.memory_space<semaphore_mem>>
        %dma_start3A_150 = arith.constant 0 : i32
        %dma_start3A_151 = arith.constant 0 : i32
        %dma_start3A_152 = tpu.memref_slice %arg7[%run_scoped3A, %dma_start3A_150, %dma_start3A_151] : memref<2x128x128xf32, #tpu.memory_space<vmem>> -> memref<1x128x128xf32, #tpu.memory_space<vmem>>
        %dma_start3A_153 = tpu.memref_squeeze %dma_start3A_152 : memref<1x128x128xf32, #tpu.memory_space<vmem>> -> memref<128x128xf32, #tpu.memory_space<vmem>>
        %dma_start3A_154 = arith.constant 0 : i32
        %dma_start3A_155 = tpu.memref_slice %arg6[%run_scoped3A_108, %run_scoped3A_109, %dma_start3A_154] : memref<2x2x128xi32, #tpu.memory_space<vmem>> -> memref<1x1x128xi32, #tpu.memory_space<vmem>>
        %dma_start3A_156 = tpu.memref_squeeze %dma_start3A_155 : memref<1x1x128xi32, #tpu.memory_space<vmem>> -> memref<128xi32, #tpu.memory_space<vmem>>
        %dma_start3A_157 = arith.constant 0 : i32
        %dma_start3A_158 = arith.constant 0 : i32
        %dma_start3A_159 = tpu.memref_slice %arg8[%dma_start3A_157, %dma_start3A_158] : memref<10240x128xf32, #tpu.memory_space<vmem_shared>> -> memref<10240x128xf32, #tpu.memory_space<vmem_shared>>
        tpu.enqueue_indirect_dma source(%dma_start3A_153 : memref<128x128xf32, #tpu.memory_space<vmem>>) target(%dma_start3A_159 : memref<10240x128xf32, #tpu.memory_space<vmem_shared>>) offsets(%dma_start3A_156 : memref<128xi32, #tpu.memory_space<vmem>>) semaphore(%run_scoped3A_149 : memref<!tpu.dma_semaphore, #tpu.memory_space<semaphore_mem>>) {add = true}
        %dma_wait3A_160 = arith.constant 0 : i32
        %dma_wait3A_161 = arith.constant 0 : i32
        %dma_wait3A_162 = tpu.memref_slice %arg7[%run_scoped3A, %dma_wait3A_160, %dma_wait3A_161] : memref<2x128x128xf32, #tpu.memory_space<vmem>> -> memref<1x128x128xf32, #tpu.memory_space<vmem>>
        %dma_wait3A_163 = tpu.memref_squeeze %dma_wait3A_162 : memref<1x128x128xf32, #tpu.memory_space<vmem>> -> memref<128x128xf32, #tpu.memory_space<vmem>>
        %dma_wait3A_164 = arith.constant 0 : i32
        %dma_wait3A_165 = tpu.memref_slice %arg6[%run_scoped3A_108, %run_scoped3A_109, %dma_wait3A_164] : memref<2x2x128xi32, #tpu.memory_space<vmem>> -> memref<1x1x128xi32, #tpu.memory_space<vmem>>
        %dma_wait3A_166 = tpu.memref_squeeze %dma_wait3A_165 : memref<1x1x128xi32, #tpu.memory_space<vmem>> -> memref<128xi32, #tpu.memory_space<vmem>>
        %dma_wait3A_167 = arith.constant 0 : i32
        %dma_wait3A_168 = arith.constant 0 : i32
        %dma_wait3A_169 = tpu.memref_slice %arg8[%dma_wait3A_167, %dma_wait3A_168] : memref<10240x128xf32, #tpu.memory_space<vmem_shared>> -> memref<10240x128xf32, #tpu.memory_space<vmem_shared>>
        tpu.wait_indirect_dma semaphore(%run_scoped3A_149 : memref<!tpu.dma_semaphore, #tpu.memory_space<semaphore_mem>>) src(%dma_wait3A_163 : memref<128x128xf32, #tpu.memory_space<vmem>>) dst(%dma_wait3A_169 : memref<10240x128xf32, #tpu.memory_space<vmem_shared>>)
        tpu.yield
      }) : () -> ()
      %lt3A_110 = arith.constant 80 : i32
      %lt3A_111 = arith.cmpi slt, %add3A_92, %lt3A_110 : i32
      %convert_element_type3A_112 = arith.extui %lt3A_111 : i1 to i32
      %cond3A_113 = arith.constant 0 : i32
      %cond3A_114 = arith.cmpi ne, %convert_element_type3A_112, %cond3A_113 : i32
      scf.if %cond3A_114 {
        %add3A_149 = arith.addi %mul3A_2, %add3A_92 : i32
        %dma_start3A_150 = arith.constant 0 : i32
        %dma_start3A_151 = arith.constant 0 : i32
        %dma_start3A_152 = arith.constant 0 : i32
        %dma_start3A_153 = tpu.memref_slice %arg6[%dma_start3A_150, %dma_start3A_151, %dma_start3A_152] : memref<2x2x128xi32, #tpu.memory_space<vmem>> -> memref<1x2x128xi32, #tpu.memory_space<vmem>>
        %dma_start3A_154 = tpu.memref_squeeze %dma_start3A_153 : memref<1x2x128xi32, #tpu.memory_space<vmem>> -> memref<2x128xi32, #tpu.memory_space<vmem>>
        %dma_start3A_155 = arith.constant 0 : i32
        %dma_start3A_156 = arith.constant 0 : i32
        %dma_start3A_157 = tpu.memref_slice %arg3[%add3A_149, %dma_start3A_155, %dma_start3A_156] : memref<2560x2x128xi32, #tpu.memory_space<hbm>> -> memref<1x2x128xi32, #tpu.memory_space<hbm>>
        %dma_start3A_158 = tpu.memref_squeeze %dma_start3A_157 : memref<1x2x128xi32, #tpu.memory_space<hbm>> -> memref<2x128xi32, #tpu.memory_space<hbm>>
        %dma_start3A_159 = arith.constant 0 : i32
        %dma_start3A_160 = arith.constant 0 : i32
        %dma_start3A_161 = tpu.memref_slice %arg6[%dma_start3A_150, %dma_start3A_159, %dma_start3A_160] : memref<2x2x128xi32, #tpu.memory_space<vmem>> -> memref<1x2x128xi32, #tpu.memory_space<vmem>>
        %dma_start3A_162 = tpu.memref_squeeze %dma_start3A_161 : memref<1x2x128xi32, #tpu.memory_space<vmem>> -> memref<2x128xi32, #tpu.memory_space<vmem>>
        %dma_start3A_163 = arith.constant 0 : i32
        %dma_start3A_164 = arith.constant 0 : i32
        %dma_start3A_165 = tpu.memref_slice %arg3[%add3A_149, %dma_start3A_163, %dma_start3A_164] : memref<2560x2x128xi32, #tpu.memory_space<hbm>> -> memref<1x2x128xi32, #tpu.memory_space<hbm>>
        %dma_start3A_166 = tpu.memref_squeeze %dma_start3A_165 : memref<1x2x128xi32, #tpu.memory_space<hbm>> -> memref<2x128xi32, #tpu.memory_space<hbm>>
        tpu.enqueue_dma source(%dma_start3A_166 : memref<2x128xi32, #tpu.memory_space<hbm>>) target(%dma_start3A_162 : memref<2x128xi32, #tpu.memory_space<vmem>>) target_semaphore(%arg11 : memref<!tpu.dma_semaphore, #tpu.memory_space<semaphore_mem>>)
      } else {
      }
      %mul3A_115 = arith.constant 2 : i32
      %mul3A_116 = arith.muli %mul3A_115, %scan3A_86 : i32
      %add3A_117 = arith.constant 1 : i32
      %add3A_118 = arith.addi %mul3A_116, %add3A_117 : i32
      %add3A_119 = arith.constant 1 : i32
      %add3A_120 = arith.addi %add3A_118, %add3A_119 : i32
      %add3A_121 = arith.constant 2 : i32
      %add3A_122 = arith.addi %add3A_118, %add3A_121 : i32
      %lt3A_123 = arith.constant 80 : i32
      %lt3A_124 = arith.cmpi slt, %add3A_120, %lt3A_123 : i32
      %convert_element_type3A_125 = arith.extui %lt3A_124 : i1 to i32
      %cond3A_126 = arith.constant 0 : i32
      %cond3A_127 = arith.cmpi ne, %convert_element_type3A_125, %cond3A_126 : i32
      scf.if %cond3A_127 {
        %add3A_149 = arith.addi %mul3A_2, %add3A_120 : i32
        %dma_wait3A_150 = arith.constant 0 : i32
        %dma_wait3A_151 = arith.constant 0 : i32
        %dma_wait3A_152 = arith.constant 0 : i32
        %dma_wait3A_153 = tpu.memref_slice %arg6[%dma_wait3A_150, %dma_wait3A_151, %dma_wait3A_152] : memref<2x2x128xi32, #tpu.memory_space<vmem>> -> memref<1x2x128xi32, #tpu.memory_space<vmem>>
        %dma_wait3A_154 = tpu.memref_squeeze %dma_wait3A_153 : memref<1x2x128xi32, #tpu.memory_space<vmem>> -> memref<2x128xi32, #tpu.memory_space<vmem>>
        %dma_wait3A_155 = arith.constant 0 : i32
        %dma_wait3A_156 = arith.constant 0 : i32
        %dma_wait3A_157 = tpu.memref_slice %arg3[%add3A_149, %dma_wait3A_155, %dma_wait3A_156] : memref<2560x2x128xi32, #tpu.memory_space<hbm>> -> memref<1x2x128xi32, #tpu.memory_space<hbm>>
        %dma_wait3A_158 = tpu.memref_squeeze %dma_wait3A_157 : memref<1x2x128xi32, #tpu.memory_space<hbm>> -> memref<2x128xi32, #tpu.memory_space<hbm>>
        %dma_wait3A_159 = arith.constant 0 : i32
        %dma_wait3A_160 = arith.constant 0 : i32
        %dma_wait3A_161 = tpu.memref_slice %arg6[%dma_wait3A_150, %dma_wait3A_159, %dma_wait3A_160] : memref<2x2x128xi32, #tpu.memory_space<vmem>> -> memref<1x2x128xi32, #tpu.memory_space<vmem>>
        %dma_wait3A_162 = tpu.memref_squeeze %dma_wait3A_161 : memref<1x2x128xi32, #tpu.memory_space<vmem>> -> memref<2x128xi32, #tpu.memory_space<vmem>>
        %dma_wait3A_163 = arith.constant 0 : i32
        %dma_wait3A_164 = arith.constant 0 : i32
        %dma_wait3A_165 = tpu.memref_slice %arg3[%add3A_149, %dma_wait3A_163, %dma_wait3A_164] : memref<2560x2x128xi32, #tpu.memory_space<hbm>> -> memref<1x2x128xi32, #tpu.memory_space<hbm>>
        %dma_wait3A_166 = tpu.memref_squeeze %dma_wait3A_165 : memref<1x2x128xi32, #tpu.memory_space<hbm>> -> memref<2x128xi32, #tpu.memory_space<hbm>>
        tpu.wait_dma2 semaphore(%arg11 : memref<!tpu.dma_semaphore, #tpu.memory_space<semaphore_mem>>) src(%dma_wait3A_166 : memref<2x128xi32, #tpu.memory_space<hbm>>) dst(%dma_wait3A_162 : memref<2x128xi32, #tpu.memory_space<vmem>>)
        %dma_start3A_167 = arith.constant 0 : i32
        %dma_start3A_168 = arith.constant 0 : i32
        %dma_start3A_169 = arith.constant 0 : i32
        %dma_start3A_170 = arith.constant 0 : i32
        %dma_start3A_171 = arith.constant 0 : i32
        %dma_start3A_172 = tpu.memref_slice %arg7[%dma_start3A_169, %dma_start3A_170, %dma_start3A_171] : memref<2x128x128xf32, #tpu.memory_space<vmem>> -> memref<1x128x128xf32, #tpu.memory_space<vmem>>
        %dma_start3A_173 = tpu.memref_squeeze %dma_start3A_172 : memref<1x128x128xf32, #tpu.memory_space<vmem>> -> memref<128x128xf32, #tpu.memory_space<vmem>>
        %dma_start3A_174 = arith.constant 0 : i32
        %dma_start3A_175 = tpu.memref_slice %arg6[%dma_start3A_167, %dma_start3A_168, %dma_start3A_174] : memref<2x2x128xi32, #tpu.memory_space<vmem>> -> memref<1x1x128xi32, #tpu.memory_space<vmem>>
        %dma_start3A_176 = tpu.memref_squeeze %dma_start3A_175 : memref<1x1x128xi32, #tpu.memory_space<vmem>> -> memref<128xi32, #tpu.memory_space<vmem>>
        %dma_start3A_177 = arith.constant 0 : i32
        %dma_start3A_178 = arith.constant 0 : i32
        %dma_start3A_179 = tpu.memref_slice %arg2[%dma_start3A_177, %dma_start3A_178] : memref<10240x128xf32, #tpu.memory_space<hbm>> -> memref<10240x128xf32, #tpu.memory_space<hbm>>
        tpu.enqueue_indirect_dma source(%dma_start3A_179 : memref<10240x128xf32, #tpu.memory_space<hbm>>) target(%dma_start3A_173 : memref<128x128xf32, #tpu.memory_space<vmem>>) offsets(%dma_start3A_176 : memref<128xi32, #tpu.memory_space<vmem>>) semaphore(%arg9 : memref<!tpu.dma_semaphore, #tpu.memory_space<semaphore_mem>>)
      } else {
      }
      %dma_wait3A_128 = arith.constant 1 : i32
      %dma_wait3A_129 = arith.constant 0 : i32
      %dma_wait3A_130 = arith.constant 1 : i32
      %dma_wait3A_131 = arith.constant 0 : i32
      %dma_wait3A_132 = arith.constant 0 : i32
      %dma_wait3A_133 = tpu.memref_slice %arg7[%dma_wait3A_130, %dma_wait3A_131, %dma_wait3A_132] : memref<2x128x128xf32, #tpu.memory_space<vmem>> -> memref<1x128x128xf32, #tpu.memory_space<vmem>>
      %dma_wait3A_134 = tpu.memref_squeeze %dma_wait3A_133 : memref<1x128x128xf32, #tpu.memory_space<vmem>> -> memref<128x128xf32, #tpu.memory_space<vmem>>
      %dma_wait3A_135 = arith.constant 0 : i32
      %dma_wait3A_136 = tpu.memref_slice %arg6[%dma_wait3A_128, %dma_wait3A_129, %dma_wait3A_135] : memref<2x2x128xi32, #tpu.memory_space<vmem>> -> memref<1x1x128xi32, #tpu.memory_space<vmem>>
      %dma_wait3A_137 = tpu.memref_squeeze %dma_wait3A_136 : memref<1x1x128xi32, #tpu.memory_space<vmem>> -> memref<128xi32, #tpu.memory_space<vmem>>
      %dma_wait3A_138 = arith.constant 0 : i32
      %dma_wait3A_139 = arith.constant 0 : i32
      %dma_wait3A_140 = tpu.memref_slice %arg2[%dma_wait3A_138, %dma_wait3A_139] : memref<10240x128xf32, #tpu.memory_space<hbm>> -> memref<10240x128xf32, #tpu.memory_space<hbm>>
      tpu.wait_indirect_dma semaphore(%arg10 : memref<!tpu.dma_semaphore, #tpu.memory_space<semaphore_mem>>) src(%dma_wait3A_140 : memref<10240x128xf32, #tpu.memory_space<hbm>>) dst(%dma_wait3A_134 : memref<128x128xf32, #tpu.memory_space<vmem>>)
      %run_scoped3A_141 = arith.constant 1 : i32
      %run_scoped3A_142 = arith.constant 1 : i32
      %run_scoped3A_143 = arith.constant 1 : i32
      "tpu.region"() ({
        %run_scoped3A_149 = tpu.sem_alloc : memref<!tpu.dma_semaphore, #tpu.memory_space<semaphore_mem>>
        %dma_start3A_150 = arith.constant 0 : i32
        %dma_start3A_151 = arith.constant 0 : i32
        %dma_start3A_152 = tpu.memref_slice %arg7[%run_scoped3A_141, %dma_start3A_150, %dma_start3A_151] : memref<2x128x128xf32, #tpu.memory_space<vmem>> -> memref<1x128x128xf32, #tpu.memory_space<vmem>>
        %dma_start3A_153 = tpu.memref_squeeze %dma_start3A_152 : memref<1x128x128xf32, #tpu.memory_space<vmem>> -> memref<128x128xf32, #tpu.memory_space<vmem>>
        %dma_start3A_154 = arith.constant 0 : i32
        %dma_start3A_155 = tpu.memref_slice %arg6[%run_scoped3A_142, %run_scoped3A_143, %dma_start3A_154] : memref<2x2x128xi32, #tpu.memory_space<vmem>> -> memref<1x1x128xi32, #tpu.memory_space<vmem>>
        %dma_start3A_156 = tpu.memref_squeeze %dma_start3A_155 : memref<1x1x128xi32, #tpu.memory_space<vmem>> -> memref<128xi32, #tpu.memory_space<vmem>>
        %dma_start3A_157 = arith.constant 0 : i32
        %dma_start3A_158 = arith.constant 0 : i32
        %dma_start3A_159 = tpu.memref_slice %arg8[%dma_start3A_157, %dma_start3A_158] : memref<10240x128xf32, #tpu.memory_space<vmem_shared>> -> memref<10240x128xf32, #tpu.memory_space<vmem_shared>>
        tpu.enqueue_indirect_dma source(%dma_start3A_153 : memref<128x128xf32, #tpu.memory_space<vmem>>) target(%dma_start3A_159 : memref<10240x128xf32, #tpu.memory_space<vmem_shared>>) offsets(%dma_start3A_156 : memref<128xi32, #tpu.memory_space<vmem>>) semaphore(%run_scoped3A_149 : memref<!tpu.dma_semaphore, #tpu.memory_space<semaphore_mem>>) {add = true}
        %dma_wait3A_160 = arith.constant 0 : i32
        %dma_wait3A_161 = arith.constant 0 : i32
        %dma_wait3A_162 = tpu.memref_slice %arg7[%run_scoped3A_141, %dma_wait3A_160, %dma_wait3A_161] : memref<2x128x128xf32, #tpu.memory_space<vmem>> -> memref<1x128x128xf32, #tpu.memory_space<vmem>>
        %dma_wait3A_163 = tpu.memref_squeeze %dma_wait3A_162 : memref<1x128x128xf32, #tpu.memory_space<vmem>> -> memref<128x128xf32, #tpu.memory_space<vmem>>
        %dma_wait3A_164 = arith.constant 0 : i32
        %dma_wait3A_165 = tpu.memref_slice %arg6[%run_scoped3A_142, %run_scoped3A_143, %dma_wait3A_164] : memref<2x2x128xi32, #tpu.memory_space<vmem>> -> memref<1x1x128xi32, #tpu.memory_space<vmem>>
        %dma_wait3A_166 = tpu.memref_squeeze %dma_wait3A_165 : memref<1x1x128xi32, #tpu.memory_space<vmem>> -> memref<128xi32, #tpu.memory_space<vmem>>
        %dma_wait3A_167 = arith.constant 0 : i32
        %dma_wait3A_168 = arith.constant 0 : i32
        %dma_wait3A_169 = tpu.memref_slice %arg8[%dma_wait3A_167, %dma_wait3A_168] : memref<10240x128xf32, #tpu.memory_space<vmem_shared>> -> memref<10240x128xf32, #tpu.memory_space<vmem_shared>>
        tpu.wait_indirect_dma semaphore(%run_scoped3A_149 : memref<!tpu.dma_semaphore, #tpu.memory_space<semaphore_mem>>) src(%dma_wait3A_163 : memref<128x128xf32, #tpu.memory_space<vmem>>) dst(%dma_wait3A_169 : memref<10240x128xf32, #tpu.memory_space<vmem_shared>>)
        tpu.yield
      }) : () -> ()
      %lt3A_144 = arith.constant 80 : i32
      %lt3A_145 = arith.cmpi slt, %add3A_122, %lt3A_144 : i32
      %convert_element_type3A_146 = arith.extui %lt3A_145 : i1 to i32
      %cond3A_147 = arith.constant 0 : i32
      %cond3A_148 = arith.cmpi ne, %convert_element_type3A_146, %cond3A_147 : i32
      scf.if %cond3A_148 {
        %add3A_149 = arith.addi %mul3A_2, %add3A_122 : i32
        %dma_start3A_150 = arith.constant 1 : i32
        %dma_start3A_151 = arith.constant 0 : i32
        %dma_start3A_152 = arith.constant 0 : i32
        %dma_start3A_153 = tpu.memref_slice %arg6[%dma_start3A_150, %dma_start3A_151, %dma_start3A_152] : memref<2x2x128xi32, #tpu.memory_space<vmem>> -> memref<1x2x128xi32, #tpu.memory_space<vmem>>
        %dma_start3A_154 = tpu.memref_squeeze %dma_start3A_153 : memref<1x2x128xi32, #tpu.memory_space<vmem>> -> memref<2x128xi32, #tpu.memory_space<vmem>>
        %dma_start3A_155 = arith.constant 0 : i32
        %dma_start3A_156 = arith.constant 0 : i32
        %dma_start3A_157 = tpu.memref_slice %arg3[%add3A_149, %dma_start3A_155, %dma_start3A_156] : memref<2560x2x128xi32, #tpu.memory_space<hbm>> -> memref<1x2x128xi32, #tpu.memory_space<hbm>>
        %dma_start3A_158 = tpu.memref_squeeze %dma_start3A_157 : memref<1x2x128xi32, #tpu.memory_space<hbm>> -> memref<2x128xi32, #tpu.memory_space<hbm>>
        %dma_start3A_159 = arith.constant 0 : i32
        %dma_start3A_160 = arith.constant 0 : i32
        %dma_start3A_161 = tpu.memref_slice %arg6[%dma_start3A_150, %dma_start3A_159, %dma_start3A_160] : memref<2x2x128xi32, #tpu.memory_space<vmem>> -> memref<1x2x128xi32, #tpu.memory_space<vmem>>
        %dma_start3A_162 = tpu.memref_squeeze %dma_start3A_161 : memref<1x2x128xi32, #tpu.memory_space<vmem>> -> memref<2x128xi32, #tpu.memory_space<vmem>>
        %dma_start3A_163 = arith.constant 0 : i32
        %dma_start3A_164 = arith.constant 0 : i32
        %dma_start3A_165 = tpu.memref_slice %arg3[%add3A_149, %dma_start3A_163, %dma_start3A_164] : memref<2560x2x128xi32, #tpu.memory_space<hbm>> -> memref<1x2x128xi32, #tpu.memory_space<hbm>>
        %dma_start3A_166 = tpu.memref_squeeze %dma_start3A_165 : memref<1x2x128xi32, #tpu.memory_space<hbm>> -> memref<2x128xi32, #tpu.memory_space<hbm>>
        tpu.enqueue_dma source(%dma_start3A_166 : memref<2x128xi32, #tpu.memory_space<hbm>>) target(%dma_start3A_162 : memref<2x128xi32, #tpu.memory_space<vmem>>) target_semaphore(%arg12 : memref<!tpu.dma_semaphore, #tpu.memory_space<semaphore_mem>>)
      } else {
      }
    }
    %scan3A_77 = arith.constant 40 : i32
    %barrier3A_78 = arith.constant 0 : index
    tpu.barrier barrier_id(%barrier3A_78)
    %mul3A_79 = arith.constant 640 : i32
    %mul3A_80 = arith.muli %arg1, %mul3A_79 : i32
    %mul3A_81 = arith.constant 10240 : i32
    %mul3A_82 = arith.muli %arg0, %mul3A_81 : i32
    %mul3A_83 = arith.constant 640 : i32
    %mul3A_84 = arith.muli %arg1, %mul3A_83 : i32
    %add3A_85 = arith.addi %mul3A_82, %mul3A_84 : i32
    "tpu.region"() ({
      %run_scoped3A = tpu.sem_alloc : memref<!tpu.dma_semaphore, #tpu.memory_space<semaphore_mem>>
      %dma_start3A_86 = arith.constant 0 : i32
      %dma_start3A_87 = tpu.memref_slice %arg5[%add3A_85, %dma_start3A_86] : memref<20480x128xf32, #tpu.memory_space<hbm>> -> memref<640x128xf32, #tpu.memory_space<hbm>>
      %dma_start3A_88 = arith.constant 0 : i32
      %dma_start3A_89 = tpu.memref_slice %arg8[%mul3A_80, %dma_start3A_88] : memref<10240x128xf32, #tpu.memory_space<vmem_shared>> -> memref<640x128xf32, #tpu.memory_space<vmem_shared>>
      tpu.enqueue_dma source(%dma_start3A_89 : memref<640x128xf32, #tpu.memory_space<vmem_shared>>) target(%dma_start3A_87 : memref<640x128xf32, #tpu.memory_space<hbm>>) target_semaphore(%run_scoped3A : memref<!tpu.dma_semaphore, #tpu.memory_space<semaphore_mem>>)
      %dma_wait3A_90 = arith.constant 0 : i32
      %dma_wait3A_91 = tpu.memref_slice %arg5[%add3A_85, %dma_wait3A_90] : memref<20480x128xf32, #tpu.memory_space<hbm>> -> memref<640x128xf32, #tpu.memory_space<hbm>>
      %dma_wait3A_92 = arith.constant 0 : i32
      %dma_wait3A_93 = tpu.memref_slice %arg8[%mul3A_80, %dma_wait3A_92] : memref<10240x128xf32, #tpu.memory_space<vmem_shared>> -> memref<640x128xf32, #tpu.memory_space<vmem_shared>>
      tpu.wait_dma2 semaphore(%run_scoped3A : memref<!tpu.dma_semaphore, #tpu.memory_space<semaphore_mem>>) src(%dma_wait3A_93 : memref<640x128xf32, #tpu.memory_space<vmem_shared>>) dst(%dma_wait3A_91 : memref<640x128xf32, #tpu.memory_space<hbm>>)
      tpu.yield
    }) : () -> ()
    return
  }
}

#map = affine_map<(d0, d1) -> (0, 0)>
module attributes {stable_mosaic.version = 14 : i64} {
  func.func @_deg_body(%arg0: i32, %arg1: i32, %arg2: memref<2560x128xi32, #tpu.memory_space<hbm>>, %arg3: memref<2560x128xi32, #tpu.memory_space<hbm>>, %arg4: memref<640x16xf32, #tpu.memory_space<hbm>>, %arg5: memref<128x16xf32, #tpu.memory_space<hbm>>, %arg6: memref<40960x16xf32, #tpu.memory_space<hbm>>, %arg7: memref<80x128xi32, #tpu.memory_space<vmem>>, %arg8: memref<80x128xi32, #tpu.memory_space<vmem>>, %arg9: memref<128x16xf32, #tpu.memory_space<vmem>>, %arg10: memref<10240x16xf32, #tpu.memory_space<vmem_shared>>, %arg11: memref<10240x16xf32, #tpu.memory_space<vmem_shared>>) attributes {dimension_semantics = [#tpu.dimension_semantics<core_parallel>, #tpu.dimension_semantics<subcore_parallel>], iteration_bounds = array<i64: 2, 16>, scalar_prefetch = 0 : i64, scratch_operands = 5 : i64, tpu.core_type = #tpu.core_type<sc_vector_subcore>, window_params = [{transform_indices = #map}, {transform_indices = #map}, {transform_indices = #map}, {transform_indices = #map}, {transform_indices = #map}]} {
    %mul3A = arith.constant 16 : i32
    %mul3A_0 = arith.muli %arg0, %mul3A : i32
    %add3A = arith.addi %mul3A_0, %arg1 : i32
    %mul3A_1 = arith.constant 640 : i32
    %mul3A_2 = arith.muli %arg1, %mul3A_1 : i32
    "tpu.region"() ({
      %run_scoped3A = tpu.sem_alloc : memref<!tpu.dma_semaphore, #tpu.memory_space<semaphore_mem>>
      %dma_start3A = arith.constant 0 : i32
      %dma_start3A_31 = tpu.memref_slice %arg10[%mul3A_2, %dma_start3A] : memref<10240x16xf32, #tpu.memory_space<vmem_shared>> -> memref<640x16xf32, #tpu.memory_space<vmem_shared>>
      tpu.enqueue_dma source(%arg4 : memref<640x16xf32, #tpu.memory_space<hbm>>) target(%dma_start3A_31 : memref<640x16xf32, #tpu.memory_space<vmem_shared>>) target_semaphore(%run_scoped3A : memref<!tpu.dma_semaphore, #tpu.memory_space<semaphore_mem>>)
      %dma_wait3A = arith.constant 0 : i32
      %dma_wait3A_32 = tpu.memref_slice %arg10[%mul3A_2, %dma_wait3A] : memref<10240x16xf32, #tpu.memory_space<vmem_shared>> -> memref<640x16xf32, #tpu.memory_space<vmem_shared>>
      tpu.wait_dma2 semaphore(%run_scoped3A : memref<!tpu.dma_semaphore, #tpu.memory_space<semaphore_mem>>) src(%arg4 : memref<640x16xf32, #tpu.memory_space<hbm>>) dst(%dma_wait3A_32 : memref<640x16xf32, #tpu.memory_space<vmem_shared>>)
      tpu.yield
    }) : () -> ()
    %mul3A_3 = arith.constant 640 : i32
    %mul3A_4 = arith.muli %arg1, %mul3A_3 : i32
    "tpu.region"() ({
      %run_scoped3A = tpu.sem_alloc : memref<!tpu.dma_semaphore, #tpu.memory_space<semaphore_mem>>
      %dma_start3A = arith.constant 0 : i32
      %dma_start3A_31 = tpu.memref_slice %arg11[%mul3A_4, %dma_start3A] : memref<10240x16xf32, #tpu.memory_space<vmem_shared>> -> memref<640x16xf32, #tpu.memory_space<vmem_shared>>
      tpu.enqueue_dma source(%arg4 : memref<640x16xf32, #tpu.memory_space<hbm>>) target(%dma_start3A_31 : memref<640x16xf32, #tpu.memory_space<vmem_shared>>) target_semaphore(%run_scoped3A : memref<!tpu.dma_semaphore, #tpu.memory_space<semaphore_mem>>)
      %dma_wait3A = arith.constant 0 : i32
      %dma_wait3A_32 = tpu.memref_slice %arg11[%mul3A_4, %dma_wait3A] : memref<10240x16xf32, #tpu.memory_space<vmem_shared>> -> memref<640x16xf32, #tpu.memory_space<vmem_shared>>
      tpu.wait_dma2 semaphore(%run_scoped3A : memref<!tpu.dma_semaphore, #tpu.memory_space<semaphore_mem>>) src(%arg4 : memref<640x16xf32, #tpu.memory_space<hbm>>) dst(%dma_wait3A_32 : memref<640x16xf32, #tpu.memory_space<vmem_shared>>)
      tpu.yield
    }) : () -> ()
    "tpu.region"() ({
      %run_scoped3A = tpu.sem_alloc : memref<!tpu.dma_semaphore, #tpu.memory_space<semaphore_mem>>
      tpu.enqueue_dma source(%arg5 : memref<128x16xf32, #tpu.memory_space<hbm>>) target(%arg9 : memref<128x16xf32, #tpu.memory_space<vmem>>) target_semaphore(%run_scoped3A : memref<!tpu.dma_semaphore, #tpu.memory_space<semaphore_mem>>)
      tpu.wait_dma2 semaphore(%run_scoped3A : memref<!tpu.dma_semaphore, #tpu.memory_space<semaphore_mem>>) src(%arg5 : memref<128x16xf32, #tpu.memory_space<hbm>>) dst(%arg9 : memref<128x16xf32, #tpu.memory_space<vmem>>)
      tpu.yield
    }) : () -> ()
    %mul3A_5 = arith.constant 80 : i32
    %mul3A_6 = arith.muli %add3A, %mul3A_5 : i32
    "tpu.region"() ({
      %run_scoped3A = tpu.sem_alloc : memref<!tpu.dma_semaphore, #tpu.memory_space<semaphore_mem>>
      %dma_start3A = arith.constant 0 : i32
      %dma_start3A_31 = tpu.memref_slice %arg2[%mul3A_6, %dma_start3A] : memref<2560x128xi32, #tpu.memory_space<hbm>> -> memref<80x128xi32, #tpu.memory_space<hbm>>
      %dma_start3A_32 = arith.constant 0 : i32
      %dma_start3A_33 = tpu.memref_slice %arg2[%mul3A_6, %dma_start3A_32] : memref<2560x128xi32, #tpu.memory_space<hbm>> -> memref<80x128xi32, #tpu.memory_space<hbm>>
      tpu.enqueue_dma source(%dma_start3A_33 : memref<80x128xi32, #tpu.memory_space<hbm>>) target(%arg7 : memref<80x128xi32, #tpu.memory_space<vmem>>) target_semaphore(%run_scoped3A : memref<!tpu.dma_semaphore, #tpu.memory_space<semaphore_mem>>)
      %dma_wait3A = arith.constant 0 : i32
      %dma_wait3A_34 = tpu.memref_slice %arg2[%mul3A_6, %dma_wait3A] : memref<2560x128xi32, #tpu.memory_space<hbm>> -> memref<80x128xi32, #tpu.memory_space<hbm>>
      %dma_wait3A_35 = arith.constant 0 : i32
      %dma_wait3A_36 = tpu.memref_slice %arg2[%mul3A_6, %dma_wait3A_35] : memref<2560x128xi32, #tpu.memory_space<hbm>> -> memref<80x128xi32, #tpu.memory_space<hbm>>
      tpu.wait_dma2 semaphore(%run_scoped3A : memref<!tpu.dma_semaphore, #tpu.memory_space<semaphore_mem>>) src(%dma_wait3A_36 : memref<80x128xi32, #tpu.memory_space<hbm>>) dst(%arg7 : memref<80x128xi32, #tpu.memory_space<vmem>>)
      tpu.yield
    }) : () -> ()
    %mul3A_7 = arith.constant 80 : i32
    %mul3A_8 = arith.muli %add3A, %mul3A_7 : i32
    "tpu.region"() ({
      %run_scoped3A = tpu.sem_alloc : memref<!tpu.dma_semaphore, #tpu.memory_space<semaphore_mem>>
      %dma_start3A = arith.constant 0 : i32
      %dma_start3A_31 = tpu.memref_slice %arg3[%mul3A_8, %dma_start3A] : memref<2560x128xi32, #tpu.memory_space<hbm>> -> memref<80x128xi32, #tpu.memory_space<hbm>>
      %dma_start3A_32 = arith.constant 0 : i32
      %dma_start3A_33 = tpu.memref_slice %arg3[%mul3A_8, %dma_start3A_32] : memref<2560x128xi32, #tpu.memory_space<hbm>> -> memref<80x128xi32, #tpu.memory_space<hbm>>
      tpu.enqueue_dma source(%dma_start3A_33 : memref<80x128xi32, #tpu.memory_space<hbm>>) target(%arg8 : memref<80x128xi32, #tpu.memory_space<vmem>>) target_semaphore(%run_scoped3A : memref<!tpu.dma_semaphore, #tpu.memory_space<semaphore_mem>>)
      %dma_wait3A = arith.constant 0 : i32
      %dma_wait3A_34 = tpu.memref_slice %arg3[%mul3A_8, %dma_wait3A] : memref<2560x128xi32, #tpu.memory_space<hbm>> -> memref<80x128xi32, #tpu.memory_space<hbm>>
      %dma_wait3A_35 = arith.constant 0 : i32
      %dma_wait3A_36 = tpu.memref_slice %arg3[%mul3A_8, %dma_wait3A_35] : memref<2560x128xi32, #tpu.memory_space<hbm>> -> memref<80x128xi32, #tpu.memory_space<hbm>>
      tpu.wait_dma2 semaphore(%run_scoped3A : memref<!tpu.dma_semaphore, #tpu.memory_space<semaphore_mem>>) src(%dma_wait3A_36 : memref<80x128xi32, #tpu.memory_space<hbm>>) dst(%arg8 : memref<80x128xi32, #tpu.memory_space<vmem>>)
      tpu.yield
    }) : () -> ()
    %barrier3A = arith.constant 0 : index
    tpu.barrier barrier_id(%barrier3A)
    %scan3A = arith.constant 0 : i32
    %scan3A_9 = arith.constant 0 : i32
    %scan3A_10 = arith.constant 80 : i32
    %scan3A_11 = arith.addi %scan3A_9, %scan3A_10 : i32
    %scan3A_12 = arith.constant 1 : i32
    scf.for %scan3A_31 = %scan3A_9 to %scan3A_11 step %scan3A_12  : i32 {
      "tpu.region"() ({
        %run_scoped3A = tpu.sem_alloc : memref<!tpu.dma_semaphore, #tpu.memory_space<semaphore_mem>>
        %dma_start3A = arith.constant 0 : i32
        %dma_start3A_32 = tpu.memref_slice %arg7[%scan3A_31, %dma_start3A] : memref<80x128xi32, #tpu.memory_space<vmem>> -> memref<1x128xi32, #tpu.memory_space<vmem>>
        %dma_start3A_33 = tpu.memref_squeeze %dma_start3A_32 : memref<1x128xi32, #tpu.memory_space<vmem>> -> memref<128xi32, #tpu.memory_space<vmem>>
        %dma_start3A_34 = arith.constant 0 : i32
        %dma_start3A_35 = arith.constant 0 : i32
        %dma_start3A_36 = tpu.memref_slice %arg10[%dma_start3A_34, %dma_start3A_35] : memref<10240x16xf32, #tpu.memory_space<vmem_shared>> -> memref<10240x16xf32, #tpu.memory_space<vmem_shared>>
        tpu.enqueue_indirect_dma source(%arg9 : memref<128x16xf32, #tpu.memory_space<vmem>>) target(%dma_start3A_36 : memref<10240x16xf32, #tpu.memory_space<vmem_shared>>) offsets(%dma_start3A_33 : memref<128xi32, #tpu.memory_space<vmem>>) semaphore(%run_scoped3A : memref<!tpu.dma_semaphore, #tpu.memory_space<semaphore_mem>>) {add = true}
        %dma_wait3A = arith.constant 0 : i32
        %dma_wait3A_37 = tpu.memref_slice %arg7[%scan3A_31, %dma_wait3A] : memref<80x128xi32, #tpu.memory_space<vmem>> -> memref<1x128xi32, #tpu.memory_space<vmem>>
        %dma_wait3A_38 = tpu.memref_squeeze %dma_wait3A_37 : memref<1x128xi32, #tpu.memory_space<vmem>> -> memref<128xi32, #tpu.memory_space<vmem>>
        %dma_wait3A_39 = arith.constant 0 : i32
        %dma_wait3A_40 = arith.constant 0 : i32
        %dma_wait3A_41 = tpu.memref_slice %arg10[%dma_wait3A_39, %dma_wait3A_40] : memref<10240x16xf32, #tpu.memory_space<vmem_shared>> -> memref<10240x16xf32, #tpu.memory_space<vmem_shared>>
        tpu.wait_indirect_dma semaphore(%run_scoped3A : memref<!tpu.dma_semaphore, #tpu.memory_space<semaphore_mem>>) src(%arg9 : memref<128x16xf32, #tpu.memory_space<vmem>>) dst(%dma_wait3A_41 : memref<10240x16xf32, #tpu.memory_space<vmem_shared>>)
        tpu.yield
      }) : () -> ()
      "tpu.region"() ({
        %run_scoped3A = tpu.sem_alloc : memref<!tpu.dma_semaphore, #tpu.memory_space<semaphore_mem>>
        %dma_start3A = arith.constant 0 : i32
        %dma_start3A_32 = tpu.memref_slice %arg8[%scan3A_31, %dma_start3A] : memref<80x128xi32, #tpu.memory_space<vmem>> -> memref<1x128xi32, #tpu.memory_space<vmem>>
        %dma_start3A_33 = tpu.memref_squeeze %dma_start3A_32 : memref<1x128xi32, #tpu.memory_space<vmem>> -> memref<128xi32, #tpu.memory_space<vmem>>
        %dma_start3A_34 = arith.constant 0 : i32
        %dma_start3A_35 = arith.constant 0 : i32
        %dma_start3A_36 = tpu.memref_slice %arg11[%dma_start3A_34, %dma_start3A_35] : memref<10240x16xf32, #tpu.memory_space<vmem_shared>> -> memref<10240x16xf32, #tpu.memory_space<vmem_shared>>
        tpu.enqueue_indirect_dma source(%arg9 : memref<128x16xf32, #tpu.memory_space<vmem>>) target(%dma_start3A_36 : memref<10240x16xf32, #tpu.memory_space<vmem_shared>>) offsets(%dma_start3A_33 : memref<128xi32, #tpu.memory_space<vmem>>) semaphore(%run_scoped3A : memref<!tpu.dma_semaphore, #tpu.memory_space<semaphore_mem>>) {add = true}
        %dma_wait3A = arith.constant 0 : i32
        %dma_wait3A_37 = tpu.memref_slice %arg8[%scan3A_31, %dma_wait3A] : memref<80x128xi32, #tpu.memory_space<vmem>> -> memref<1x128xi32, #tpu.memory_space<vmem>>
        %dma_wait3A_38 = tpu.memref_squeeze %dma_wait3A_37 : memref<1x128xi32, #tpu.memory_space<vmem>> -> memref<128xi32, #tpu.memory_space<vmem>>
        %dma_wait3A_39 = arith.constant 0 : i32
        %dma_wait3A_40 = arith.constant 0 : i32
        %dma_wait3A_41 = tpu.memref_slice %arg11[%dma_wait3A_39, %dma_wait3A_40] : memref<10240x16xf32, #tpu.memory_space<vmem_shared>> -> memref<10240x16xf32, #tpu.memory_space<vmem_shared>>
        tpu.wait_indirect_dma semaphore(%run_scoped3A : memref<!tpu.dma_semaphore, #tpu.memory_space<semaphore_mem>>) src(%arg9 : memref<128x16xf32, #tpu.memory_space<vmem>>) dst(%dma_wait3A_41 : memref<10240x16xf32, #tpu.memory_space<vmem_shared>>)
        tpu.yield
      }) : () -> ()
    }
    %scan3A_13 = arith.constant 80 : i32
    %barrier3A_14 = arith.constant 0 : index
    tpu.barrier barrier_id(%barrier3A_14)
    %mul3A_15 = arith.constant 2 : i32
    %mul3A_16 = arith.muli %arg0, %mul3A_15 : i32
    %mul3A_17 = arith.constant 10240 : i32
    %mul3A_18 = arith.muli %mul3A_16, %mul3A_17 : i32
    %mul3A_19 = arith.constant 640 : i32
    %mul3A_20 = arith.muli %arg1, %mul3A_19 : i32
    %mul3A_21 = arith.constant 640 : i32
    %mul3A_22 = arith.muli %arg1, %mul3A_21 : i32
    %add3A_23 = arith.addi %mul3A_18, %mul3A_22 : i32
    "tpu.region"() ({
      %run_scoped3A = tpu.sem_alloc : memref<!tpu.dma_semaphore, #tpu.memory_space<semaphore_mem>>
      %dma_start3A = arith.constant 0 : i32
      %dma_start3A_31 = tpu.memref_slice %arg6[%add3A_23, %dma_start3A] : memref<40960x16xf32, #tpu.memory_space<hbm>> -> memref<640x16xf32, #tpu.memory_space<hbm>>
      %dma_start3A_32 = arith.constant 0 : i32
      %dma_start3A_33 = tpu.memref_slice %arg10[%mul3A_20, %dma_start3A_32] : memref<10240x16xf32, #tpu.memory_space<vmem_shared>> -> memref<640x16xf32, #tpu.memory_space<vmem_shared>>
      tpu.enqueue_dma source(%dma_start3A_33 : memref<640x16xf32, #tpu.memory_space<vmem_shared>>) target(%dma_start3A_31 : memref<640x16xf32, #tpu.memory_space<hbm>>) target_semaphore(%run_scoped3A : memref<!tpu.dma_semaphore, #tpu.memory_space<semaphore_mem>>)
      %dma_wait3A = arith.constant 0 : i32
      %dma_wait3A_34 = tpu.memref_slice %arg6[%add3A_23, %dma_wait3A] : memref<40960x16xf32, #tpu.memory_space<hbm>> -> memref<640x16xf32, #tpu.memory_space<hbm>>
      %dma_wait3A_35 = arith.constant 0 : i32
      %dma_wait3A_36 = tpu.memref_slice %arg10[%mul3A_20, %dma_wait3A_35] : memref<10240x16xf32, #tpu.memory_space<vmem_shared>> -> memref<640x16xf32, #tpu.memory_space<vmem_shared>>
      tpu.wait_dma2 semaphore(%run_scoped3A : memref<!tpu.dma_semaphore, #tpu.memory_space<semaphore_mem>>) src(%dma_wait3A_36 : memref<640x16xf32, #tpu.memory_space<vmem_shared>>) dst(%dma_wait3A_34 : memref<640x16xf32, #tpu.memory_space<hbm>>)
      tpu.yield
    }) : () -> ()
    %mul3A_24 = arith.constant 640 : i32
    %mul3A_25 = arith.muli %arg1, %mul3A_24 : i32
    %add3A_26 = arith.constant 10240 : i32
    %add3A_27 = arith.addi %mul3A_18, %add3A_26 : i32
    %mul3A_28 = arith.constant 640 : i32
    %mul3A_29 = arith.muli %arg1, %mul3A_28 : i32
    %add3A_30 = arith.addi %add3A_27, %mul3A_29 : i32
    "tpu.region"() ({
      %run_scoped3A = tpu.sem_alloc : memref<!tpu.dma_semaphore, #tpu.memory_space<semaphore_mem>>
      %dma_start3A = arith.constant 0 : i32
      %dma_start3A_31 = tpu.memref_slice %arg6[%add3A_30, %dma_start3A] : memref<40960x16xf32, #tpu.memory_space<hbm>> -> memref<640x16xf32, #tpu.memory_space<hbm>>
      %dma_start3A_32 = arith.constant 0 : i32
      %dma_start3A_33 = tpu.memref_slice %arg11[%mul3A_25, %dma_start3A_32] : memref<10240x16xf32, #tpu.memory_space<vmem_shared>> -> memref<640x16xf32, #tpu.memory_space<vmem_shared>>
      tpu.enqueue_dma source(%dma_start3A_33 : memref<640x16xf32, #tpu.memory_space<vmem_shared>>) target(%dma_start3A_31 : memref<640x16xf32, #tpu.memory_space<hbm>>) target_semaphore(%run_scoped3A : memref<!tpu.dma_semaphore, #tpu.memory_space<semaphore_mem>>)
      %dma_wait3A = arith.constant 0 : i32
      %dma_wait3A_34 = tpu.memref_slice %arg6[%add3A_30, %dma_wait3A] : memref<40960x16xf32, #tpu.memory_space<hbm>> -> memref<640x16xf32, #tpu.memory_space<hbm>>
      %dma_wait3A_35 = arith.constant 0 : i32
      %dma_wait3A_36 = tpu.memref_slice %arg11[%mul3A_25, %dma_wait3A_35] : memref<10240x16xf32, #tpu.memory_space<vmem_shared>> -> memref<640x16xf32, #tpu.memory_space<vmem_shared>>
      tpu.wait_dma2 semaphore(%run_scoped3A : memref<!tpu.dma_semaphore, #tpu.memory_space<semaphore_mem>>) src(%dma_wait3A_36 : memref<640x16xf32, #tpu.memory_space<vmem_shared>>) dst(%dma_wait3A_34 : memref<640x16xf32, #tpu.memory_space<hbm>>)
      tpu.yield
    }) : () -> ()
    return
  }
}

#map = affine_map<(d0, d1) -> (0, 0)>
#map1 = affine_map<(d0, d1) -> (0, 0, 0)>
module attributes {stable_mosaic.version = 14 : i64} {
  func.func @_spmm_body(%arg0: i32, %arg1: i32, %arg2: memref<10240x128xf32, #tpu.memory_space<hbm>>, %arg3: memref<2560x2x128xi32, #tpu.memory_space<hbm>>, %arg4: memref<640x128xf32, #tpu.memory_space<hbm>>, %arg5: memref<20480x128xf32, #tpu.memory_space<hbm>>, %arg6: memref<2x2x128xi32, #tpu.memory_space<vmem>>, %arg7: memref<2x128x128xf32, #tpu.memory_space<vmem>>, %arg8: memref<10240x128xf32, #tpu.memory_space<vmem_shared>>, %arg9: memref<!tpu.dma_semaphore, #tpu.memory_space<semaphore_mem>>, %arg10: memref<!tpu.dma_semaphore, #tpu.memory_space<semaphore_mem>>, %arg11: memref<!tpu.dma_semaphore, #tpu.memory_space<semaphore_mem>>, %arg12: memref<!tpu.dma_semaphore, #tpu.memory_space<semaphore_mem>>) attributes {dimension_semantics = [#tpu.dimension_semantics<core_parallel>, #tpu.dimension_semantics<subcore_parallel>], iteration_bounds = array<i64: 2, 16>, scalar_prefetch = 0 : i64, scratch_operands = 7 : i64, tpu.core_type = #tpu.core_type<sc_vector_subcore>, window_params = [{transform_indices = #map}, {transform_indices = #map1}, {transform_indices = #map}, {transform_indices = #map}]} {
    %mul3A = arith.constant 16 : i32
    %mul3A_0 = arith.muli %arg0, %mul3A : i32
    %add3A = arith.addi %mul3A_0, %arg1 : i32
    %mul3A_1 = arith.constant 80 : i32
    %mul3A_2 = arith.muli %add3A, %mul3A_1 : i32
    %mul3A_3 = arith.constant 640 : i32
    %mul3A_4 = arith.muli %arg1, %mul3A_3 : i32
    "tpu.region"() ({
      %run_scoped3A = tpu.sem_alloc : memref<!tpu.dma_semaphore, #tpu.memory_space<semaphore_mem>>
      %dma_start3A_86 = arith.constant 0 : i32
      %dma_start3A_87 = tpu.memref_slice %arg8[%mul3A_4, %dma_start3A_86] : memref<10240x128xf32, #tpu.memory_space<vmem_shared>> -> memref<640x128xf32, #tpu.memory_space<vmem_shared>>
      tpu.enqueue_dma source(%arg4 : memref<640x128xf32, #tpu.memory_space<hbm>>) target(%dma_start3A_87 : memref<640x128xf32, #tpu.memory_space<vmem_shared>>) target_semaphore(%run_scoped3A : memref<!tpu.dma_semaphore, #tpu.memory_space<semaphore_mem>>)
      %dma_wait3A_88 = arith.constant 0 : i32
      %dma_wait3A_89 = tpu.memref_slice %arg8[%mul3A_4, %dma_wait3A_88] : memref<10240x128xf32, #tpu.memory_space<vmem_shared>> -> memref<640x128xf32, #tpu.memory_space<vmem_shared>>
      tpu.wait_dma2 semaphore(%run_scoped3A : memref<!tpu.dma_semaphore, #tpu.memory_space<semaphore_mem>>) src(%arg4 : memref<640x128xf32, #tpu.memory_space<hbm>>) dst(%dma_wait3A_89 : memref<640x128xf32, #tpu.memory_space<vmem_shared>>)
      tpu.yield
    }) : () -> ()
    %barrier3A = arith.constant 0 : index
    tpu.barrier barrier_id(%barrier3A)
    %add3A_5 = arith.constant 0 : i32
    %add3A_6 = arith.addi %mul3A_2, %add3A_5 : i32
    %dma_start3A = arith.constant 0 : i32
    %dma_start3A_7 = arith.constant 0 : i32
    %dma_start3A_8 = arith.constant 0 : i32
    %dma_start3A_9 = tpu.memref_slice %arg6[%dma_start3A, %dma_start3A_7, %dma_start3A_8] : memref<2x2x128xi32, #tpu.memory_space<vmem>> -> memref<1x2x128xi32, #tpu.memory_space<vmem>>
    %dma_start3A_10 = tpu.memref_squeeze %dma_start3A_9 : memref<1x2x128xi32, #tpu.memory_space<vmem>> -> memref<2x128xi32, #tpu.memory_space<vmem>>
    %dma_start3A_11 = arith.constant 0 : i32
    %dma_start3A_12 = arith.constant 0 : i32
    %dma_start3A_13 = tpu.memref_slice %arg3[%add3A_6, %dma_start3A_11, %dma_start3A_12] : memref<2560x2x128xi32, #tpu.memory_space<hbm>> -> memref<1x2x128xi32, #tpu.memory_space<hbm>>
    %dma_start3A_14 = tpu.memref_squeeze %dma_start3A_13 : memref<1x2x128xi32, #tpu.memory_space<hbm>> -> memref<2x128xi32, #tpu.memory_space<hbm>>
    %dma_start3A_15 = arith.constant 0 : i32
    %dma_start3A_16 = arith.constant 0 : i32
    %dma_start3A_17 = tpu.memref_slice %arg6[%dma_start3A, %dma_start3A_15, %dma_start3A_16] : memref<2x2x128xi32, #tpu.memory_space<vmem>> -> memref<1x2x128xi32, #tpu.memory_space<vmem>>
    %dma_start3A_18 = tpu.memref_squeeze %dma_start3A_17 : memref<1x2x128xi32, #tpu.memory_space<vmem>> -> memref<2x128xi32, #tpu.memory_space<vmem>>
    %dma_start3A_19 = arith.constant 0 : i32
    %dma_start3A_20 = arith.constant 0 : i32
    %dma_start3A_21 = tpu.memref_slice %arg3[%add3A_6, %dma_start3A_19, %dma_start3A_20] : memref<2560x2x128xi32, #tpu.memory_space<hbm>> -> memref<1x2x128xi32, #tpu.memory_space<hbm>>
    %dma_start3A_22 = tpu.memref_squeeze %dma_start3A_21 : memref<1x2x128xi32, #tpu.memory_space<hbm>> -> memref<2x128xi32, #tpu.memory_space<hbm>>
    tpu.enqueue_dma source(%dma_start3A_22 : memref<2x128xi32, #tpu.memory_space<hbm>>) target(%dma_start3A_18 : memref<2x128xi32, #tpu.memory_space<vmem>>) target_semaphore(%arg11 : memref<!tpu.dma_semaphore, #tpu.memory_space<semaphore_mem>>)
    %add3A_23 = arith.constant 1 : i32
    %add3A_24 = arith.addi %mul3A_2, %add3A_23 : i32
    %dma_start3A_25 = arith.constant 1 : i32
    %dma_start3A_26 = arith.constant 0 : i32
    %dma_start3A_27 = arith.constant 0 : i32
    %dma_start3A_28 = tpu.memref_slice %arg6[%dma_start3A_25, %dma_start3A_26, %dma_start3A_27] : memref<2x2x128xi32, #tpu.memory_space<vmem>> -> memref<1x2x128xi32, #tpu.memory_space<vmem>>
    %dma_start3A_29 = tpu.memref_squeeze %dma_start3A_28 : memref<1x2x128xi32, #tpu.memory_space<vmem>> -> memref<2x128xi32, #tpu.memory_space<vmem>>
    %dma_start3A_30 = arith.constant 0 : i32
    %dma_start3A_31 = arith.constant 0 : i32
    %dma_start3A_32 = tpu.memref_slice %arg3[%add3A_24, %dma_start3A_30, %dma_start3A_31] : memref<2560x2x128xi32, #tpu.memory_space<hbm>> -> memref<1x2x128xi32, #tpu.memory_space<hbm>>
    %dma_start3A_33 = tpu.memref_squeeze %dma_start3A_32 : memref<1x2x128xi32, #tpu.memory_space<hbm>> -> memref<2x128xi32, #tpu.memory_space<hbm>>
    %dma_start3A_34 = arith.constant 0 : i32
    %dma_start3A_35 = arith.constant 0 : i32
    %dma_start3A_36 = tpu.memref_slice %arg6[%dma_start3A_25, %dma_start3A_34, %dma_start3A_35] : memref<2x2x128xi32, #tpu.memory_space<vmem>> -> memref<1x2x128xi32, #tpu.memory_space<vmem>>
    %dma_start3A_37 = tpu.memref_squeeze %dma_start3A_36 : memref<1x2x128xi32, #tpu.memory_space<vmem>> -> memref<2x128xi32, #tpu.memory_space<vmem>>
    %dma_start3A_38 = arith.constant 0 : i32
    %dma_start3A_39 = arith.constant 0 : i32
    %dma_start3A_40 = tpu.memref_slice %arg3[%add3A_24, %dma_start3A_38, %dma_start3A_39] : memref<2560x2x128xi32, #tpu.memory_space<hbm>> -> memref<1x2x128xi32, #tpu.memory_space<hbm>>
    %dma_start3A_41 = tpu.memref_squeeze %dma_start3A_40 : memref<1x2x128xi32, #tpu.memory_space<hbm>> -> memref<2x128xi32, #tpu.memory_space<hbm>>
    tpu.enqueue_dma source(%dma_start3A_41 : memref<2x128xi32, #tpu.memory_space<hbm>>) target(%dma_start3A_37 : memref<2x128xi32, #tpu.memory_space<vmem>>) target_semaphore(%arg12 : memref<!tpu.dma_semaphore, #tpu.memory_space<semaphore_mem>>)
    %add3A_42 = arith.constant 0 : i32
    %add3A_43 = arith.addi %mul3A_2, %add3A_42 : i32
    %dma_wait3A = arith.constant 0 : i32
    %dma_wait3A_44 = arith.constant 0 : i32
    %dma_wait3A_45 = arith.constant 0 : i32
    %dma_wait3A_46 = tpu.memref_slice %arg6[%dma_wait3A, %dma_wait3A_44, %dma_wait3A_45] : memref<2x2x128xi32, #tpu.memory_space<vmem>> -> memref<1x2x128xi32, #tpu.memory_space<vmem>>
    %dma_wait3A_47 = tpu.memref_squeeze %dma_wait3A_46 : memref<1x2x128xi32, #tpu.memory_space<vmem>> -> memref<2x128xi32, #tpu.memory_space<vmem>>
    %dma_wait3A_48 = arith.constant 0 : i32
    %dma_wait3A_49 = arith.constant 0 : i32
    %dma_wait3A_50 = tpu.memref_slice %arg3[%add3A_43, %dma_wait3A_48, %dma_wait3A_49] : memref<2560x2x128xi32, #tpu.memory_space<hbm>> -> memref<1x2x128xi32, #tpu.memory_space<hbm>>
    %dma_wait3A_51 = tpu.memref_squeeze %dma_wait3A_50 : memref<1x2x128xi32, #tpu.memory_space<hbm>> -> memref<2x128xi32, #tpu.memory_space<hbm>>
    %dma_wait3A_52 = arith.constant 0 : i32
    %dma_wait3A_53 = arith.constant 0 : i32
    %dma_wait3A_54 = tpu.memref_slice %arg6[%dma_wait3A, %dma_wait3A_52, %dma_wait3A_53] : memref<2x2x128xi32, #tpu.memory_space<vmem>> -> memref<1x2x128xi32, #tpu.memory_space<vmem>>
    %dma_wait3A_55 = tpu.memref_squeeze %dma_wait3A_54 : memref<1x2x128xi32, #tpu.memory_space<vmem>> -> memref<2x128xi32, #tpu.memory_space<vmem>>
    %dma_wait3A_56 = arith.constant 0 : i32
    %dma_wait3A_57 = arith.constant 0 : i32
    %dma_wait3A_58 = tpu.memref_slice %arg3[%add3A_43, %dma_wait3A_56, %dma_wait3A_57] : memref<2560x2x128xi32, #tpu.memory_space<hbm>> -> memref<1x2x128xi32, #tpu.memory_space<hbm>>
    %dma_wait3A_59 = tpu.memref_squeeze %dma_wait3A_58 : memref<1x2x128xi32, #tpu.memory_space<hbm>> -> memref<2x128xi32, #tpu.memory_space<hbm>>
    tpu.wait_dma2 semaphore(%arg11 : memref<!tpu.dma_semaphore, #tpu.memory_space<semaphore_mem>>) src(%dma_wait3A_59 : memref<2x128xi32, #tpu.memory_space<hbm>>) dst(%dma_wait3A_55 : memref<2x128xi32, #tpu.memory_space<vmem>>)
    %dma_start3A_60 = arith.constant 0 : i32
    %dma_start3A_61 = arith.constant 0 : i32
    %dma_start3A_62 = arith.constant 0 : i32
    %dma_start3A_63 = arith.constant 0 : i32
    %dma_start3A_64 = arith.constant 0 : i32
    %dma_start3A_65 = tpu.memref_slice %arg7[%dma_start3A_62, %dma_start3A_63, %dma_start3A_64] : memref<2x128x128xf32, #tpu.memory_space<vmem>> -> memref<1x128x128xf32, #tpu.memory_space<vmem>>
    %dma_start3A_66 = tpu.memref_squeeze %dma_start3A_65 : memref<1x128x128xf32, #tpu.memory_space<vmem>> -> memref<128x128xf32, #tpu.memory_space<vmem>>
    %dma_start3A_67 = arith.constant 0 : i32
    %dma_start3A_68 = tpu.memref_slice %arg6[%dma_start3A_60, %dma_start3A_61, %dma_start3A_67] : memref<2x2x128xi32, #tpu.memory_space<vmem>> -> memref<1x1x128xi32, #tpu.memory_space<vmem>>
    %dma_start3A_69 = tpu.memref_squeeze %dma_start3A_68 : memref<1x1x128xi32, #tpu.memory_space<vmem>> -> memref<128xi32, #tpu.memory_space<vmem>>
    %dma_start3A_70 = arith.constant 0 : i32
    %dma_start3A_71 = arith.constant 0 : i32
    %dma_start3A_72 = tpu.memref_slice %arg2[%dma_start3A_70, %dma_start3A_71] : memref<10240x128xf32, #tpu.memory_space<hbm>> -> memref<10240x128xf32, #tpu.memory_space<hbm>>
    tpu.enqueue_indirect_dma source(%dma_start3A_72 : memref<10240x128xf32, #tpu.memory_space<hbm>>) target(%dma_start3A_66 : memref<128x128xf32, #tpu.memory_space<vmem>>) offsets(%dma_start3A_69 : memref<128xi32, #tpu.memory_space<vmem>>) semaphore(%arg9 : memref<!tpu.dma_semaphore, #tpu.memory_space<semaphore_mem>>)
    %scan3A = arith.constant 0 : i32
    %scan3A_73 = arith.constant 0 : i32
    %scan3A_74 = arith.constant 40 : i32
    %scan3A_75 = arith.addi %scan3A_73, %scan3A_74 : i32
    %scan3A_76 = arith.constant 1 : i32
    scf.for %scan3A_86 = %scan3A_73 to %scan3A_75 step %scan3A_76  : i32 {
      %mul3A_87 = arith.constant 2 : i32
      %mul3A_88 = arith.muli %mul3A_87, %scan3A_86 : i32
      %add3A_89 = arith.constant 1 : i32
      %add3A_90 = arith.addi %mul3A_88, %add3A_89 : i32
      %add3A_91 = arith.constant 2 : i32
      %add3A_92 = arith.addi %mul3A_88, %add3A_91 : i32
      %lt3A = arith.constant 80 : i32
      %lt3A_93 = arith.cmpi slt, %add3A_90, %lt3A : i32
      %convert_element_type3A = arith.extui %lt3A_93 : i1 to i32
      %cond3A = arith.constant 0 : i32
      %cond3A_94 = arith.cmpi ne, %convert_element_type3A, %cond3A : i32
      scf.if %cond3A_94 {
        %add3A_149 = arith.addi %mul3A_2, %add3A_90 : i32
        %dma_wait3A_150 = arith.constant 1 : i32
        %dma_wait3A_151 = arith.constant 0 : i32
        %dma_wait3A_152 = arith.constant 0 : i32
        %dma_wait3A_153 = tpu.memref_slice %arg6[%dma_wait3A_150, %dma_wait3A_151, %dma_wait3A_152] : memref<2x2x128xi32, #tpu.memory_space<vmem>> -> memref<1x2x128xi32, #tpu.memory_space<vmem>>
        %dma_wait3A_154 = tpu.memref_squeeze %dma_wait3A_153 : memref<1x2x128xi32, #tpu.memory_space<vmem>> -> memref<2x128xi32, #tpu.memory_space<vmem>>
        %dma_wait3A_155 = arith.constant 0 : i32
        %dma_wait3A_156 = arith.constant 0 : i32
        %dma_wait3A_157 = tpu.memref_slice %arg3[%add3A_149, %dma_wait3A_155, %dma_wait3A_156] : memref<2560x2x128xi32, #tpu.memory_space<hbm>> -> memref<1x2x128xi32, #tpu.memory_space<hbm>>
        %dma_wait3A_158 = tpu.memref_squeeze %dma_wait3A_157 : memref<1x2x128xi32, #tpu.memory_space<hbm>> -> memref<2x128xi32, #tpu.memory_space<hbm>>
        %dma_wait3A_159 = arith.constant 0 : i32
        %dma_wait3A_160 = arith.constant 0 : i32
        %dma_wait3A_161 = tpu.memref_slice %arg6[%dma_wait3A_150, %dma_wait3A_159, %dma_wait3A_160] : memref<2x2x128xi32, #tpu.memory_space<vmem>> -> memref<1x2x128xi32, #tpu.memory_space<vmem>>
        %dma_wait3A_162 = tpu.memref_squeeze %dma_wait3A_161 : memref<1x2x128xi32, #tpu.memory_space<vmem>> -> memref<2x128xi32, #tpu.memory_space<vmem>>
        %dma_wait3A_163 = arith.constant 0 : i32
        %dma_wait3A_164 = arith.constant 0 : i32
        %dma_wait3A_165 = tpu.memref_slice %arg3[%add3A_149, %dma_wait3A_163, %dma_wait3A_164] : memref<2560x2x128xi32, #tpu.memory_space<hbm>> -> memref<1x2x128xi32, #tpu.memory_space<hbm>>
        %dma_wait3A_166 = tpu.memref_squeeze %dma_wait3A_165 : memref<1x2x128xi32, #tpu.memory_space<hbm>> -> memref<2x128xi32, #tpu.memory_space<hbm>>
        tpu.wait_dma2 semaphore(%arg12 : memref<!tpu.dma_semaphore, #tpu.memory_space<semaphore_mem>>) src(%dma_wait3A_166 : memref<2x128xi32, #tpu.memory_space<hbm>>) dst(%dma_wait3A_162 : memref<2x128xi32, #tpu.memory_space<vmem>>)
        %dma_start3A_167 = arith.constant 1 : i32
        %dma_start3A_168 = arith.constant 0 : i32
        %dma_start3A_169 = arith.constant 1 : i32
        %dma_start3A_170 = arith.constant 0 : i32
        %dma_start3A_171 = arith.constant 0 : i32
        %dma_start3A_172 = tpu.memref_slice %arg7[%dma_start3A_169, %dma_start3A_170, %dma_start3A_171] : memref<2x128x128xf32, #tpu.memory_space<vmem>> -> memref<1x128x128xf32, #tpu.memory_space<vmem>>
        %dma_start3A_173 = tpu.memref_squeeze %dma_start3A_172 : memref<1x128x128xf32, #tpu.memory_space<vmem>> -> memref<128x128xf32, #tpu.memory_space<vmem>>
        %dma_start3A_174 = arith.constant 0 : i32
        %dma_start3A_175 = tpu.memref_slice %arg6[%dma_start3A_167, %dma_start3A_168, %dma_start3A_174] : memref<2x2x128xi32, #tpu.memory_space<vmem>> -> memref<1x1x128xi32, #tpu.memory_space<vmem>>
        %dma_start3A_176 = tpu.memref_squeeze %dma_start3A_175 : memref<1x1x128xi32, #tpu.memory_space<vmem>> -> memref<128xi32, #tpu.memory_space<vmem>>
        %dma_start3A_177 = arith.constant 0 : i32
        %dma_start3A_178 = arith.constant 0 : i32
        %dma_start3A_179 = tpu.memref_slice %arg2[%dma_start3A_177, %dma_start3A_178] : memref<10240x128xf32, #tpu.memory_space<hbm>> -> memref<10240x128xf32, #tpu.memory_space<hbm>>
        tpu.enqueue_indirect_dma source(%dma_start3A_179 : memref<10240x128xf32, #tpu.memory_space<hbm>>) target(%dma_start3A_173 : memref<128x128xf32, #tpu.memory_space<vmem>>) offsets(%dma_start3A_176 : memref<128xi32, #tpu.memory_space<vmem>>) semaphore(%arg10 : memref<!tpu.dma_semaphore, #tpu.memory_space<semaphore_mem>>)
      } else {
      }
      %dma_wait3A_95 = arith.constant 0 : i32
      %dma_wait3A_96 = arith.constant 0 : i32
      %dma_wait3A_97 = arith.constant 0 : i32
      %dma_wait3A_98 = arith.constant 0 : i32
      %dma_wait3A_99 = arith.constant 0 : i32
      %dma_wait3A_100 = tpu.memref_slice %arg7[%dma_wait3A_97, %dma_wait3A_98, %dma_wait3A_99] : memref<2x128x128xf32, #tpu.memory_space<vmem>> -> memref<1x128x128xf32, #tpu.memory_space<vmem>>
      %dma_wait3A_101 = tpu.memref_squeeze %dma_wait3A_100 : memref<1x128x128xf32, #tpu.memory_space<vmem>> -> memref<128x128xf32, #tpu.memory_space<vmem>>
      %dma_wait3A_102 = arith.constant 0 : i32
      %dma_wait3A_103 = tpu.memref_slice %arg6[%dma_wait3A_95, %dma_wait3A_96, %dma_wait3A_102] : memref<2x2x128xi32, #tpu.memory_space<vmem>> -> memref<1x1x128xi32, #tpu.memory_space<vmem>>
      %dma_wait3A_104 = tpu.memref_squeeze %dma_wait3A_103 : memref<1x1x128xi32, #tpu.memory_space<vmem>> -> memref<128xi32, #tpu.memory_space<vmem>>
      %dma_wait3A_105 = arith.constant 0 : i32
      %dma_wait3A_106 = arith.constant 0 : i32
      %dma_wait3A_107 = tpu.memref_slice %arg2[%dma_wait3A_105, %dma_wait3A_106] : memref<10240x128xf32, #tpu.memory_space<hbm>> -> memref<10240x128xf32, #tpu.memory_space<hbm>>
      tpu.wait_indirect_dma semaphore(%arg9 : memref<!tpu.dma_semaphore, #tpu.memory_space<semaphore_mem>>) src(%dma_wait3A_107 : memref<10240x128xf32, #tpu.memory_space<hbm>>) dst(%dma_wait3A_101 : memref<128x128xf32, #tpu.memory_space<vmem>>)
      %run_scoped3A = arith.constant 0 : i32
      %run_scoped3A_108 = arith.constant 0 : i32
      %run_scoped3A_109 = arith.constant 1 : i32
      "tpu.region"() ({
        %run_scoped3A_149 = tpu.sem_alloc : memref<!tpu.dma_semaphore, #tpu.memory_space<semaphore_mem>>
        %dma_start3A_150 = arith.constant 0 : i32
        %dma_start3A_151 = arith.constant 0 : i32
        %dma_start3A_152 = tpu.memref_slice %arg7[%run_scoped3A, %dma_start3A_150, %dma_start3A_151] : memref<2x128x128xf32, #tpu.memory_space<vmem>> -> memref<1x128x128xf32, #tpu.memory_space<vmem>>
        %dma_start3A_153 = tpu.memref_squeeze %dma_start3A_152 : memref<1x128x128xf32, #tpu.memory_space<vmem>> -> memref<128x128xf32, #tpu.memory_space<vmem>>
        %dma_start3A_154 = arith.constant 0 : i32
        %dma_start3A_155 = tpu.memref_slice %arg6[%run_scoped3A_108, %run_scoped3A_109, %dma_start3A_154] : memref<2x2x128xi32, #tpu.memory_space<vmem>> -> memref<1x1x128xi32, #tpu.memory_space<vmem>>
        %dma_start3A_156 = tpu.memref_squeeze %dma_start3A_155 : memref<1x1x128xi32, #tpu.memory_space<vmem>> -> memref<128xi32, #tpu.memory_space<vmem>>
        %dma_start3A_157 = arith.constant 0 : i32
        %dma_start3A_158 = arith.constant 0 : i32
        %dma_start3A_159 = tpu.memref_slice %arg8[%dma_start3A_157, %dma_start3A_158] : memref<10240x128xf32, #tpu.memory_space<vmem_shared>> -> memref<10240x128xf32, #tpu.memory_space<vmem_shared>>
        tpu.enqueue_indirect_dma source(%dma_start3A_153 : memref<128x128xf32, #tpu.memory_space<vmem>>) target(%dma_start3A_159 : memref<10240x128xf32, #tpu.memory_space<vmem_shared>>) offsets(%dma_start3A_156 : memref<128xi32, #tpu.memory_space<vmem>>) semaphore(%run_scoped3A_149 : memref<!tpu.dma_semaphore, #tpu.memory_space<semaphore_mem>>) {add = true}
        %dma_wait3A_160 = arith.constant 0 : i32
        %dma_wait3A_161 = arith.constant 0 : i32
        %dma_wait3A_162 = tpu.memref_slice %arg7[%run_scoped3A, %dma_wait3A_160, %dma_wait3A_161] : memref<2x128x128xf32, #tpu.memory_space<vmem>> -> memref<1x128x128xf32, #tpu.memory_space<vmem>>
        %dma_wait3A_163 = tpu.memref_squeeze %dma_wait3A_162 : memref<1x128x128xf32, #tpu.memory_space<vmem>> -> memref<128x128xf32, #tpu.memory_space<vmem>>
        %dma_wait3A_164 = arith.constant 0 : i32
        %dma_wait3A_165 = tpu.memref_slice %arg6[%run_scoped3A_108, %run_scoped3A_109, %dma_wait3A_164] : memref<2x2x128xi32, #tpu.memory_space<vmem>> -> memref<1x1x128xi32, #tpu.memory_space<vmem>>
        %dma_wait3A_166 = tpu.memref_squeeze %dma_wait3A_165 : memref<1x1x128xi32, #tpu.memory_space<vmem>> -> memref<128xi32, #tpu.memory_space<vmem>>
        %dma_wait3A_167 = arith.constant 0 : i32
        %dma_wait3A_168 = arith.constant 0 : i32
        %dma_wait3A_169 = tpu.memref_slice %arg8[%dma_wait3A_167, %dma_wait3A_168] : memref<10240x128xf32, #tpu.memory_space<vmem_shared>> -> memref<10240x128xf32, #tpu.memory_space<vmem_shared>>
        tpu.wait_indirect_dma semaphore(%run_scoped3A_149 : memref<!tpu.dma_semaphore, #tpu.memory_space<semaphore_mem>>) src(%dma_wait3A_163 : memref<128x128xf32, #tpu.memory_space<vmem>>) dst(%dma_wait3A_169 : memref<10240x128xf32, #tpu.memory_space<vmem_shared>>)
        tpu.yield
      }) : () -> ()
      %lt3A_110 = arith.constant 80 : i32
      %lt3A_111 = arith.cmpi slt, %add3A_92, %lt3A_110 : i32
      %convert_element_type3A_112 = arith.extui %lt3A_111 : i1 to i32
      %cond3A_113 = arith.constant 0 : i32
      %cond3A_114 = arith.cmpi ne, %convert_element_type3A_112, %cond3A_113 : i32
      scf.if %cond3A_114 {
        %add3A_149 = arith.addi %mul3A_2, %add3A_92 : i32
        %dma_start3A_150 = arith.constant 0 : i32
        %dma_start3A_151 = arith.constant 0 : i32
        %dma_start3A_152 = arith.constant 0 : i32
        %dma_start3A_153 = tpu.memref_slice %arg6[%dma_start3A_150, %dma_start3A_151, %dma_start3A_152] : memref<2x2x128xi32, #tpu.memory_space<vmem>> -> memref<1x2x128xi32, #tpu.memory_space<vmem>>
        %dma_start3A_154 = tpu.memref_squeeze %dma_start3A_153 : memref<1x2x128xi32, #tpu.memory_space<vmem>> -> memref<2x128xi32, #tpu.memory_space<vmem>>
        %dma_start3A_155 = arith.constant 0 : i32
        %dma_start3A_156 = arith.constant 0 : i32
        %dma_start3A_157 = tpu.memref_slice %arg3[%add3A_149, %dma_start3A_155, %dma_start3A_156] : memref<2560x2x128xi32, #tpu.memory_space<hbm>> -> memref<1x2x128xi32, #tpu.memory_space<hbm>>
        %dma_start3A_158 = tpu.memref_squeeze %dma_start3A_157 : memref<1x2x128xi32, #tpu.memory_space<hbm>> -> memref<2x128xi32, #tpu.memory_space<hbm>>
        %dma_start3A_159 = arith.constant 0 : i32
        %dma_start3A_160 = arith.constant 0 : i32
        %dma_start3A_161 = tpu.memref_slice %arg6[%dma_start3A_150, %dma_start3A_159, %dma_start3A_160] : memref<2x2x128xi32, #tpu.memory_space<vmem>> -> memref<1x2x128xi32, #tpu.memory_space<vmem>>
        %dma_start3A_162 = tpu.memref_squeeze %dma_start3A_161 : memref<1x2x128xi32, #tpu.memory_space<vmem>> -> memref<2x128xi32, #tpu.memory_space<vmem>>
        %dma_start3A_163 = arith.constant 0 : i32
        %dma_start3A_164 = arith.constant 0 : i32
        %dma_start3A_165 = tpu.memref_slice %arg3[%add3A_149, %dma_start3A_163, %dma_start3A_164] : memref<2560x2x128xi32, #tpu.memory_space<hbm>> -> memref<1x2x128xi32, #tpu.memory_space<hbm>>
        %dma_start3A_166 = tpu.memref_squeeze %dma_start3A_165 : memref<1x2x128xi32, #tpu.memory_space<hbm>> -> memref<2x128xi32, #tpu.memory_space<hbm>>
        tpu.enqueue_dma source(%dma_start3A_166 : memref<2x128xi32, #tpu.memory_space<hbm>>) target(%dma_start3A_162 : memref<2x128xi32, #tpu.memory_space<vmem>>) target_semaphore(%arg11 : memref<!tpu.dma_semaphore, #tpu.memory_space<semaphore_mem>>)
      } else {
      }
      %mul3A_115 = arith.constant 2 : i32
      %mul3A_116 = arith.muli %mul3A_115, %scan3A_86 : i32
      %add3A_117 = arith.constant 1 : i32
      %add3A_118 = arith.addi %mul3A_116, %add3A_117 : i32
      %add3A_119 = arith.constant 1 : i32
      %add3A_120 = arith.addi %add3A_118, %add3A_119 : i32
      %add3A_121 = arith.constant 2 : i32
      %add3A_122 = arith.addi %add3A_118, %add3A_121 : i32
      %lt3A_123 = arith.constant 80 : i32
      %lt3A_124 = arith.cmpi slt, %add3A_120, %lt3A_123 : i32
      %convert_element_type3A_125 = arith.extui %lt3A_124 : i1 to i32
      %cond3A_126 = arith.constant 0 : i32
      %cond3A_127 = arith.cmpi ne, %convert_element_type3A_125, %cond3A_126 : i32
      scf.if %cond3A_127 {
        %add3A_149 = arith.addi %mul3A_2, %add3A_120 : i32
        %dma_wait3A_150 = arith.constant 0 : i32
        %dma_wait3A_151 = arith.constant 0 : i32
        %dma_wait3A_152 = arith.constant 0 : i32
        %dma_wait3A_153 = tpu.memref_slice %arg6[%dma_wait3A_150, %dma_wait3A_151, %dma_wait3A_152] : memref<2x2x128xi32, #tpu.memory_space<vmem>> -> memref<1x2x128xi32, #tpu.memory_space<vmem>>
        %dma_wait3A_154 = tpu.memref_squeeze %dma_wait3A_153 : memref<1x2x128xi32, #tpu.memory_space<vmem>> -> memref<2x128xi32, #tpu.memory_space<vmem>>
        %dma_wait3A_155 = arith.constant 0 : i32
        %dma_wait3A_156 = arith.constant 0 : i32
        %dma_wait3A_157 = tpu.memref_slice %arg3[%add3A_149, %dma_wait3A_155, %dma_wait3A_156] : memref<2560x2x128xi32, #tpu.memory_space<hbm>> -> memref<1x2x128xi32, #tpu.memory_space<hbm>>
        %dma_wait3A_158 = tpu.memref_squeeze %dma_wait3A_157 : memref<1x2x128xi32, #tpu.memory_space<hbm>> -> memref<2x128xi32, #tpu.memory_space<hbm>>
        %dma_wait3A_159 = arith.constant 0 : i32
        %dma_wait3A_160 = arith.constant 0 : i32
        %dma_wait3A_161 = tpu.memref_slice %arg6[%dma_wait3A_150, %dma_wait3A_159, %dma_wait3A_160] : memref<2x2x128xi32, #tpu.memory_space<vmem>> -> memref<1x2x128xi32, #tpu.memory_space<vmem>>
        %dma_wait3A_162 = tpu.memref_squeeze %dma_wait3A_161 : memref<1x2x128xi32, #tpu.memory_space<vmem>> -> memref<2x128xi32, #tpu.memory_space<vmem>>
        %dma_wait3A_163 = arith.constant 0 : i32
        %dma_wait3A_164 = arith.constant 0 : i32
        %dma_wait3A_165 = tpu.memref_slice %arg3[%add3A_149, %dma_wait3A_163, %dma_wait3A_164] : memref<2560x2x128xi32, #tpu.memory_space<hbm>> -> memref<1x2x128xi32, #tpu.memory_space<hbm>>
        %dma_wait3A_166 = tpu.memref_squeeze %dma_wait3A_165 : memref<1x2x128xi32, #tpu.memory_space<hbm>> -> memref<2x128xi32, #tpu.memory_space<hbm>>
        tpu.wait_dma2 semaphore(%arg11 : memref<!tpu.dma_semaphore, #tpu.memory_space<semaphore_mem>>) src(%dma_wait3A_166 : memref<2x128xi32, #tpu.memory_space<hbm>>) dst(%dma_wait3A_162 : memref<2x128xi32, #tpu.memory_space<vmem>>)
        %dma_start3A_167 = arith.constant 0 : i32
        %dma_start3A_168 = arith.constant 0 : i32
        %dma_start3A_169 = arith.constant 0 : i32
        %dma_start3A_170 = arith.constant 0 : i32
        %dma_start3A_171 = arith.constant 0 : i32
        %dma_start3A_172 = tpu.memref_slice %arg7[%dma_start3A_169, %dma_start3A_170, %dma_start3A_171] : memref<2x128x128xf32, #tpu.memory_space<vmem>> -> memref<1x128x128xf32, #tpu.memory_space<vmem>>
        %dma_start3A_173 = tpu.memref_squeeze %dma_start3A_172 : memref<1x128x128xf32, #tpu.memory_space<vmem>> -> memref<128x128xf32, #tpu.memory_space<vmem>>
        %dma_start3A_174 = arith.constant 0 : i32
        %dma_start3A_175 = tpu.memref_slice %arg6[%dma_start3A_167, %dma_start3A_168, %dma_start3A_174] : memref<2x2x128xi32, #tpu.memory_space<vmem>> -> memref<1x1x128xi32, #tpu.memory_space<vmem>>
        %dma_start3A_176 = tpu.memref_squeeze %dma_start3A_175 : memref<1x1x128xi32, #tpu.memory_space<vmem>> -> memref<128xi32, #tpu.memory_space<vmem>>
        %dma_start3A_177 = arith.constant 0 : i32
        %dma_start3A_178 = arith.constant 0 : i32
        %dma_start3A_179 = tpu.memref_slice %arg2[%dma_start3A_177, %dma_start3A_178] : memref<10240x128xf32, #tpu.memory_space<hbm>> -> memref<10240x128xf32, #tpu.memory_space<hbm>>
        tpu.enqueue_indirect_dma source(%dma_start3A_179 : memref<10240x128xf32, #tpu.memory_space<hbm>>) target(%dma_start3A_173 : memref<128x128xf32, #tpu.memory_space<vmem>>) offsets(%dma_start3A_176 : memref<128xi32, #tpu.memory_space<vmem>>) semaphore(%arg9 : memref<!tpu.dma_semaphore, #tpu.memory_space<semaphore_mem>>)
      } else {
      }
      %dma_wait3A_128 = arith.constant 1 : i32
      %dma_wait3A_129 = arith.constant 0 : i32
      %dma_wait3A_130 = arith.constant 1 : i32
      %dma_wait3A_131 = arith.constant 0 : i32
      %dma_wait3A_132 = arith.constant 0 : i32
      %dma_wait3A_133 = tpu.memref_slice %arg7[%dma_wait3A_130, %dma_wait3A_131, %dma_wait3A_132] : memref<2x128x128xf32, #tpu.memory_space<vmem>> -> memref<1x128x128xf32, #tpu.memory_space<vmem>>
      %dma_wait3A_134 = tpu.memref_squeeze %dma_wait3A_133 : memref<1x128x128xf32, #tpu.memory_space<vmem>> -> memref<128x128xf32, #tpu.memory_space<vmem>>
      %dma_wait3A_135 = arith.constant 0 : i32
      %dma_wait3A_136 = tpu.memref_slice %arg6[%dma_wait3A_128, %dma_wait3A_129, %dma_wait3A_135] : memref<2x2x128xi32, #tpu.memory_space<vmem>> -> memref<1x1x128xi32, #tpu.memory_space<vmem>>
      %dma_wait3A_137 = tpu.memref_squeeze %dma_wait3A_136 : memref<1x1x128xi32, #tpu.memory_space<vmem>> -> memref<128xi32, #tpu.memory_space<vmem>>
      %dma_wait3A_138 = arith.constant 0 : i32
      %dma_wait3A_139 = arith.constant 0 : i32
      %dma_wait3A_140 = tpu.memref_slice %arg2[%dma_wait3A_138, %dma_wait3A_139] : memref<10240x128xf32, #tpu.memory_space<hbm>> -> memref<10240x128xf32, #tpu.memory_space<hbm>>
      tpu.wait_indirect_dma semaphore(%arg10 : memref<!tpu.dma_semaphore, #tpu.memory_space<semaphore_mem>>) src(%dma_wait3A_140 : memref<10240x128xf32, #tpu.memory_space<hbm>>) dst(%dma_wait3A_134 : memref<128x128xf32, #tpu.memory_space<vmem>>)
      %run_scoped3A_141 = arith.constant 1 : i32
      %run_scoped3A_142 = arith.constant 1 : i32
      %run_scoped3A_143 = arith.constant 1 : i32
      "tpu.region"() ({
        %run_scoped3A_149 = tpu.sem_alloc : memref<!tpu.dma_semaphore, #tpu.memory_space<semaphore_mem>>
        %dma_start3A_150 = arith.constant 0 : i32
        %dma_start3A_151 = arith.constant 0 : i32
        %dma_start3A_152 = tpu.memref_slice %arg7[%run_scoped3A_141, %dma_start3A_150, %dma_start3A_151] : memref<2x128x128xf32, #tpu.memory_space<vmem>> -> memref<1x128x128xf32, #tpu.memory_space<vmem>>
        %dma_start3A_153 = tpu.memref_squeeze %dma_start3A_152 : memref<1x128x128xf32, #tpu.memory_space<vmem>> -> memref<128x128xf32, #tpu.memory_space<vmem>>
        %dma_start3A_154 = arith.constant 0 : i32
        %dma_start3A_155 = tpu.memref_slice %arg6[%run_scoped3A_142, %run_scoped3A_143, %dma_start3A_154] : memref<2x2x128xi32, #tpu.memory_space<vmem>> -> memref<1x1x128xi32, #tpu.memory_space<vmem>>
        %dma_start3A_156 = tpu.memref_squeeze %dma_start3A_155 : memref<1x1x128xi32, #tpu.memory_space<vmem>> -> memref<128xi32, #tpu.memory_space<vmem>>
        %dma_start3A_157 = arith.constant 0 : i32
        %dma_start3A_158 = arith.constant 0 : i32
        %dma_start3A_159 = tpu.memref_slice %arg8[%dma_start3A_157, %dma_start3A_158] : memref<10240x128xf32, #tpu.memory_space<vmem_shared>> -> memref<10240x128xf32, #tpu.memory_space<vmem_shared>>
        tpu.enqueue_indirect_dma source(%dma_start3A_153 : memref<128x128xf32, #tpu.memory_space<vmem>>) target(%dma_start3A_159 : memref<10240x128xf32, #tpu.memory_space<vmem_shared>>) offsets(%dma_start3A_156 : memref<128xi32, #tpu.memory_space<vmem>>) semaphore(%run_scoped3A_149 : memref<!tpu.dma_semaphore, #tpu.memory_space<semaphore_mem>>) {add = true}
        %dma_wait3A_160 = arith.constant 0 : i32
        %dma_wait3A_161 = arith.constant 0 : i32
        %dma_wait3A_162 = tpu.memref_slice %arg7[%run_scoped3A_141, %dma_wait3A_160, %dma_wait3A_161] : memref<2x128x128xf32, #tpu.memory_space<vmem>> -> memref<1x128x128xf32, #tpu.memory_space<vmem>>
        %dma_wait3A_163 = tpu.memref_squeeze %dma_wait3A_162 : memref<1x128x128xf32, #tpu.memory_space<vmem>> -> memref<128x128xf32, #tpu.memory_space<vmem>>
        %dma_wait3A_164 = arith.constant 0 : i32
        %dma_wait3A_165 = tpu.memref_slice %arg6[%run_scoped3A_142, %run_scoped3A_143, %dma_wait3A_164] : memref<2x2x128xi32, #tpu.memory_space<vmem>> -> memref<1x1x128xi32, #tpu.memory_space<vmem>>
        %dma_wait3A_166 = tpu.memref_squeeze %dma_wait3A_165 : memref<1x1x128xi32, #tpu.memory_space<vmem>> -> memref<128xi32, #tpu.memory_space<vmem>>
        %dma_wait3A_167 = arith.constant 0 : i32
        %dma_wait3A_168 = arith.constant 0 : i32
        %dma_wait3A_169 = tpu.memref_slice %arg8[%dma_wait3A_167, %dma_wait3A_168] : memref<10240x128xf32, #tpu.memory_space<vmem_shared>> -> memref<10240x128xf32, #tpu.memory_space<vmem_shared>>
        tpu.wait_indirect_dma semaphore(%run_scoped3A_149 : memref<!tpu.dma_semaphore, #tpu.memory_space<semaphore_mem>>) src(%dma_wait3A_163 : memref<128x128xf32, #tpu.memory_space<vmem>>) dst(%dma_wait3A_169 : memref<10240x128xf32, #tpu.memory_space<vmem_shared>>)
        tpu.yield
      }) : () -> ()
      %lt3A_144 = arith.constant 80 : i32
      %lt3A_145 = arith.cmpi slt, %add3A_122, %lt3A_144 : i32
      %convert_element_type3A_146 = arith.extui %lt3A_145 : i1 to i32
      %cond3A_147 = arith.constant 0 : i32
      %cond3A_148 = arith.cmpi ne, %convert_element_type3A_146, %cond3A_147 : i32
      scf.if %cond3A_148 {
        %add3A_149 = arith.addi %mul3A_2, %add3A_122 : i32
        %dma_start3A_150 = arith.constant 1 : i32
        %dma_start3A_151 = arith.constant 0 : i32
        %dma_start3A_152 = arith.constant 0 : i32
        %dma_start3A_153 = tpu.memref_slice %arg6[%dma_start3A_150, %dma_start3A_151, %dma_start3A_152] : memref<2x2x128xi32, #tpu.memory_space<vmem>> -> memref<1x2x128xi32, #tpu.memory_space<vmem>>
        %dma_start3A_154 = tpu.memref_squeeze %dma_start3A_153 : memref<1x2x128xi32, #tpu.memory_space<vmem>> -> memref<2x128xi32, #tpu.memory_space<vmem>>
        %dma_start3A_155 = arith.constant 0 : i32
        %dma_start3A_156 = arith.constant 0 : i32
        %dma_start3A_157 = tpu.memref_slice %arg3[%add3A_149, %dma_start3A_155, %dma_start3A_156] : memref<2560x2x128xi32, #tpu.memory_space<hbm>> -> memref<1x2x128xi32, #tpu.memory_space<hbm>>
        %dma_start3A_158 = tpu.memref_squeeze %dma_start3A_157 : memref<1x2x128xi32, #tpu.memory_space<hbm>> -> memref<2x128xi32, #tpu.memory_space<hbm>>
        %dma_start3A_159 = arith.constant 0 : i32
        %dma_start3A_160 = arith.constant 0 : i32
        %dma_start3A_161 = tpu.memref_slice %arg6[%dma_start3A_150, %dma_start3A_159, %dma_start3A_160] : memref<2x2x128xi32, #tpu.memory_space<vmem>> -> memref<1x2x128xi32, #tpu.memory_space<vmem>>
        %dma_start3A_162 = tpu.memref_squeeze %dma_start3A_161 : memref<1x2x128xi32, #tpu.memory_space<vmem>> -> memref<2x128xi32, #tpu.memory_space<vmem>>
        %dma_start3A_163 = arith.constant 0 : i32
        %dma_start3A_164 = arith.constant 0 : i32
        %dma_start3A_165 = tpu.memref_slice %arg3[%add3A_149, %dma_start3A_163, %dma_start3A_164] : memref<2560x2x128xi32, #tpu.memory_space<hbm>> -> memref<1x2x128xi32, #tpu.memory_space<hbm>>
        %dma_start3A_166 = tpu.memref_squeeze %dma_start3A_165 : memref<1x2x128xi32, #tpu.memory_space<hbm>> -> memref<2x128xi32, #tpu.memory_space<hbm>>
        tpu.enqueue_dma source(%dma_start3A_166 : memref<2x128xi32, #tpu.memory_space<hbm>>) target(%dma_start3A_162 : memref<2x128xi32, #tpu.memory_space<vmem>>) target_semaphore(%arg12 : memref<!tpu.dma_semaphore, #tpu.memory_space<semaphore_mem>>)
      } else {
      }
    }
    %scan3A_77 = arith.constant 40 : i32
    %barrier3A_78 = arith.constant 0 : index
    tpu.barrier barrier_id(%barrier3A_78)
    %mul3A_79 = arith.constant 640 : i32
    %mul3A_80 = arith.muli %arg1, %mul3A_79 : i32
    %mul3A_81 = arith.constant 10240 : i32
    %mul3A_82 = arith.muli %arg0, %mul3A_81 : i32
    %mul3A_83 = arith.constant 640 : i32
    %mul3A_84 = arith.muli %arg1, %mul3A_83 : i32
    %add3A_85 = arith.addi %mul3A_82, %mul3A_84 : i32
    "tpu.region"() ({
      %run_scoped3A = tpu.sem_alloc : memref<!tpu.dma_semaphore, #tpu.memory_space<semaphore_mem>>
      %dma_start3A_86 = arith.constant 0 : i32
      %dma_start3A_87 = tpu.memref_slice %arg5[%add3A_85, %dma_start3A_86] : memref<20480x128xf32, #tpu.memory_space<hbm>> -> memref<640x128xf32, #tpu.memory_space<hbm>>
      %dma_start3A_88 = arith.constant 0 : i32
      %dma_start3A_89 = tpu.memref_slice %arg8[%mul3A_80, %dma_start3A_88] : memref<10240x128xf32, #tpu.memory_space<vmem_shared>> -> memref<640x128xf32, #tpu.memory_space<vmem_shared>>
      tpu.enqueue_dma source(%dma_start3A_89 : memref<640x128xf32, #tpu.memory_space<vmem_shared>>) target(%dma_start3A_87 : memref<640x128xf32, #tpu.memory_space<hbm>>) target_semaphore(%run_scoped3A : memref<!tpu.dma_semaphore, #tpu.memory_space<semaphore_mem>>)
      %dma_wait3A_90 = arith.constant 0 : i32
      %dma_wait3A_91 = tpu.memref_slice %arg5[%add3A_85, %dma_wait3A_90] : memref<20480x128xf32, #tpu.memory_space<hbm>> -> memref<640x128xf32, #tpu.memory_space<hbm>>
      %dma_wait3A_92 = arith.constant 0 : i32
      %dma_wait3A_93 = tpu.memref_slice %arg8[%mul3A_80, %dma_wait3A_92] : memref<10240x128xf32, #tpu.memory_space<vmem_shared>> -> memref<640x128xf32, #tpu.memory_space<vmem_shared>>
      tpu.wait_dma2 semaphore(%run_scoped3A : memref<!tpu.dma_semaphore, #tpu.memory_space<semaphore_mem>>) src(%dma_wait3A_93 : memref<640x128xf32, #tpu.memory_space<vmem_shared>>) dst(%dma_wait3A_91 : memref<640x128xf32, #tpu.memory_space<hbm>>)
      tpu.yield
    }) : () -> ()
    return
  }
}

#map = affine_map<(d0, d1) -> (0, 0)>
#map1 = affine_map<(d0, d1) -> (0, 0, 0)>
module attributes {stable_mosaic.version = 14 : i64} {
  func.func @_spmm_body(%arg0: i32, %arg1: i32, %arg2: memref<10240x128xf32, #tpu.memory_space<hbm>>, %arg3: memref<2560x2x128xi32, #tpu.memory_space<hbm>>, %arg4: memref<640x128xf32, #tpu.memory_space<hbm>>, %arg5: memref<20480x128xf32, #tpu.memory_space<hbm>>, %arg6: memref<2x2x128xi32, #tpu.memory_space<vmem>>, %arg7: memref<2x128x128xf32, #tpu.memory_space<vmem>>, %arg8: memref<10240x128xf32, #tpu.memory_space<vmem_shared>>, %arg9: memref<!tpu.dma_semaphore, #tpu.memory_space<semaphore_mem>>, %arg10: memref<!tpu.dma_semaphore, #tpu.memory_space<semaphore_mem>>, %arg11: memref<!tpu.dma_semaphore, #tpu.memory_space<semaphore_mem>>, %arg12: memref<!tpu.dma_semaphore, #tpu.memory_space<semaphore_mem>>) attributes {dimension_semantics = [#tpu.dimension_semantics<core_parallel>, #tpu.dimension_semantics<subcore_parallel>], iteration_bounds = array<i64: 2, 16>, scalar_prefetch = 0 : i64, scratch_operands = 7 : i64, tpu.core_type = #tpu.core_type<sc_vector_subcore>, window_params = [{transform_indices = #map}, {transform_indices = #map1}, {transform_indices = #map}, {transform_indices = #map}]} {
    %mul3A = arith.constant 16 : i32
    %mul3A_0 = arith.muli %arg0, %mul3A : i32
    %add3A = arith.addi %mul3A_0, %arg1 : i32
    %mul3A_1 = arith.constant 80 : i32
    %mul3A_2 = arith.muli %add3A, %mul3A_1 : i32
    %mul3A_3 = arith.constant 640 : i32
    %mul3A_4 = arith.muli %arg1, %mul3A_3 : i32
    "tpu.region"() ({
      %run_scoped3A = tpu.sem_alloc : memref<!tpu.dma_semaphore, #tpu.memory_space<semaphore_mem>>
      %dma_start3A_86 = arith.constant 0 : i32
      %dma_start3A_87 = tpu.memref_slice %arg8[%mul3A_4, %dma_start3A_86] : memref<10240x128xf32, #tpu.memory_space<vmem_shared>> -> memref<640x128xf32, #tpu.memory_space<vmem_shared>>
      tpu.enqueue_dma source(%arg4 : memref<640x128xf32, #tpu.memory_space<hbm>>) target(%dma_start3A_87 : memref<640x128xf32, #tpu.memory_space<vmem_shared>>) target_semaphore(%run_scoped3A : memref<!tpu.dma_semaphore, #tpu.memory_space<semaphore_mem>>)
      %dma_wait3A_88 = arith.constant 0 : i32
      %dma_wait3A_89 = tpu.memref_slice %arg8[%mul3A_4, %dma_wait3A_88] : memref<10240x128xf32, #tpu.memory_space<vmem_shared>> -> memref<640x128xf32, #tpu.memory_space<vmem_shared>>
      tpu.wait_dma2 semaphore(%run_scoped3A : memref<!tpu.dma_semaphore, #tpu.memory_space<semaphore_mem>>) src(%arg4 : memref<640x128xf32, #tpu.memory_space<hbm>>) dst(%dma_wait3A_89 : memref<640x128xf32, #tpu.memory_space<vmem_shared>>)
      tpu.yield
    }) : () -> ()
    %barrier3A = arith.constant 0 : index
    tpu.barrier barrier_id(%barrier3A)
    %add3A_5 = arith.constant 0 : i32
    %add3A_6 = arith.addi %mul3A_2, %add3A_5 : i32
    %dma_start3A = arith.constant 0 : i32
    %dma_start3A_7 = arith.constant 0 : i32
    %dma_start3A_8 = arith.constant 0 : i32
    %dma_start3A_9 = tpu.memref_slice %arg6[%dma_start3A, %dma_start3A_7, %dma_start3A_8] : memref<2x2x128xi32, #tpu.memory_space<vmem>> -> memref<1x2x128xi32, #tpu.memory_space<vmem>>
    %dma_start3A_10 = tpu.memref_squeeze %dma_start3A_9 : memref<1x2x128xi32, #tpu.memory_space<vmem>> -> memref<2x128xi32, #tpu.memory_space<vmem>>
    %dma_start3A_11 = arith.constant 0 : i32
    %dma_start3A_12 = arith.constant 0 : i32
    %dma_start3A_13 = tpu.memref_slice %arg3[%add3A_6, %dma_start3A_11, %dma_start3A_12] : memref<2560x2x128xi32, #tpu.memory_space<hbm>> -> memref<1x2x128xi32, #tpu.memory_space<hbm>>
    %dma_start3A_14 = tpu.memref_squeeze %dma_start3A_13 : memref<1x2x128xi32, #tpu.memory_space<hbm>> -> memref<2x128xi32, #tpu.memory_space<hbm>>
    %dma_start3A_15 = arith.constant 0 : i32
    %dma_start3A_16 = arith.constant 0 : i32
    %dma_start3A_17 = tpu.memref_slice %arg6[%dma_start3A, %dma_start3A_15, %dma_start3A_16] : memref<2x2x128xi32, #tpu.memory_space<vmem>> -> memref<1x2x128xi32, #tpu.memory_space<vmem>>
    %dma_start3A_18 = tpu.memref_squeeze %dma_start3A_17 : memref<1x2x128xi32, #tpu.memory_space<vmem>> -> memref<2x128xi32, #tpu.memory_space<vmem>>
    %dma_start3A_19 = arith.constant 0 : i32
    %dma_start3A_20 = arith.constant 0 : i32
    %dma_start3A_21 = tpu.memref_slice %arg3[%add3A_6, %dma_start3A_19, %dma_start3A_20] : memref<2560x2x128xi32, #tpu.memory_space<hbm>> -> memref<1x2x128xi32, #tpu.memory_space<hbm>>
    %dma_start3A_22 = tpu.memref_squeeze %dma_start3A_21 : memref<1x2x128xi32, #tpu.memory_space<hbm>> -> memref<2x128xi32, #tpu.memory_space<hbm>>
    tpu.enqueue_dma source(%dma_start3A_22 : memref<2x128xi32, #tpu.memory_space<hbm>>) target(%dma_start3A_18 : memref<2x128xi32, #tpu.memory_space<vmem>>) target_semaphore(%arg11 : memref<!tpu.dma_semaphore, #tpu.memory_space<semaphore_mem>>)
    %add3A_23 = arith.constant 1 : i32
    %add3A_24 = arith.addi %mul3A_2, %add3A_23 : i32
    %dma_start3A_25 = arith.constant 1 : i32
    %dma_start3A_26 = arith.constant 0 : i32
    %dma_start3A_27 = arith.constant 0 : i32
    %dma_start3A_28 = tpu.memref_slice %arg6[%dma_start3A_25, %dma_start3A_26, %dma_start3A_27] : memref<2x2x128xi32, #tpu.memory_space<vmem>> -> memref<1x2x128xi32, #tpu.memory_space<vmem>>
    %dma_start3A_29 = tpu.memref_squeeze %dma_start3A_28 : memref<1x2x128xi32, #tpu.memory_space<vmem>> -> memref<2x128xi32, #tpu.memory_space<vmem>>
    %dma_start3A_30 = arith.constant 0 : i32
    %dma_start3A_31 = arith.constant 0 : i32
    %dma_start3A_32 = tpu.memref_slice %arg3[%add3A_24, %dma_start3A_30, %dma_start3A_31] : memref<2560x2x128xi32, #tpu.memory_space<hbm>> -> memref<1x2x128xi32, #tpu.memory_space<hbm>>
    %dma_start3A_33 = tpu.memref_squeeze %dma_start3A_32 : memref<1x2x128xi32, #tpu.memory_space<hbm>> -> memref<2x128xi32, #tpu.memory_space<hbm>>
    %dma_start3A_34 = arith.constant 0 : i32
    %dma_start3A_35 = arith.constant 0 : i32
    %dma_start3A_36 = tpu.memref_slice %arg6[%dma_start3A_25, %dma_start3A_34, %dma_start3A_35] : memref<2x2x128xi32, #tpu.memory_space<vmem>> -> memref<1x2x128xi32, #tpu.memory_space<vmem>>
    %dma_start3A_37 = tpu.memref_squeeze %dma_start3A_36 : memref<1x2x128xi32, #tpu.memory_space<vmem>> -> memref<2x128xi32, #tpu.memory_space<vmem>>
    %dma_start3A_38 = arith.constant 0 : i32
    %dma_start3A_39 = arith.constant 0 : i32
    %dma_start3A_40 = tpu.memref_slice %arg3[%add3A_24, %dma_start3A_38, %dma_start3A_39] : memref<2560x2x128xi32, #tpu.memory_space<hbm>> -> memref<1x2x128xi32, #tpu.memory_space<hbm>>
    %dma_start3A_41 = tpu.memref_squeeze %dma_start3A_40 : memref<1x2x128xi32, #tpu.memory_space<hbm>> -> memref<2x128xi32, #tpu.memory_space<hbm>>
    tpu.enqueue_dma source(%dma_start3A_41 : memref<2x128xi32, #tpu.memory_space<hbm>>) target(%dma_start3A_37 : memref<2x128xi32, #tpu.memory_space<vmem>>) target_semaphore(%arg12 : memref<!tpu.dma_semaphore, #tpu.memory_space<semaphore_mem>>)
    %add3A_42 = arith.constant 0 : i32
    %add3A_43 = arith.addi %mul3A_2, %add3A_42 : i32
    %dma_wait3A = arith.constant 0 : i32
    %dma_wait3A_44 = arith.constant 0 : i32
    %dma_wait3A_45 = arith.constant 0 : i32
    %dma_wait3A_46 = tpu.memref_slice %arg6[%dma_wait3A, %dma_wait3A_44, %dma_wait3A_45] : memref<2x2x128xi32, #tpu.memory_space<vmem>> -> memref<1x2x128xi32, #tpu.memory_space<vmem>>
    %dma_wait3A_47 = tpu.memref_squeeze %dma_wait3A_46 : memref<1x2x128xi32, #tpu.memory_space<vmem>> -> memref<2x128xi32, #tpu.memory_space<vmem>>
    %dma_wait3A_48 = arith.constant 0 : i32
    %dma_wait3A_49 = arith.constant 0 : i32
    %dma_wait3A_50 = tpu.memref_slice %arg3[%add3A_43, %dma_wait3A_48, %dma_wait3A_49] : memref<2560x2x128xi32, #tpu.memory_space<hbm>> -> memref<1x2x128xi32, #tpu.memory_space<hbm>>
    %dma_wait3A_51 = tpu.memref_squeeze %dma_wait3A_50 : memref<1x2x128xi32, #tpu.memory_space<hbm>> -> memref<2x128xi32, #tpu.memory_space<hbm>>
    %dma_wait3A_52 = arith.constant 0 : i32
    %dma_wait3A_53 = arith.constant 0 : i32
    %dma_wait3A_54 = tpu.memref_slice %arg6[%dma_wait3A, %dma_wait3A_52, %dma_wait3A_53] : memref<2x2x128xi32, #tpu.memory_space<vmem>> -> memref<1x2x128xi32, #tpu.memory_space<vmem>>
    %dma_wait3A_55 = tpu.memref_squeeze %dma_wait3A_54 : memref<1x2x128xi32, #tpu.memory_space<vmem>> -> memref<2x128xi32, #tpu.memory_space<vmem>>
    %dma_wait3A_56 = arith.constant 0 : i32
    %dma_wait3A_57 = arith.constant 0 : i32
    %dma_wait3A_58 = tpu.memref_slice %arg3[%add3A_43, %dma_wait3A_56, %dma_wait3A_57] : memref<2560x2x128xi32, #tpu.memory_space<hbm>> -> memref<1x2x128xi32, #tpu.memory_space<hbm>>
    %dma_wait3A_59 = tpu.memref_squeeze %dma_wait3A_58 : memref<1x2x128xi32, #tpu.memory_space<hbm>> -> memref<2x128xi32, #tpu.memory_space<hbm>>
    tpu.wait_dma2 semaphore(%arg11 : memref<!tpu.dma_semaphore, #tpu.memory_space<semaphore_mem>>) src(%dma_wait3A_59 : memref<2x128xi32, #tpu.memory_space<hbm>>) dst(%dma_wait3A_55 : memref<2x128xi32, #tpu.memory_space<vmem>>)
    %dma_start3A_60 = arith.constant 0 : i32
    %dma_start3A_61 = arith.constant 0 : i32
    %dma_start3A_62 = arith.constant 0 : i32
    %dma_start3A_63 = arith.constant 0 : i32
    %dma_start3A_64 = arith.constant 0 : i32
    %dma_start3A_65 = tpu.memref_slice %arg7[%dma_start3A_62, %dma_start3A_63, %dma_start3A_64] : memref<2x128x128xf32, #tpu.memory_space<vmem>> -> memref<1x128x128xf32, #tpu.memory_space<vmem>>
    %dma_start3A_66 = tpu.memref_squeeze %dma_start3A_65 : memref<1x128x128xf32, #tpu.memory_space<vmem>> -> memref<128x128xf32, #tpu.memory_space<vmem>>
    %dma_start3A_67 = arith.constant 0 : i32
    %dma_start3A_68 = tpu.memref_slice %arg6[%dma_start3A_60, %dma_start3A_61, %dma_start3A_67] : memref<2x2x128xi32, #tpu.memory_space<vmem>> -> memref<1x1x128xi32, #tpu.memory_space<vmem>>
    %dma_start3A_69 = tpu.memref_squeeze %dma_start3A_68 : memref<1x1x128xi32, #tpu.memory_space<vmem>> -> memref<128xi32, #tpu.memory_space<vmem>>
    %dma_start3A_70 = arith.constant 0 : i32
    %dma_start3A_71 = arith.constant 0 : i32
    %dma_start3A_72 = tpu.memref_slice %arg2[%dma_start3A_70, %dma_start3A_71] : memref<10240x128xf32, #tpu.memory_space<hbm>> -> memref<10240x128xf32, #tpu.memory_space<hbm>>
    tpu.enqueue_indirect_dma source(%dma_start3A_72 : memref<10240x128xf32, #tpu.memory_space<hbm>>) target(%dma_start3A_66 : memref<128x128xf32, #tpu.memory_space<vmem>>) offsets(%dma_start3A_69 : memref<128xi32, #tpu.memory_space<vmem>>) semaphore(%arg9 : memref<!tpu.dma_semaphore, #tpu.memory_space<semaphore_mem>>)
    %scan3A = arith.constant 0 : i32
    %scan3A_73 = arith.constant 0 : i32
    %scan3A_74 = arith.constant 40 : i32
    %scan3A_75 = arith.addi %scan3A_73, %scan3A_74 : i32
    %scan3A_76 = arith.constant 1 : i32
    scf.for %scan3A_86 = %scan3A_73 to %scan3A_75 step %scan3A_76  : i32 {
      %mul3A_87 = arith.constant 2 : i32
      %mul3A_88 = arith.muli %mul3A_87, %scan3A_86 : i32
      %add3A_89 = arith.constant 1 : i32
      %add3A_90 = arith.addi %mul3A_88, %add3A_89 : i32
      %add3A_91 = arith.constant 2 : i32
      %add3A_92 = arith.addi %mul3A_88, %add3A_91 : i32
      %lt3A = arith.constant 80 : i32
      %lt3A_93 = arith.cmpi slt, %add3A_90, %lt3A : i32
      %convert_element_type3A = arith.extui %lt3A_93 : i1 to i32
      %cond3A = arith.constant 0 : i32
      %cond3A_94 = arith.cmpi ne, %convert_element_type3A, %cond3A : i32
      scf.if %cond3A_94 {
        %add3A_149 = arith.addi %mul3A_2, %add3A_90 : i32
        %dma_wait3A_150 = arith.constant 1 : i32
        %dma_wait3A_151 = arith.constant 0 : i32
        %dma_wait3A_152 = arith.constant 0 : i32
        %dma_wait3A_153 = tpu.memref_slice %arg6[%dma_wait3A_150, %dma_wait3A_151, %dma_wait3A_152] : memref<2x2x128xi32, #tpu.memory_space<vmem>> -> memref<1x2x128xi32, #tpu.memory_space<vmem>>
        %dma_wait3A_154 = tpu.memref_squeeze %dma_wait3A_153 : memref<1x2x128xi32, #tpu.memory_space<vmem>> -> memref<2x128xi32, #tpu.memory_space<vmem>>
        %dma_wait3A_155 = arith.constant 0 : i32
        %dma_wait3A_156 = arith.constant 0 : i32
        %dma_wait3A_157 = tpu.memref_slice %arg3[%add3A_149, %dma_wait3A_155, %dma_wait3A_156] : memref<2560x2x128xi32, #tpu.memory_space<hbm>> -> memref<1x2x128xi32, #tpu.memory_space<hbm>>
        %dma_wait3A_158 = tpu.memref_squeeze %dma_wait3A_157 : memref<1x2x128xi32, #tpu.memory_space<hbm>> -> memref<2x128xi32, #tpu.memory_space<hbm>>
        %dma_wait3A_159 = arith.constant 0 : i32
        %dma_wait3A_160 = arith.constant 0 : i32
        %dma_wait3A_161 = tpu.memref_slice %arg6[%dma_wait3A_150, %dma_wait3A_159, %dma_wait3A_160] : memref<2x2x128xi32, #tpu.memory_space<vmem>> -> memref<1x2x128xi32, #tpu.memory_space<vmem>>
        %dma_wait3A_162 = tpu.memref_squeeze %dma_wait3A_161 : memref<1x2x128xi32, #tpu.memory_space<vmem>> -> memref<2x128xi32, #tpu.memory_space<vmem>>
        %dma_wait3A_163 = arith.constant 0 : i32
        %dma_wait3A_164 = arith.constant 0 : i32
        %dma_wait3A_165 = tpu.memref_slice %arg3[%add3A_149, %dma_wait3A_163, %dma_wait3A_164] : memref<2560x2x128xi32, #tpu.memory_space<hbm>> -> memref<1x2x128xi32, #tpu.memory_space<hbm>>
        %dma_wait3A_166 = tpu.memref_squeeze %dma_wait3A_165 : memref<1x2x128xi32, #tpu.memory_space<hbm>> -> memref<2x128xi32, #tpu.memory_space<hbm>>
        tpu.wait_dma2 semaphore(%arg12 : memref<!tpu.dma_semaphore, #tpu.memory_space<semaphore_mem>>) src(%dma_wait3A_166 : memref<2x128xi32, #tpu.memory_space<hbm>>) dst(%dma_wait3A_162 : memref<2x128xi32, #tpu.memory_space<vmem>>)
        %dma_start3A_167 = arith.constant 1 : i32
        %dma_start3A_168 = arith.constant 0 : i32
        %dma_start3A_169 = arith.constant 1 : i32
        %dma_start3A_170 = arith.constant 0 : i32
        %dma_start3A_171 = arith.constant 0 : i32
        %dma_start3A_172 = tpu.memref_slice %arg7[%dma_start3A_169, %dma_start3A_170, %dma_start3A_171] : memref<2x128x128xf32, #tpu.memory_space<vmem>> -> memref<1x128x128xf32, #tpu.memory_space<vmem>>
        %dma_start3A_173 = tpu.memref_squeeze %dma_start3A_172 : memref<1x128x128xf32, #tpu.memory_space<vmem>> -> memref<128x128xf32, #tpu.memory_space<vmem>>
        %dma_start3A_174 = arith.constant 0 : i32
        %dma_start3A_175 = tpu.memref_slice %arg6[%dma_start3A_167, %dma_start3A_168, %dma_start3A_174] : memref<2x2x128xi32, #tpu.memory_space<vmem>> -> memref<1x1x128xi32, #tpu.memory_space<vmem>>
        %dma_start3A_176 = tpu.memref_squeeze %dma_start3A_175 : memref<1x1x128xi32, #tpu.memory_space<vmem>> -> memref<128xi32, #tpu.memory_space<vmem>>
        %dma_start3A_177 = arith.constant 0 : i32
        %dma_start3A_178 = arith.constant 0 : i32
        %dma_start3A_179 = tpu.memref_slice %arg2[%dma_start3A_177, %dma_start3A_178] : memref<10240x128xf32, #tpu.memory_space<hbm>> -> memref<10240x128xf32, #tpu.memory_space<hbm>>
        tpu.enqueue_indirect_dma source(%dma_start3A_179 : memref<10240x128xf32, #tpu.memory_space<hbm>>) target(%dma_start3A_173 : memref<128x128xf32, #tpu.memory_space<vmem>>) offsets(%dma_start3A_176 : memref<128xi32, #tpu.memory_space<vmem>>) semaphore(%arg10 : memref<!tpu.dma_semaphore, #tpu.memory_space<semaphore_mem>>)
      } else {
      }
      %dma_wait3A_95 = arith.constant 0 : i32
      %dma_wait3A_96 = arith.constant 0 : i32
      %dma_wait3A_97 = arith.constant 0 : i32
      %dma_wait3A_98 = arith.constant 0 : i32
      %dma_wait3A_99 = arith.constant 0 : i32
      %dma_wait3A_100 = tpu.memref_slice %arg7[%dma_wait3A_97, %dma_wait3A_98, %dma_wait3A_99] : memref<2x128x128xf32, #tpu.memory_space<vmem>> -> memref<1x128x128xf32, #tpu.memory_space<vmem>>
      %dma_wait3A_101 = tpu.memref_squeeze %dma_wait3A_100 : memref<1x128x128xf32, #tpu.memory_space<vmem>> -> memref<128x128xf32, #tpu.memory_space<vmem>>
      %dma_wait3A_102 = arith.constant 0 : i32
      %dma_wait3A_103 = tpu.memref_slice %arg6[%dma_wait3A_95, %dma_wait3A_96, %dma_wait3A_102] : memref<2x2x128xi32, #tpu.memory_space<vmem>> -> memref<1x1x128xi32, #tpu.memory_space<vmem>>
      %dma_wait3A_104 = tpu.memref_squeeze %dma_wait3A_103 : memref<1x1x128xi32, #tpu.memory_space<vmem>> -> memref<128xi32, #tpu.memory_space<vmem>>
      %dma_wait3A_105 = arith.constant 0 : i32
      %dma_wait3A_106 = arith.constant 0 : i32
      %dma_wait3A_107 = tpu.memref_slice %arg2[%dma_wait3A_105, %dma_wait3A_106] : memref<10240x128xf32, #tpu.memory_space<hbm>> -> memref<10240x128xf32, #tpu.memory_space<hbm>>
      tpu.wait_indirect_dma semaphore(%arg9 : memref<!tpu.dma_semaphore, #tpu.memory_space<semaphore_mem>>) src(%dma_wait3A_107 : memref<10240x128xf32, #tpu.memory_space<hbm>>) dst(%dma_wait3A_101 : memref<128x128xf32, #tpu.memory_space<vmem>>)
      %run_scoped3A = arith.constant 0 : i32
      %run_scoped3A_108 = arith.constant 0 : i32
      %run_scoped3A_109 = arith.constant 1 : i32
      "tpu.region"() ({
        %run_scoped3A_149 = tpu.sem_alloc : memref<!tpu.dma_semaphore, #tpu.memory_space<semaphore_mem>>
        %dma_start3A_150 = arith.constant 0 : i32
        %dma_start3A_151 = arith.constant 0 : i32
        %dma_start3A_152 = tpu.memref_slice %arg7[%run_scoped3A, %dma_start3A_150, %dma_start3A_151] : memref<2x128x128xf32, #tpu.memory_space<vmem>> -> memref<1x128x128xf32, #tpu.memory_space<vmem>>
        %dma_start3A_153 = tpu.memref_squeeze %dma_start3A_152 : memref<1x128x128xf32, #tpu.memory_space<vmem>> -> memref<128x128xf32, #tpu.memory_space<vmem>>
        %dma_start3A_154 = arith.constant 0 : i32
        %dma_start3A_155 = tpu.memref_slice %arg6[%run_scoped3A_108, %run_scoped3A_109, %dma_start3A_154] : memref<2x2x128xi32, #tpu.memory_space<vmem>> -> memref<1x1x128xi32, #tpu.memory_space<vmem>>
        %dma_start3A_156 = tpu.memref_squeeze %dma_start3A_155 : memref<1x1x128xi32, #tpu.memory_space<vmem>> -> memref<128xi32, #tpu.memory_space<vmem>>
        %dma_start3A_157 = arith.constant 0 : i32
        %dma_start3A_158 = arith.constant 0 : i32
        %dma_start3A_159 = tpu.memref_slice %arg8[%dma_start3A_157, %dma_start3A_158] : memref<10240x128xf32, #tpu.memory_space<vmem_shared>> -> memref<10240x128xf32, #tpu.memory_space<vmem_shared>>
        tpu.enqueue_indirect_dma source(%dma_start3A_153 : memref<128x128xf32, #tpu.memory_space<vmem>>) target(%dma_start3A_159 : memref<10240x128xf32, #tpu.memory_space<vmem_shared>>) offsets(%dma_start3A_156 : memref<128xi32, #tpu.memory_space<vmem>>) semaphore(%run_scoped3A_149 : memref<!tpu.dma_semaphore, #tpu.memory_space<semaphore_mem>>) {add = true}
        %dma_wait3A_160 = arith.constant 0 : i32
        %dma_wait3A_161 = arith.constant 0 : i32
        %dma_wait3A_162 = tpu.memref_slice %arg7[%run_scoped3A, %dma_wait3A_160, %dma_wait3A_161] : memref<2x128x128xf32, #tpu.memory_space<vmem>> -> memref<1x128x128xf32, #tpu.memory_space<vmem>>
        %dma_wait3A_163 = tpu.memref_squeeze %dma_wait3A_162 : memref<1x128x128xf32, #tpu.memory_space<vmem>> -> memref<128x128xf32, #tpu.memory_space<vmem>>
        %dma_wait3A_164 = arith.constant 0 : i32
        %dma_wait3A_165 = tpu.memref_slice %arg6[%run_scoped3A_108, %run_scoped3A_109, %dma_wait3A_164] : memref<2x2x128xi32, #tpu.memory_space<vmem>> -> memref<1x1x128xi32, #tpu.memory_space<vmem>>
        %dma_wait3A_166 = tpu.memref_squeeze %dma_wait3A_165 : memref<1x1x128xi32, #tpu.memory_space<vmem>> -> memref<128xi32, #tpu.memory_space<vmem>>
        %dma_wait3A_167 = arith.constant 0 : i32
        %dma_wait3A_168 = arith.constant 0 : i32
        %dma_wait3A_169 = tpu.memref_slice %arg8[%dma_wait3A_167, %dma_wait3A_168] : memref<10240x128xf32, #tpu.memory_space<vmem_shared>> -> memref<10240x128xf32, #tpu.memory_space<vmem_shared>>
        tpu.wait_indirect_dma semaphore(%run_scoped3A_149 : memref<!tpu.dma_semaphore, #tpu.memory_space<semaphore_mem>>) src(%dma_wait3A_163 : memref<128x128xf32, #tpu.memory_space<vmem>>) dst(%dma_wait3A_169 : memref<10240x128xf32, #tpu.memory_space<vmem_shared>>)
        tpu.yield
      }) : () -> ()
      %lt3A_110 = arith.constant 80 : i32
      %lt3A_111 = arith.cmpi slt, %add3A_92, %lt3A_110 : i32
      %convert_element_type3A_112 = arith.extui %lt3A_111 : i1 to i32
      %cond3A_113 = arith.constant 0 : i32
      %cond3A_114 = arith.cmpi ne, %convert_element_type3A_112, %cond3A_113 : i32
      scf.if %cond3A_114 {
        %add3A_149 = arith.addi %mul3A_2, %add3A_92 : i32
        %dma_start3A_150 = arith.constant 0 : i32
        %dma_start3A_151 = arith.constant 0 : i32
        %dma_start3A_152 = arith.constant 0 : i32
        %dma_start3A_153 = tpu.memref_slice %arg6[%dma_start3A_150, %dma_start3A_151, %dma_start3A_152] : memref<2x2x128xi32, #tpu.memory_space<vmem>> -> memref<1x2x128xi32, #tpu.memory_space<vmem>>
        %dma_start3A_154 = tpu.memref_squeeze %dma_start3A_153 : memref<1x2x128xi32, #tpu.memory_space<vmem>> -> memref<2x128xi32, #tpu.memory_space<vmem>>
        %dma_start3A_155 = arith.constant 0 : i32
        %dma_start3A_156 = arith.constant 0 : i32
        %dma_start3A_157 = tpu.memref_slice %arg3[%add3A_149, %dma_start3A_155, %dma_start3A_156] : memref<2560x2x128xi32, #tpu.memory_space<hbm>> -> memref<1x2x128xi32, #tpu.memory_space<hbm>>
        %dma_start3A_158 = tpu.memref_squeeze %dma_start3A_157 : memref<1x2x128xi32, #tpu.memory_space<hbm>> -> memref<2x128xi32, #tpu.memory_space<hbm>>
        %dma_start3A_159 = arith.constant 0 : i32
        %dma_start3A_160 = arith.constant 0 : i32
        %dma_start3A_161 = tpu.memref_slice %arg6[%dma_start3A_150, %dma_start3A_159, %dma_start3A_160] : memref<2x2x128xi32, #tpu.memory_space<vmem>> -> memref<1x2x128xi32, #tpu.memory_space<vmem>>
        %dma_start3A_162 = tpu.memref_squeeze %dma_start3A_161 : memref<1x2x128xi32, #tpu.memory_space<vmem>> -> memref<2x128xi32, #tpu.memory_space<vmem>>
        %dma_start3A_163 = arith.constant 0 : i32
        %dma_start3A_164 = arith.constant 0 : i32
        %dma_start3A_165 = tpu.memref_slice %arg3[%add3A_149, %dma_start3A_163, %dma_start3A_164] : memref<2560x2x128xi32, #tpu.memory_space<hbm>> -> memref<1x2x128xi32, #tpu.memory_space<hbm>>
        %dma_start3A_166 = tpu.memref_squeeze %dma_start3A_165 : memref<1x2x128xi32, #tpu.memory_space<hbm>> -> memref<2x128xi32, #tpu.memory_space<hbm>>
        tpu.enqueue_dma source(%dma_start3A_166 : memref<2x128xi32, #tpu.memory_space<hbm>>) target(%dma_start3A_162 : memref<2x128xi32, #tpu.memory_space<vmem>>) target_semaphore(%arg11 : memref<!tpu.dma_semaphore, #tpu.memory_space<semaphore_mem>>)
      } else {
      }
      %mul3A_115 = arith.constant 2 : i32
      %mul3A_116 = arith.muli %mul3A_115, %scan3A_86 : i32
      %add3A_117 = arith.constant 1 : i32
      %add3A_118 = arith.addi %mul3A_116, %add3A_117 : i32
      %add3A_119 = arith.constant 1 : i32
      %add3A_120 = arith.addi %add3A_118, %add3A_119 : i32
      %add3A_121 = arith.constant 2 : i32
      %add3A_122 = arith.addi %add3A_118, %add3A_121 : i32
      %lt3A_123 = arith.constant 80 : i32
      %lt3A_124 = arith.cmpi slt, %add3A_120, %lt3A_123 : i32
      %convert_element_type3A_125 = arith.extui %lt3A_124 : i1 to i32
      %cond3A_126 = arith.constant 0 : i32
      %cond3A_127 = arith.cmpi ne, %convert_element_type3A_125, %cond3A_126 : i32
      scf.if %cond3A_127 {
        %add3A_149 = arith.addi %mul3A_2, %add3A_120 : i32
        %dma_wait3A_150 = arith.constant 0 : i32
        %dma_wait3A_151 = arith.constant 0 : i32
        %dma_wait3A_152 = arith.constant 0 : i32
        %dma_wait3A_153 = tpu.memref_slice %arg6[%dma_wait3A_150, %dma_wait3A_151, %dma_wait3A_152] : memref<2x2x128xi32, #tpu.memory_space<vmem>> -> memref<1x2x128xi32, #tpu.memory_space<vmem>>
        %dma_wait3A_154 = tpu.memref_squeeze %dma_wait3A_153 : memref<1x2x128xi32, #tpu.memory_space<vmem>> -> memref<2x128xi32, #tpu.memory_space<vmem>>
        %dma_wait3A_155 = arith.constant 0 : i32
        %dma_wait3A_156 = arith.constant 0 : i32
        %dma_wait3A_157 = tpu.memref_slice %arg3[%add3A_149, %dma_wait3A_155, %dma_wait3A_156] : memref<2560x2x128xi32, #tpu.memory_space<hbm>> -> memref<1x2x128xi32, #tpu.memory_space<hbm>>
        %dma_wait3A_158 = tpu.memref_squeeze %dma_wait3A_157 : memref<1x2x128xi32, #tpu.memory_space<hbm>> -> memref<2x128xi32, #tpu.memory_space<hbm>>
        %dma_wait3A_159 = arith.constant 0 : i32
        %dma_wait3A_160 = arith.constant 0 : i32
        %dma_wait3A_161 = tpu.memref_slice %arg6[%dma_wait3A_150, %dma_wait3A_159, %dma_wait3A_160] : memref<2x2x128xi32, #tpu.memory_space<vmem>> -> memref<1x2x128xi32, #tpu.memory_space<vmem>>
        %dma_wait3A_162 = tpu.memref_squeeze %dma_wait3A_161 : memref<1x2x128xi32, #tpu.memory_space<vmem>> -> memref<2x128xi32, #tpu.memory_space<vmem>>
        %dma_wait3A_163 = arith.constant 0 : i32
        %dma_wait3A_164 = arith.constant 0 : i32
        %dma_wait3A_165 = tpu.memref_slice %arg3[%add3A_149, %dma_wait3A_163, %dma_wait3A_164] : memref<2560x2x128xi32, #tpu.memory_space<hbm>> -> memref<1x2x128xi32, #tpu.memory_space<hbm>>
        %dma_wait3A_166 = tpu.memref_squeeze %dma_wait3A_165 : memref<1x2x128xi32, #tpu.memory_space<hbm>> -> memref<2x128xi32, #tpu.memory_space<hbm>>
        tpu.wait_dma2 semaphore(%arg11 : memref<!tpu.dma_semaphore, #tpu.memory_space<semaphore_mem>>) src(%dma_wait3A_166 : memref<2x128xi32, #tpu.memory_space<hbm>>) dst(%dma_wait3A_162 : memref<2x128xi32, #tpu.memory_space<vmem>>)
        %dma_start3A_167 = arith.constant 0 : i32
        %dma_start3A_168 = arith.constant 0 : i32
        %dma_start3A_169 = arith.constant 0 : i32
        %dma_start3A_170 = arith.constant 0 : i32
        %dma_start3A_171 = arith.constant 0 : i32
        %dma_start3A_172 = tpu.memref_slice %arg7[%dma_start3A_169, %dma_start3A_170, %dma_start3A_171] : memref<2x128x128xf32, #tpu.memory_space<vmem>> -> memref<1x128x128xf32, #tpu.memory_space<vmem>>
        %dma_start3A_173 = tpu.memref_squeeze %dma_start3A_172 : memref<1x128x128xf32, #tpu.memory_space<vmem>> -> memref<128x128xf32, #tpu.memory_space<vmem>>
        %dma_start3A_174 = arith.constant 0 : i32
        %dma_start3A_175 = tpu.memref_slice %arg6[%dma_start3A_167, %dma_start3A_168, %dma_start3A_174] : memref<2x2x128xi32, #tpu.memory_space<vmem>> -> memref<1x1x128xi32, #tpu.memory_space<vmem>>
        %dma_start3A_176 = tpu.memref_squeeze %dma_start3A_175 : memref<1x1x128xi32, #tpu.memory_space<vmem>> -> memref<128xi32, #tpu.memory_space<vmem>>
        %dma_start3A_177 = arith.constant 0 : i32
        %dma_start3A_178 = arith.constant 0 : i32
        %dma_start3A_179 = tpu.memref_slice %arg2[%dma_start3A_177, %dma_start3A_178] : memref<10240x128xf32, #tpu.memory_space<hbm>> -> memref<10240x128xf32, #tpu.memory_space<hbm>>
        tpu.enqueue_indirect_dma source(%dma_start3A_179 : memref<10240x128xf32, #tpu.memory_space<hbm>>) target(%dma_start3A_173 : memref<128x128xf32, #tpu.memory_space<vmem>>) offsets(%dma_start3A_176 : memref<128xi32, #tpu.memory_space<vmem>>) semaphore(%arg9 : memref<!tpu.dma_semaphore, #tpu.memory_space<semaphore_mem>>)
      } else {
      }
      %dma_wait3A_128 = arith.constant 1 : i32
      %dma_wait3A_129 = arith.constant 0 : i32
      %dma_wait3A_130 = arith.constant 1 : i32
      %dma_wait3A_131 = arith.constant 0 : i32
      %dma_wait3A_132 = arith.constant 0 : i32
      %dma_wait3A_133 = tpu.memref_slice %arg7[%dma_wait3A_130, %dma_wait3A_131, %dma_wait3A_132] : memref<2x128x128xf32, #tpu.memory_space<vmem>> -> memref<1x128x128xf32, #tpu.memory_space<vmem>>
      %dma_wait3A_134 = tpu.memref_squeeze %dma_wait3A_133 : memref<1x128x128xf32, #tpu.memory_space<vmem>> -> memref<128x128xf32, #tpu.memory_space<vmem>>
      %dma_wait3A_135 = arith.constant 0 : i32
      %dma_wait3A_136 = tpu.memref_slice %arg6[%dma_wait3A_128, %dma_wait3A_129, %dma_wait3A_135] : memref<2x2x128xi32, #tpu.memory_space<vmem>> -> memref<1x1x128xi32, #tpu.memory_space<vmem>>
      %dma_wait3A_137 = tpu.memref_squeeze %dma_wait3A_136 : memref<1x1x128xi32, #tpu.memory_space<vmem>> -> memref<128xi32, #tpu.memory_space<vmem>>
      %dma_wait3A_138 = arith.constant 0 : i32
      %dma_wait3A_139 = arith.constant 0 : i32
      %dma_wait3A_140 = tpu.memref_slice %arg2[%dma_wait3A_138, %dma_wait3A_139] : memref<10240x128xf32, #tpu.memory_space<hbm>> -> memref<10240x128xf32, #tpu.memory_space<hbm>>
      tpu.wait_indirect_dma semaphore(%arg10 : memref<!tpu.dma_semaphore, #tpu.memory_space<semaphore_mem>>) src(%dma_wait3A_140 : memref<10240x128xf32, #tpu.memory_space<hbm>>) dst(%dma_wait3A_134 : memref<128x128xf32, #tpu.memory_space<vmem>>)
      %run_scoped3A_141 = arith.constant 1 : i32
      %run_scoped3A_142 = arith.constant 1 : i32
      %run_scoped3A_143 = arith.constant 1 : i32
      "tpu.region"() ({
        %run_scoped3A_149 = tpu.sem_alloc : memref<!tpu.dma_semaphore, #tpu.memory_space<semaphore_mem>>
        %dma_start3A_150 = arith.constant 0 : i32
        %dma_start3A_151 = arith.constant 0 : i32
        %dma_start3A_152 = tpu.memref_slice %arg7[%run_scoped3A_141, %dma_start3A_150, %dma_start3A_151] : memref<2x128x128xf32, #tpu.memory_space<vmem>> -> memref<1x128x128xf32, #tpu.memory_space<vmem>>
        %dma_start3A_153 = tpu.memref_squeeze %dma_start3A_152 : memref<1x128x128xf32, #tpu.memory_space<vmem>> -> memref<128x128xf32, #tpu.memory_space<vmem>>
        %dma_start3A_154 = arith.constant 0 : i32
        %dma_start3A_155 = tpu.memref_slice %arg6[%run_scoped3A_142, %run_scoped3A_143, %dma_start3A_154] : memref<2x2x128xi32, #tpu.memory_space<vmem>> -> memref<1x1x128xi32, #tpu.memory_space<vmem>>
        %dma_start3A_156 = tpu.memref_squeeze %dma_start3A_155 : memref<1x1x128xi32, #tpu.memory_space<vmem>> -> memref<128xi32, #tpu.memory_space<vmem>>
        %dma_start3A_157 = arith.constant 0 : i32
        %dma_start3A_158 = arith.constant 0 : i32
        %dma_start3A_159 = tpu.memref_slice %arg8[%dma_start3A_157, %dma_start3A_158] : memref<10240x128xf32, #tpu.memory_space<vmem_shared>> -> memref<10240x128xf32, #tpu.memory_space<vmem_shared>>
        tpu.enqueue_indirect_dma source(%dma_start3A_153 : memref<128x128xf32, #tpu.memory_space<vmem>>) target(%dma_start3A_159 : memref<10240x128xf32, #tpu.memory_space<vmem_shared>>) offsets(%dma_start3A_156 : memref<128xi32, #tpu.memory_space<vmem>>) semaphore(%run_scoped3A_149 : memref<!tpu.dma_semaphore, #tpu.memory_space<semaphore_mem>>) {add = true}
        %dma_wait3A_160 = arith.constant 0 : i32
        %dma_wait3A_161 = arith.constant 0 : i32
        %dma_wait3A_162 = tpu.memref_slice %arg7[%run_scoped3A_141, %dma_wait3A_160, %dma_wait3A_161] : memref<2x128x128xf32, #tpu.memory_space<vmem>> -> memref<1x128x128xf32, #tpu.memory_space<vmem>>
        %dma_wait3A_163 = tpu.memref_squeeze %dma_wait3A_162 : memref<1x128x128xf32, #tpu.memory_space<vmem>> -> memref<128x128xf32, #tpu.memory_space<vmem>>
        %dma_wait3A_164 = arith.constant 0 : i32
        %dma_wait3A_165 = tpu.memref_slice %arg6[%run_scoped3A_142, %run_scoped3A_143, %dma_wait3A_164] : memref<2x2x128xi32, #tpu.memory_space<vmem>> -> memref<1x1x128xi32, #tpu.memory_space<vmem>>
        %dma_wait3A_166 = tpu.memref_squeeze %dma_wait3A_165 : memref<1x1x128xi32, #tpu.memory_space<vmem>> -> memref<128xi32, #tpu.memory_space<vmem>>
        %dma_wait3A_167 = arith.constant 0 : i32
        %dma_wait3A_168 = arith.constant 0 : i32
        %dma_wait3A_169 = tpu.memref_slice %arg8[%dma_wait3A_167, %dma_wait3A_168] : memref<10240x128xf32, #tpu.memory_space<vmem_shared>> -> memref<10240x128xf32, #tpu.memory_space<vmem_shared>>
        tpu.wait_indirect_dma semaphore(%run_scoped3A_149 : memref<!tpu.dma_semaphore, #tpu.memory_space<semaphore_mem>>) src(%dma_wait3A_163 : memref<128x128xf32, #tpu.memory_space<vmem>>) dst(%dma_wait3A_169 : memref<10240x128xf32, #tpu.memory_space<vmem_shared>>)
        tpu.yield
      }) : () -> ()
      %lt3A_144 = arith.constant 80 : i32
      %lt3A_145 = arith.cmpi slt, %add3A_122, %lt3A_144 : i32
      %convert_element_type3A_146 = arith.extui %lt3A_145 : i1 to i32
      %cond3A_147 = arith.constant 0 : i32
      %cond3A_148 = arith.cmpi ne, %convert_element_type3A_146, %cond3A_147 : i32
      scf.if %cond3A_148 {
        %add3A_149 = arith.addi %mul3A_2, %add3A_122 : i32
        %dma_start3A_150 = arith.constant 1 : i32
        %dma_start3A_151 = arith.constant 0 : i32
        %dma_start3A_152 = arith.constant 0 : i32
        %dma_start3A_153 = tpu.memref_slice %arg6[%dma_start3A_150, %dma_start3A_151, %dma_start3A_152] : memref<2x2x128xi32, #tpu.memory_space<vmem>> -> memref<1x2x128xi32, #tpu.memory_space<vmem>>
        %dma_start3A_154 = tpu.memref_squeeze %dma_start3A_153 : memref<1x2x128xi32, #tpu.memory_space<vmem>> -> memref<2x128xi32, #tpu.memory_space<vmem>>
        %dma_start3A_155 = arith.constant 0 : i32
        %dma_start3A_156 = arith.constant 0 : i32
        %dma_start3A_157 = tpu.memref_slice %arg3[%add3A_149, %dma_start3A_155, %dma_start3A_156] : memref<2560x2x128xi32, #tpu.memory_space<hbm>> -> memref<1x2x128xi32, #tpu.memory_space<hbm>>
        %dma_start3A_158 = tpu.memref_squeeze %dma_start3A_157 : memref<1x2x128xi32, #tpu.memory_space<hbm>> -> memref<2x128xi32, #tpu.memory_space<hbm>>
        %dma_start3A_159 = arith.constant 0 : i32
        %dma_start3A_160 = arith.constant 0 : i32
        %dma_start3A_161 = tpu.memref_slice %arg6[%dma_start3A_150, %dma_start3A_159, %dma_start3A_160] : memref<2x2x128xi32, #tpu.memory_space<vmem>> -> memref<1x2x128xi32, #tpu.memory_space<vmem>>
        %dma_start3A_162 = tpu.memref_squeeze %dma_start3A_161 : memref<1x2x128xi32, #tpu.memory_space<vmem>> -> memref<2x128xi32, #tpu.memory_space<vmem>>
        %dma_start3A_163 = arith.constant 0 : i32
        %dma_start3A_164 = arith.constant 0 : i32
        %dma_start3A_165 = tpu.memref_slice %arg3[%add3A_149, %dma_start3A_163, %dma_start3A_164] : memref<2560x2x128xi32, #tpu.memory_space<hbm>> -> memref<1x2x128xi32, #tpu.memory_space<hbm>>
        %dma_start3A_166 = tpu.memref_squeeze %dma_start3A_165 : memref<1x2x128xi32, #tpu.memory_space<hbm>> -> memref<2x128xi32, #tpu.memory_space<hbm>>
        tpu.enqueue_dma source(%dma_start3A_166 : memref<2x128xi32, #tpu.memory_space<hbm>>) target(%dma_start3A_162 : memref<2x128xi32, #tpu.memory_space<vmem>>) target_semaphore(%arg12 : memref<!tpu.dma_semaphore, #tpu.memory_space<semaphore_mem>>)
      } else {
      }
    }
    %scan3A_77 = arith.constant 40 : i32
    %barrier3A_78 = arith.constant 0 : index
    tpu.barrier barrier_id(%barrier3A_78)
    %mul3A_79 = arith.constant 640 : i32
    %mul3A_80 = arith.muli %arg1, %mul3A_79 : i32
    %mul3A_81 = arith.constant 10240 : i32
    %mul3A_82 = arith.muli %arg0, %mul3A_81 : i32
    %mul3A_83 = arith.constant 640 : i32
    %mul3A_84 = arith.muli %arg1, %mul3A_83 : i32
    %add3A_85 = arith.addi %mul3A_82, %mul3A_84 : i32
    "tpu.region"() ({
      %run_scoped3A = tpu.sem_alloc : memref<!tpu.dma_semaphore, #tpu.memory_space<semaphore_mem>>
      %dma_start3A_86 = arith.constant 0 : i32
      %dma_start3A_87 = tpu.memref_slice %arg5[%add3A_85, %dma_start3A_86] : memref<20480x128xf32, #tpu.memory_space<hbm>> -> memref<640x128xf32, #tpu.memory_space<hbm>>
      %dma_start3A_88 = arith.constant 0 : i32
      %dma_start3A_89 = tpu.memref_slice %arg8[%mul3A_80, %dma_start3A_88] : memref<10240x128xf32, #tpu.memory_space<vmem_shared>> -> memref<640x128xf32, #tpu.memory_space<vmem_shared>>
      tpu.enqueue_dma source(%dma_start3A_89 : memref<640x128xf32, #tpu.memory_space<vmem_shared>>) target(%dma_start3A_87 : memref<640x128xf32, #tpu.memory_space<hbm>>) target_semaphore(%run_scoped3A : memref<!tpu.dma_semaphore, #tpu.memory_space<semaphore_mem>>)
      %dma_wait3A_90 = arith.constant 0 : i32
      %dma_wait3A_91 = tpu.memref_slice %arg5[%add3A_85, %dma_wait3A_90] : memref<20480x128xf32, #tpu.memory_space<hbm>> -> memref<640x128xf32, #tpu.memory_space<hbm>>
      %dma_wait3A_92 = arith.constant 0 : i32
      %dma_wait3A_93 = tpu.memref_slice %arg8[%mul3A_80, %dma_wait3A_92] : memref<10240x128xf32, #tpu.memory_space<vmem_shared>> -> memref<640x128xf32, #tpu.memory_space<vmem_shared>>
      tpu.wait_dma2 semaphore(%run_scoped3A : memref<!tpu.dma_semaphore, #tpu.memory_space<semaphore_mem>>) src(%dma_wait3A_93 : memref<640x128xf32, #tpu.memory_space<vmem_shared>>) dst(%dma_wait3A_91 : memref<640x128xf32, #tpu.memory_space<hbm>>)
      tpu.yield
    }) : () -> ()
    return
  }
}

module attributes {stable_mosaic.version = 14 : i64} {
  func.func @_pro1_body(%arg0: i32, %arg1: memref<512x128xf32, #tpu.memory_space<vmem>>, %arg2: memref<512x16xf32, #tpu.memory_space<vmem>>, %arg3: memref<512x16xf32, #tpu.memory_space<vmem>>, %arg4: memref<128x128xf32, #tpu.memory_space<vmem>>, %arg5: memref<512x128xf32, #tpu.memory_space<vmem>>) attributes {dimension_semantics = [#tpu.dimension_semantics<arbitrary>], iteration_bounds = array<i64: 20>, scalar_prefetch = 0 : i64, scratch_operands = 0 : i64, tpu.core_type = #tpu.core_type<tc>, window_params = [{transform_indices = @transform_0, window_bounds = array<i64: 512, 128>}, {transform_indices = @transform_1, window_bounds = array<i64: 512, 16>}, {transform_indices = @transform_2, window_bounds = array<i64: 512, 16>}, {pipeline_mode = #tpu.pipeline_mode<synchronous>, transform_indices = @transform_3, window_bounds = array<i64: 128, 128>}, {transform_indices = @transform_4, window_bounds = array<i64: 512, 128>}]} {
    %get3A = arith.constant 0 : index
    %get3A_0 = arith.constant 0 : index
    %get3A_1 = vector.load %arg2[%get3A, %get3A_0] : memref<512x16xf32, #tpu.memory_space<vmem>>, vector<512x16xf32>
    %get3A_2 = arith.constant 0 : index
    %get3A_3 = arith.constant 0 : index
    %get3A_4 = vector.load %arg3[%get3A_2, %get3A_3] : memref<512x16xf32, #tpu.memory_space<vmem>>, vector<512x16xf32>
    %slice3A = vector.extract_strided_slice %get3A_1 {offsets = [0, 0], sizes = [512, 1], strides = [1, 1]} : vector<512x16xf32> to vector<512x1xf32>
    %slice3A_5 = vector.extract_strided_slice %get3A_4 {offsets = [0, 0], sizes = [512, 1], strides = [1, 1]} : vector<512x16xf32> to vector<512x1xf32>
    %add3A = arith.addf %slice3A, %slice3A_5 : vector<512x1xf32>
    %gt3A = arith.constant 0.000000e+00 : f32
    %gt3A_6 = vector.broadcast %gt3A : f32 to vector<512x1xf32>
    %gt3A_7 = arith.cmpf ogt, %add3A, %gt3A_6 : vector<512x1xf32>
    %max3A = arith.constant 9.99999996E-13 : f32
    %max3A_8 = vector.broadcast %max3A : f32 to vector<512x1xf32>
    %max3A_9 = arith.maximumf %add3A, %max3A_8 : vector<512x1xf32>
    %rsqrt3A = math.rsqrt %max3A_9 : vector<512x1xf32>
    %jit3A = arith.constant 0.000000e+00 : f32
    %broadcast_in_dim3A = vector.broadcast %jit3A : f32 to vector<512x1xf32>
    %select_n3A = arith.select %gt3A_7, %rsqrt3A, %broadcast_in_dim3A : vector<512x1xi1>, vector<512x1xf32>
    %get3A_10 = arith.constant 0 : index
    %get3A_11 = arith.constant 0 : index
    %get3A_12 = vector.load %arg1[%get3A_10, %get3A_11] : memref<512x128xf32, #tpu.memory_space<vmem>>, vector<512x128xf32>
    %mul3A = vector.broadcast %select_n3A : vector<512x1xf32> to vector<512x128xf32>
    %mul3A_13 = arith.mulf %get3A_12, %mul3A : vector<512x128xf32>
    %get3A_14 = arith.constant 0 : index
    %get3A_15 = arith.constant 0 : index
    %get3A_16 = vector.load %arg4[%get3A_14, %get3A_15] : memref<128x128xf32, #tpu.memory_space<vmem>>, vector<128x128xf32>
    %dot_general3A = arith.constant dense<0.000000e+00> : vector<512x128xf32>
    %dot_general3A_17 = tpu.matmul %mul3A_13, %get3A_16, %dot_general3A {dimension_numbers = #tpu.dot_dimension_numbers<[1], [0], [0], [1], [0, 0, 1, 1], [], []>, precision = #tpu.contract_precision<fp32>, transpose_lhs_hint = false} : vector<512x128xf32>, vector<128x128xf32>, vector<512x128xf32> -> vector<512x128xf32>
    %swap3A = arith.constant 0 : index
    %swap3A_18 = arith.constant 0 : index
    %swap3A_19 = vector.load %arg5[%swap3A, %swap3A_18] : memref<512x128xf32, #tpu.memory_space<vmem>>, vector<512x128xf32>
    tpu.vector_store %arg5[%swap3A, %swap3A_18], %dot_general3A_17 {strides = array<i32>} : memref<512x128xf32, #tpu.memory_space<vmem>>, vector<512x128xf32>,
    return
  }
  func.func @transform_0(%arg0: i32) -> (i32, i32) {
    %c0_i32 = arith.constant 0 : i32
    %c0_i32_0 = arith.constant 0 : i32
    return %arg0, %c0_i32 : i32, i32
  }
  func.func @transform_1(%arg0: i32) -> (i32, i32) {
    %add3A = arith.constant 0 : i32
    %add3A_0 = arith.addi %add3A, %arg0 : i32
    %c0_i32 = arith.constant 0 : i32
    %c0_i32_1 = arith.constant 0 : i32
    return %add3A_0, %c0_i32 : i32, i32
  }
  func.func @transform_2(%arg0: i32) -> (i32, i32) {
    %add3A = arith.constant 40 : i32
    %add3A_0 = arith.addi %add3A, %arg0 : i32
    %c0_i32 = arith.constant 0 : i32
    %c0_i32_1 = arith.constant 0 : i32
    return %add3A_0, %c0_i32 : i32, i32
  }
  func.func @transform_3(%arg0: i32) -> (i32, i32) {
    %c0_i32 = arith.constant 0 : i32
    %c0_i32_0 = arith.constant 0 : i32
    %c0_i32_1 = arith.constant 0 : i32
    return %c0_i32, %c0_i32_0 : i32, i32
  }
  func.func @transform_4(%arg0: i32) -> (i32, i32) {
    %c0_i32 = arith.constant 0 : i32
    %c0_i32_0 = arith.constant 0 : i32
    return %arg0, %c0_i32 : i32, i32
  }
}

module attributes {stable_mosaic.version = 14 : i64} {
  func.func @_eppro_body(%arg0: i32, %arg1: memref<512x128xf32, #tpu.memory_space<vmem>>, %arg2: memref<512x128xf32, #tpu.memory_space<vmem>>, %arg3: memref<512x16xf32, #tpu.memory_space<vmem>>, %arg4: memref<512x16xf32, #tpu.memory_space<vmem>>, %arg5: memref<512x16xf32, #tpu.memory_space<vmem>>, %arg6: memref<512x16xf32, #tpu.memory_space<vmem>>, %arg7: memref<128xf32, #tpu.memory_space<vmem>>, %arg8: memref<128x128xf32, #tpu.memory_space<vmem>>, %arg9: memref<512x128xf32, #tpu.memory_space<vmem>>) attributes {dimension_semantics = [#tpu.dimension_semantics<arbitrary>], iteration_bounds = array<i64: 20>, scalar_prefetch = 0 : i64, scratch_operands = 0 : i64, tpu.core_type = #tpu.core_type<tc>, window_params = [{transform_indices = @transform_0, window_bounds = array<i64: 512, 128>}, {transform_indices = @transform_1, window_bounds = array<i64: 512, 128>}, {transform_indices = @transform_2, window_bounds = array<i64: 512, 16>}, {transform_indices = @transform_3, window_bounds = array<i64: 512, 16>}, {transform_indices = @transform_4, window_bounds = array<i64: 512, 16>}, {transform_indices = @transform_5, window_bounds = array<i64: 512, 16>}, {pipeline_mode = #tpu.pipeline_mode<synchronous>, transform_indices = @transform_6, window_bounds = array<i64: 128>}, {pipeline_mode = #tpu.pipeline_mode<synchronous>, transform_indices = @transform_7, window_bounds = array<i64: 128, 128>}, {transform_indices = @transform_8, window_bounds = array<i64: 512, 128>}]} {
    %get3A = arith.constant 0 : index
    %get3A_0 = arith.constant 0 : index
    %get3A_1 = vector.load %arg3[%get3A, %get3A_0] : memref<512x16xf32, #tpu.memory_space<vmem>>, vector<512x16xf32>
    %get3A_2 = arith.constant 0 : index
    %get3A_3 = arith.constant 0 : index
    %get3A_4 = vector.load %arg4[%get3A_2, %get3A_3] : memref<512x16xf32, #tpu.memory_space<vmem>>, vector<512x16xf32>
    %slice3A = vector.extract_strided_slice %get3A_1 {offsets = [0, 0], sizes = [512, 1], strides = [1, 1]} : vector<512x16xf32> to vector<512x1xf32>
    %slice3A_5 = vector.extract_strided_slice %get3A_4 {offsets = [0, 0], sizes = [512, 1], strides = [1, 1]} : vector<512x16xf32> to vector<512x1xf32>
    %add3A = arith.addf %slice3A, %slice3A_5 : vector<512x1xf32>
    %gt3A = arith.constant 0.000000e+00 : f32
    %gt3A_6 = vector.broadcast %gt3A : f32 to vector<512x1xf32>
    %gt3A_7 = arith.cmpf ogt, %add3A, %gt3A_6 : vector<512x1xf32>
    %max3A = arith.constant 9.99999996E-13 : f32
    %max3A_8 = vector.broadcast %max3A : f32 to vector<512x1xf32>
    %max3A_9 = arith.maximumf %add3A, %max3A_8 : vector<512x1xf32>
    %rsqrt3A = math.rsqrt %max3A_9 : vector<512x1xf32>
    %jit3A = arith.constant 0.000000e+00 : f32
    %broadcast_in_dim3A = vector.broadcast %jit3A : f32 to vector<512x1xf32>
    %select_n3A = arith.select %gt3A_7, %rsqrt3A, %broadcast_in_dim3A : vector<512x1xi1>, vector<512x1xf32>
    %get3A_10 = arith.constant 0 : index
    %get3A_11 = arith.constant 0 : index
    %get3A_12 = vector.load %arg1[%get3A_10, %get3A_11] : memref<512x128xf32, #tpu.memory_space<vmem>>, vector<512x128xf32>
    %get3A_13 = arith.constant 0 : index
    %get3A_14 = arith.constant 0 : index
    %get3A_15 = vector.load %arg2[%get3A_13, %get3A_14] : memref<512x128xf32, #tpu.memory_space<vmem>>, vector<512x128xf32>
    %add3A_16 = arith.addf %get3A_12, %get3A_15 : vector<512x128xf32>
    %mul3A = vector.broadcast %select_n3A : vector<512x1xf32> to vector<512x128xf32>
    %mul3A_17 = arith.mulf %add3A_16, %mul3A : vector<512x128xf32>
    %get3A_18 = arith.constant 0 : index
    %get3A_19 = vector.load %arg7[%get3A_18] : memref<128xf32, #tpu.memory_space<vmem>>, vector<128xf32>
    %broadcast_in_dim3A_20 = vector.shape_cast %get3A_19 : vector<128xf32> to vector<1x128xf32>
    %add3A_21 = vector.broadcast %broadcast_in_dim3A_20 : vector<1x128xf32> to vector<512x128xf32>
    %add3A_22 = arith.addf %mul3A_17, %add3A_21 : vector<512x128xf32>
    %max3A_23 = arith.constant 0.000000e+00 : f32
    %max3A_24 = vector.broadcast %max3A_23 : f32 to vector<512x128xf32>
    %max3A_25 = arith.maximumf %add3A_22, %max3A_24 : vector<512x128xf32>
    %get3A_26 = arith.constant 0 : index
    %get3A_27 = arith.constant 0 : index
    %get3A_28 = vector.load %arg5[%get3A_26, %get3A_27] : memref<512x16xf32, #tpu.memory_space<vmem>>, vector<512x16xf32>
    %get3A_29 = arith.constant 0 : index
    %get3A_30 = arith.constant 0 : index
    %get3A_31 = vector.load %arg6[%get3A_29, %get3A_30] : memref<512x16xf32, #tpu.memory_space<vmem>>, vector<512x16xf32>
    %slice3A_32 = vector.extract_strided_slice %get3A_28 {offsets = [0, 0], sizes = [512, 1], strides = [1, 1]} : vector<512x16xf32> to vector<512x1xf32>
    %slice3A_33 = vector.extract_strided_slice %get3A_31 {offsets = [0, 0], sizes = [512, 1], strides = [1, 1]} : vector<512x16xf32> to vector<512x1xf32>
    %add3A_34 = arith.addf %slice3A_32, %slice3A_33 : vector<512x1xf32>
    %gt3A_35 = arith.constant 0.000000e+00 : f32
    %gt3A_36 = vector.broadcast %gt3A_35 : f32 to vector<512x1xf32>
    %gt3A_37 = arith.cmpf ogt, %add3A_34, %gt3A_36 : vector<512x1xf32>
    %max3A_38 = arith.constant 9.99999996E-13 : f32
    %max3A_39 = vector.broadcast %max3A_38 : f32 to vector<512x1xf32>
    %max3A_40 = arith.maximumf %add3A_34, %max3A_39 : vector<512x1xf32>
    %rsqrt3A_41 = math.rsqrt %max3A_40 : vector<512x1xf32>
    %jit3A_42 = arith.constant 0.000000e+00 : f32
    %broadcast_in_dim3A_43 = vector.broadcast %jit3A_42 : f32 to vector<512x1xf32>
    %select_n3A_44 = arith.select %gt3A_37, %rsqrt3A_41, %broadcast_in_dim3A_43 : vector<512x1xi1>, vector<512x1xf32>
    %mul3A_45 = vector.broadcast %select_n3A_44 : vector<512x1xf32> to vector<512x128xf32>
    %mul3A_46 = arith.mulf %max3A_25, %mul3A_45 : vector<512x128xf32>
    %get3A_47 = arith.constant 0 : index
    %get3A_48 = arith.constant 0 : index
    %get3A_49 = vector.load %arg8[%get3A_47, %get3A_48] : memref<128x128xf32, #tpu.memory_space<vmem>>, vector<128x128xf32>
    %dot_general3A = arith.constant dense<0.000000e+00> : vector<512x128xf32>
    %dot_general3A_50 = tpu.matmul %mul3A_46, %get3A_49, %dot_general3A {dimension_numbers = #tpu.dot_dimension_numbers<[1], [0], [0], [1], [0, 0, 1, 1], [], []>, precision = #tpu.contract_precision<fp32>, transpose_lhs_hint = false} : vector<512x128xf32>, vector<128x128xf32>, vector<512x128xf32> -> vector<512x128xf32>
    %swap3A = arith.constant 0 : index
    %swap3A_51 = arith.constant 0 : index
    %swap3A_52 = vector.load %arg9[%swap3A, %swap3A_51] : memref<512x128xf32, #tpu.memory_space<vmem>>, vector<512x128xf32>
    tpu.vector_store %arg9[%swap3A, %swap3A_51], %dot_general3A_50 {strides = array<i32>} : memref<512x128xf32, #tpu.memory_space<vmem>>, vector<512x128xf32>,
    return
  }
  func.func @transform_0(%arg0: i32) -> (i32, i32) {
    %c0_i32 = arith.constant 0 : i32
    %c0_i32_0 = arith.constant 0 : i32
    return %arg0, %c0_i32 : i32, i32
  }
  func.func @transform_1(%arg0: i32) -> (i32, i32) {
    %add3A = arith.constant 20 : i32
    %add3A_0 = arith.addi %add3A, %arg0 : i32
    %c0_i32 = arith.constant 0 : i32
    %c0_i32_1 = arith.constant 0 : i32
    return %add3A_0, %c0_i32 : i32, i32
  }
  func.func @transform_2(%arg0: i32) -> (i32, i32) {
    %add3A = arith.constant 20 : i32
    %add3A_0 = arith.addi %add3A, %arg0 : i32
    %c0_i32 = arith.constant 0 : i32
    %c0_i32_1 = arith.constant 0 : i32
    return %add3A_0, %c0_i32 : i32, i32
  }
  func.func @transform_3(%arg0: i32) -> (i32, i32) {
    %add3A = arith.constant 60 : i32
    %add3A_0 = arith.addi %add3A, %arg0 : i32
    %c0_i32 = arith.constant 0 : i32
    %c0_i32_1 = arith.constant 0 : i32
    return %add3A_0, %c0_i32 : i32, i32
  }
  func.func @transform_4(%arg0: i32) -> (i32, i32) {
    %add3A = arith.constant 0 : i32
    %add3A_0 = arith.addi %add3A, %arg0 : i32
    %c0_i32 = arith.constant 0 : i32
    %c0_i32_1 = arith.constant 0 : i32
    return %add3A_0, %c0_i32 : i32, i32
  }
  func.func @transform_5(%arg0: i32) -> (i32, i32) {
    %add3A = arith.constant 40 : i32
    %add3A_0 = arith.addi %add3A, %arg0 : i32
    %c0_i32 = arith.constant 0 : i32
    %c0_i32_1 = arith.constant 0 : i32
    return %add3A_0, %c0_i32 : i32, i32
  }
  func.func @transform_6(%arg0: i32) -> i32 {
    %c0_i32 = arith.constant 0 : i32
    %c0_i32_0 = arith.constant 0 : i32
    return %c0_i32 : i32
  }
  func.func @transform_7(%arg0: i32) -> (i32, i32) {
    %c0_i32 = arith.constant 0 : i32
    %c0_i32_0 = arith.constant 0 : i32
    %c0_i32_1 = arith.constant 0 : i32
    return %c0_i32, %c0_i32_0 : i32, i32
  }
  func.func @transform_8(%arg0: i32) -> (i32, i32) {
    %c0_i32 = arith.constant 0 : i32
    %c0_i32_0 = arith.constant 0 : i32
    return %arg0, %c0_i32 : i32, i32
  }
}

module attributes {stable_mosaic.version = 14 : i64} {
  func.func @_mid_body(%arg0: i32, %arg1: memref<512x128xf32, #tpu.memory_space<vmem>>, %arg2: memref<512x128xf32, #tpu.memory_space<vmem>>, %arg3: memref<512x16xf32, #tpu.memory_space<vmem>>, %arg4: memref<512x16xf32, #tpu.memory_space<vmem>>, %arg5: memref<512x16xf32, #tpu.memory_space<vmem>>, %arg6: memref<512x16xf32, #tpu.memory_space<vmem>>, %arg7: memref<128xf32, #tpu.memory_space<vmem>>, %arg8: memref<128x64xf32, #tpu.memory_space<vmem>>, %arg9: memref<64xf32, #tpu.memory_space<vmem>>, %arg10: memref<64x128xf32, #tpu.memory_space<vmem>>, %arg11: memref<128xf32, #tpu.memory_space<vmem>>, %arg12: memref<128x128xf32, #tpu.memory_space<vmem>>, %arg13: memref<512x64xf32, #tpu.memory_space<vmem>>, %arg14: memref<512x128xf32, #tpu.memory_space<vmem>>, %arg15: memref<1x1xf32, #tpu.memory_space<smem>>) attributes {dimension_semantics = [#tpu.dimension_semantics<arbitrary>], iteration_bounds = array<i64: 20>, scalar_prefetch = 0 : i64, scratch_operands = 0 : i64, tpu.core_type = #tpu.core_type<tc>, window_params = [{transform_indices = @transform_0, window_bounds = array<i64: 512, 128>}, {transform_indices = @transform_1, window_bounds = array<i64: 512, 128>}, {transform_indices = @transform_2, window_bounds = array<i64: 512, 16>}, {transform_indices = @transform_3, window_bounds = array<i64: 512, 16>}, {transform_indices = @transform_4, window_bounds = array<i64: 512, 16>}, {transform_indices = @transform_5, window_bounds = array<i64: 512, 16>}, {pipeline_mode = #tpu.pipeline_mode<synchronous>, transform_indices = @transform_6, window_bounds = array<i64: 128>}, {pipeline_mode = #tpu.pipeline_mode<synchronous>, transform_indices = @transform_7, window_bounds = array<i64: 128, 64>}, {pipeline_mode = #tpu.pipeline_mode<synchronous>, transform_indices = @transform_8, window_bounds = array<i64: 64>}, {pipeline_mode = #tpu.pipeline_mode<synchronous>, transform_indices = @transform_9, window_bounds = array<i64: 64, 128>}, {pipeline_mode = #tpu.pipeline_mode<synchronous>, transform_indices = @transform_10, window_bounds = array<i64: 128>}, {pipeline_mode = #tpu.pipeline_mode<synchronous>, transform_indices = @transform_11, window_bounds = array<i64: 128, 128>}, {transform_indices = @transform_12, window_bounds = array<i64: 512, 64>}, {transform_indices = @transform_13, window_bounds = array<i64: 512, 128>}, {transform_indices = @transform_14, window_bounds = array<i64: 1, 1>}]} {
    %get3A = arith.constant 0 : index
    %get3A_0 = arith.constant 0 : index
    %get3A_1 = vector.load %arg3[%get3A, %get3A_0] : memref<512x16xf32, #tpu.memory_space<vmem>>, vector<512x16xf32>
    %get3A_2 = arith.constant 0 : index
    %get3A_3 = arith.constant 0 : index
    %get3A_4 = vector.load %arg4[%get3A_2, %get3A_3] : memref<512x16xf32, #tpu.memory_space<vmem>>, vector<512x16xf32>
    %slice3A = vector.extract_strided_slice %get3A_1 {offsets = [0, 0], sizes = [512, 1], strides = [1, 1]} : vector<512x16xf32> to vector<512x1xf32>
    %slice3A_5 = vector.extract_strided_slice %get3A_4 {offsets = [0, 0], sizes = [512, 1], strides = [1, 1]} : vector<512x16xf32> to vector<512x1xf32>
    %add3A = arith.addf %slice3A, %slice3A_5 : vector<512x1xf32>
    %gt3A = arith.constant 0.000000e+00 : f32
    %gt3A_6 = vector.broadcast %gt3A : f32 to vector<512x1xf32>
    %gt3A_7 = arith.cmpf ogt, %add3A, %gt3A_6 : vector<512x1xf32>
    %max3A = arith.constant 9.99999996E-13 : f32
    %max3A_8 = vector.broadcast %max3A : f32 to vector<512x1xf32>
    %max3A_9 = arith.maximumf %add3A, %max3A_8 : vector<512x1xf32>
    %rsqrt3A = math.rsqrt %max3A_9 : vector<512x1xf32>
    %jit3A = arith.constant 0.000000e+00 : f32
    %broadcast_in_dim3A = vector.broadcast %jit3A : f32 to vector<512x1xf32>
    %select_n3A = arith.select %gt3A_7, %rsqrt3A, %broadcast_in_dim3A : vector<512x1xi1>, vector<512x1xf32>
    %get3A_10 = arith.constant 0 : index
    %get3A_11 = arith.constant 0 : index
    %get3A_12 = vector.load %arg1[%get3A_10, %get3A_11] : memref<512x128xf32, #tpu.memory_space<vmem>>, vector<512x128xf32>
    %get3A_13 = arith.constant 0 : index
    %get3A_14 = arith.constant 0 : index
    %get3A_15 = vector.load %arg2[%get3A_13, %get3A_14] : memref<512x128xf32, #tpu.memory_space<vmem>>, vector<512x128xf32>
    %add3A_16 = arith.addf %get3A_12, %get3A_15 : vector<512x128xf32>
    %mul3A = vector.broadcast %select_n3A : vector<512x1xf32> to vector<512x128xf32>
    %mul3A_17 = arith.mulf %add3A_16, %mul3A : vector<512x128xf32>
    %get3A_18 = arith.constant 0 : index
    %get3A_19 = vector.load %arg7[%get3A_18] : memref<128xf32, #tpu.memory_space<vmem>>, vector<128xf32>
    %broadcast_in_dim3A_20 = vector.shape_cast %get3A_19 : vector<128xf32> to vector<1x128xf32>
    %add3A_21 = vector.broadcast %broadcast_in_dim3A_20 : vector<1x128xf32> to vector<512x128xf32>
    %add3A_22 = arith.addf %mul3A_17, %add3A_21 : vector<512x128xf32>
    %get3A_23 = arith.constant 0 : index
    %get3A_24 = arith.constant 0 : index
    %get3A_25 = vector.load %arg8[%get3A_23, %get3A_24] : memref<128x64xf32, #tpu.memory_space<vmem>>, vector<128x64xf32>
    %dot_general3A = arith.constant dense<0.000000e+00> : vector<512x64xf32>
    %dot_general3A_26 = tpu.matmul %add3A_22, %get3A_25, %dot_general3A {dimension_numbers = #tpu.dot_dimension_numbers<[1], [0], [0], [1], [0, 0, 1, 1], [], []>, precision = #tpu.contract_precision<fp32>, transpose_lhs_hint = false} : vector<512x128xf32>, vector<128x64xf32>, vector<512x64xf32> -> vector<512x64xf32>
    %get3A_27 = arith.constant 0 : index
    %get3A_28 = vector.load %arg9[%get3A_27] : memref<64xf32, #tpu.memory_space<vmem>>, vector<64xf32>
    %broadcast_in_dim3A_29 = vector.shape_cast %get3A_28 : vector<64xf32> to vector<1x64xf32>
    %add3A_30 = vector.broadcast %broadcast_in_dim3A_29 : vector<1x64xf32> to vector<512x64xf32>
    %add3A_31 = arith.addf %dot_general3A_26, %add3A_30 : vector<512x64xf32>
    %exp3A = math.exp %add3A_31 : vector<512x64xf32>
    %get3A_32 = arith.constant 0 : index
    %get3A_33 = arith.constant 0 : index
    %get3A_34 = vector.load %arg13[%get3A_32, %get3A_33] : memref<512x64xf32, #tpu.memory_space<vmem>>, vector<512x64xf32>
    %mul3A_35 = arith.constant 5.000000e-01 : f32
    %mul3A_36 = vector.broadcast %mul3A_35 : f32 to vector<512x64xf32>
    %mul3A_37 = arith.mulf %add3A_31, %mul3A_36 : vector<512x64xf32>
    %exp3A_38 = math.exp %mul3A_37 : vector<512x64xf32>
    %mul3A_39 = arith.mulf %get3A_34, %exp3A_38 : vector<512x64xf32>
    %add3A_40 = arith.addf %add3A_31, %mul3A_39 : vector<512x64xf32>
    %get3A_41 = arith.constant 0 : index
    %get3A_42 = arith.constant 0 : index
    %get3A_43 = vector.load %arg10[%get3A_41, %get3A_42] : memref<64x128xf32, #tpu.memory_space<vmem>>, vector<64x128xf32>
    %dot_general3A_44 = arith.constant dense<0.000000e+00> : vector<512x128xf32>
    %dot_general3A_45 = tpu.matmul %add3A_40, %get3A_43, %dot_general3A_44 {dimension_numbers = #tpu.dot_dimension_numbers<[1], [0], [0], [1], [0, 0, 1, 1], [], []>, precision = #tpu.contract_precision<fp32>, transpose_lhs_hint = false} : vector<512x64xf32>, vector<64x128xf32>, vector<512x128xf32> -> vector<512x128xf32>
    %get3A_46 = arith.constant 0 : index
    %get3A_47 = vector.load %arg11[%get3A_46] : memref<128xf32, #tpu.memory_space<vmem>>, vector<128xf32>
    %broadcast_in_dim3A_48 = vector.shape_cast %get3A_47 : vector<128xf32> to vector<1x128xf32>
    %add3A_49 = vector.broadcast %broadcast_in_dim3A_48 : vector<1x128xf32> to vector<512x128xf32>
    %add3A_50 = arith.addf %dot_general3A_45, %add3A_49 : vector<512x128xf32>
    %get3A_51 = arith.constant 0 : index
    %get3A_52 = arith.constant 0 : index
    %get3A_53 = vector.load %arg5[%get3A_51, %get3A_52] : memref<512x16xf32, #tpu.memory_space<vmem>>, vector<512x16xf32>
    %get3A_54 = arith.constant 0 : index
    %get3A_55 = arith.constant 0 : index
    %get3A_56 = vector.load %arg6[%get3A_54, %get3A_55] : memref<512x16xf32, #tpu.memory_space<vmem>>, vector<512x16xf32>
    %slice3A_57 = vector.extract_strided_slice %get3A_53 {offsets = [0, 0], sizes = [512, 1], strides = [1, 1]} : vector<512x16xf32> to vector<512x1xf32>
    %slice3A_58 = vector.extract_strided_slice %get3A_56 {offsets = [0, 0], sizes = [512, 1], strides = [1, 1]} : vector<512x16xf32> to vector<512x1xf32>
    %add3A_59 = arith.addf %slice3A_57, %slice3A_58 : vector<512x1xf32>
    %gt3A_60 = arith.constant 0.000000e+00 : f32
    %gt3A_61 = vector.broadcast %gt3A_60 : f32 to vector<512x1xf32>
    %gt3A_62 = arith.cmpf ogt, %add3A_59, %gt3A_61 : vector<512x1xf32>
    %max3A_63 = arith.constant 9.99999996E-13 : f32
    %max3A_64 = vector.broadcast %max3A_63 : f32 to vector<512x1xf32>
    %max3A_65 = arith.maximumf %add3A_59, %max3A_64 : vector<512x1xf32>
    %rsqrt3A_66 = math.rsqrt %max3A_65 : vector<512x1xf32>
    %jit3A_67 = arith.constant 0.000000e+00 : f32
    %broadcast_in_dim3A_68 = vector.broadcast %jit3A_67 : f32 to vector<512x1xf32>
    %select_n3A_69 = arith.select %gt3A_62, %rsqrt3A_66, %broadcast_in_dim3A_68 : vector<512x1xi1>, vector<512x1xf32>
    %mul3A_70 = vector.broadcast %select_n3A_69 : vector<512x1xf32> to vector<512x128xf32>
    %mul3A_71 = arith.mulf %add3A_50, %mul3A_70 : vector<512x128xf32>
    %get3A_72 = arith.constant 0 : index
    %get3A_73 = arith.constant 0 : index
    %get3A_74 = vector.load %arg12[%get3A_72, %get3A_73] : memref<128x128xf32, #tpu.memory_space<vmem>>, vector<128x128xf32>
    %dot_general3A_75 = arith.constant dense<0.000000e+00> : vector<512x128xf32>
    %dot_general3A_76 = tpu.matmul %mul3A_71, %get3A_74, %dot_general3A_75 {dimension_numbers = #tpu.dot_dimension_numbers<[1], [0], [0], [1], [0, 0, 1, 1], [], []>, precision = #tpu.contract_precision<fp32>, transpose_lhs_hint = false} : vector<512x128xf32>, vector<128x128xf32>, vector<512x128xf32> -> vector<512x128xf32>
    %swap3A = arith.constant 0 : index
    %swap3A_77 = arith.constant 0 : index
    %swap3A_78 = vector.load %arg14[%swap3A, %swap3A_77] : memref<512x128xf32, #tpu.memory_space<vmem>>, vector<512x128xf32>
    tpu.vector_store %arg14[%swap3A, %swap3A_77], %dot_general3A_76 {strides = array<i32>} : memref<512x128xf32, #tpu.memory_space<vmem>>, vector<512x128xf32>,
    %mul3A_79 = arith.constant 512 : i32
    %mul3A_80 = arith.muli %arg0, %mul3A_79 : i32
    %iota3A = tpu.iota {dimensions = array<i32: 0>} : vector<512x1xi32>
    %add3A_81 = vector.broadcast %mul3A_80 : i32 to vector<512x1xi32>
    %add3A_82 = arith.addi %add3A_81, %iota3A : vector<512x1xi32>
    %lt3A = arith.constant 10000 : i32
    %lt3A_83 = vector.broadcast %lt3A : i32 to vector<512x1xi32>
    %lt3A_84 = arith.cmpi slt, %add3A_82, %lt3A_83 : vector<512x1xi32>
    %convert_element_type3A = arith.extui %lt3A_84 : vector<512x1xi1> to vector<512x1xi32>
    %convert_element_type3A_85 = arith.sitofp %convert_element_type3A : vector<512x1xi32> to vector<512x1xf32>
    %add3A_86 = arith.constant 1.000000e+00 : f32
    %add3A_87 = vector.broadcast %add3A_86 : f32 to vector<512x64xf32>
    %add3A_88 = arith.addf %add3A_87, %add3A_31 : vector<512x64xf32>
    %mul3A_89 = arith.mulf %add3A_31, %add3A_31 : vector<512x64xf32>
    %sub3A = arith.subf %add3A_88, %mul3A_89 : vector<512x64xf32>
    %sub3A_90 = arith.subf %sub3A, %exp3A : vector<512x64xf32>
    %mul3A_91 = vector.broadcast %convert_element_type3A_85 : vector<512x1xf32> to vector<512x64xf32>
    %mul3A_92 = arith.mulf %sub3A_90, %mul3A_91 : vector<512x64xf32>
    %reduce_sum3A = vector.shape_cast %mul3A_92 : vector<512x64xf32> to vector<1x512x64xf32>
    %reduce_sum3A_93 = arith.constant dense<0.000000e+00> : vector<1xf32>
    %reduce_sum3A_94 = vector.multi_reduction <add>, %reduce_sum3A, %reduce_sum3A_93 [1, 2] : vector<1x512x64xf32> to vector<1xf32>
    %reduce_sum3A_95 = vector.shape_cast %reduce_sum3A_94 : vector<1xf32> to vector<1x1x1xf32>
    %reduce_sum3A_96 = vector.extract %reduce_sum3A_95[0, 0, 0] : f32 from vector<1x1x1xf32>
    %mul3A_97 = arith.constant -5.000000e-01 : f32
    %mul3A_98 = arith.mulf %mul3A_97, %reduce_sum3A_96 : f32
    %eq3A = arith.constant 0 : i32
    %eq3A_99 = arith.cmpi eq, %arg0, %eq3A : i32
    %convert_element_type3A_100 = arith.extui %eq3A_99 : i1 to i32
    %cond3A = arith.constant 0 : i32
    %cond3A_101 = arith.cmpi ne, %convert_element_type3A_100, %cond3A : i32
    scf.if %cond3A_101 {
      %swap3A_109 = arith.constant 0.000000e+00 : f32
      %swap3A_110 = arith.constant 0 : index
      %swap3A_111 = arith.constant 0 : index
      %swap3A_112 = memref.load %arg15[%swap3A_110, %swap3A_111] : memref<1x1xf32, #tpu.memory_space<smem>>
      memref.store %swap3A_109, %arg15[%swap3A_110, %swap3A_111] : memref<1x1xf32, #tpu.memory_space<smem>>
    } else {
    }
    %get3A_102 = arith.constant 0 : index
    %get3A_103 = arith.constant 0 : index
    %get3A_104 = memref.load %arg15[%get3A_102, %get3A_103] : memref<1x1xf32, #tpu.memory_space<smem>>
    %add3A_105 = arith.addf %get3A_104, %mul3A_98 : f32
    %swap3A_106 = arith.constant 0 : index
    %swap3A_107 = arith.constant 0 : index
    %swap3A_108 = memref.load %arg15[%swap3A_106, %swap3A_107] : memref<1x1xf32, #tpu.memory_space<smem>>
    memref.store %add3A_105, %arg15[%swap3A_106, %swap3A_107] : memref<1x1xf32, #tpu.memory_space<smem>>
    return
  }
  func.func @transform_0(%arg0: i32) -> (i32, i32) {
    %c0_i32 = arith.constant 0 : i32
    %c0_i32_0 = arith.constant 0 : i32
    return %arg0, %c0_i32 : i32, i32
  }
  func.func @transform_1(%arg0: i32) -> (i32, i32) {
    %add3A = arith.constant 20 : i32
    %add3A_0 = arith.addi %add3A, %arg0 : i32
    %c0_i32 = arith.constant 0 : i32
    %c0_i32_1 = arith.constant 0 : i32
    return %add3A_0, %c0_i32 : i32, i32
  }
  func.func @transform_2(%arg0: i32) -> (i32, i32) {
    %add3A = arith.constant 20 : i32
    %add3A_0 = arith.addi %add3A, %arg0 : i32
    %c0_i32 = arith.constant 0 : i32
    %c0_i32_1 = arith.constant 0 : i32
    return %add3A_0, %c0_i32 : i32, i32
  }
  func.func @transform_3(%arg0: i32) -> (i32, i32) {
    %add3A = arith.constant 60 : i32
    %add3A_0 = arith.addi %add3A, %arg0 : i32
    %c0_i32 = arith.constant 0 : i32
    %c0_i32_1 = arith.constant 0 : i32
    return %add3A_0, %c0_i32 : i32, i32
  }
  func.func @transform_4(%arg0: i32) -> (i32, i32) {
    %add3A = arith.constant 0 : i32
    %add3A_0 = arith.addi %add3A, %arg0 : i32
    %c0_i32 = arith.constant 0 : i32
    %c0_i32_1 = arith.constant 0 : i32
    return %add3A_0, %c0_i32 : i32, i32
  }
  func.func @transform_5(%arg0: i32) -> (i32, i32) {
    %add3A = arith.constant 40 : i32
    %add3A_0 = arith.addi %add3A, %arg0 : i32
    %c0_i32 = arith.constant 0 : i32
    %c0_i32_1 = arith.constant 0 : i32
    return %add3A_0, %c0_i32 : i32, i32
  }
  func.func @transform_6(%arg0: i32) -> i32 {
    %c0_i32 = arith.constant 0 : i32
    %c0_i32_0 = arith.constant 0 : i32
    return %c0_i32 : i32
  }
  func.func @transform_7(%arg0: i32) -> (i32, i32) {
    %c0_i32 = arith.constant 0 : i32
    %c0_i32_0 = arith.constant 0 : i32
    %c0_i32_1 = arith.constant 0 : i32
    return %c0_i32, %c0_i32_0 : i32, i32
  }
  func.func @transform_8(%arg0: i32) -> i32 {
    %c0_i32 = arith.constant 0 : i32
    %c0_i32_0 = arith.constant 0 : i32
    return %c0_i32 : i32
  }
  func.func @transform_9(%arg0: i32) -> (i32, i32) {
    %c0_i32 = arith.constant 0 : i32
    %c0_i32_0 = arith.constant 0 : i32
    %c0_i32_1 = arith.constant 0 : i32
    return %c0_i32, %c0_i32_0 : i32, i32
  }
  func.func @transform_10(%arg0: i32) -> i32 {
    %c0_i32 = arith.constant 0 : i32
    %c0_i32_0 = arith.constant 0 : i32
    return %c0_i32 : i32
  }
  func.func @transform_11(%arg0: i32) -> (i32, i32) {
    %c0_i32 = arith.constant 0 : i32
    %c0_i32_0 = arith.constant 0 : i32
    %c0_i32_1 = arith.constant 0 : i32
    return %c0_i32, %c0_i32_0 : i32, i32
  }
  func.func @transform_12(%arg0: i32) -> (i32, i32) {
    %c0_i32 = arith.constant 0 : i32
    %c0_i32_0 = arith.constant 0 : i32
    return %arg0, %c0_i32 : i32, i32
  }
  func.func @transform_13(%arg0: i32) -> (i32, i32) {
    %c0_i32 = arith.constant 0 : i32
    %c0_i32_0 = arith.constant 0 : i32
    return %arg0, %c0_i32 : i32, i32
  }
  func.func @transform_14(%arg0: i32) -> (i32, i32) {
    %c0_i32 = arith.constant 0 : i32
    %c0_i32_0 = arith.constant 0 : i32
    %c0_i32_1 = arith.constant 0 : i32
    return %c0_i32, %c0_i32_0 : i32, i32
  }
}

module attributes {stable_mosaic.version = 14 : i64} {
  func.func @_final_body(%arg0: i32, %arg1: memref<512x128xf32, #tpu.memory_space<vmem>>, %arg2: memref<512x128xf32, #tpu.memory_space<vmem>>, %arg3: memref<512x16xf32, #tpu.memory_space<vmem>>, %arg4: memref<512x16xf32, #tpu.memory_space<vmem>>, %arg5: memref<128xf32, #tpu.memory_space<vmem>>, %arg6: memref<512x128xf32, #tpu.memory_space<vmem>>, %arg7: memref<1x1xf32, #tpu.memory_space<smem>>, %arg8: memref<1x1xf32, #tpu.memory_space<smem>>) attributes {dimension_semantics = [#tpu.dimension_semantics<arbitrary>], iteration_bounds = array<i64: 20>, scalar_prefetch = 0 : i64, scratch_operands = 0 : i64, tpu.core_type = #tpu.core_type<tc>, window_params = [{transform_indices = @transform_0, window_bounds = array<i64: 512, 128>}, {transform_indices = @transform_1, window_bounds = array<i64: 512, 128>}, {transform_indices = @transform_2, window_bounds = array<i64: 512, 16>}, {transform_indices = @transform_3, window_bounds = array<i64: 512, 16>}, {pipeline_mode = #tpu.pipeline_mode<synchronous>, transform_indices = @transform_4, window_bounds = array<i64: 128>}, {transform_indices = @transform_5, window_bounds = array<i64: 512, 128>}, {transform_indices = @transform_6, window_bounds = array<i64: 1, 1>}, {transform_indices = @transform_7, window_bounds = array<i64: 1, 1>}]} {
    %get3A = arith.constant 0 : index
    %get3A_0 = arith.constant 0 : index
    %get3A_1 = vector.load %arg3[%get3A, %get3A_0] : memref<512x16xf32, #tpu.memory_space<vmem>>, vector<512x16xf32>
    %get3A_2 = arith.constant 0 : index
    %get3A_3 = arith.constant 0 : index
    %get3A_4 = vector.load %arg4[%get3A_2, %get3A_3] : memref<512x16xf32, #tpu.memory_space<vmem>>, vector<512x16xf32>
    %slice3A = vector.extract_strided_slice %get3A_1 {offsets = [0, 0], sizes = [512, 1], strides = [1, 1]} : vector<512x16xf32> to vector<512x1xf32>
    %slice3A_5 = vector.extract_strided_slice %get3A_4 {offsets = [0, 0], sizes = [512, 1], strides = [1, 1]} : vector<512x16xf32> to vector<512x1xf32>
    %add3A = arith.addf %slice3A, %slice3A_5 : vector<512x1xf32>
    %gt3A = arith.constant 0.000000e+00 : f32
    %gt3A_6 = vector.broadcast %gt3A : f32 to vector<512x1xf32>
    %gt3A_7 = arith.cmpf ogt, %add3A, %gt3A_6 : vector<512x1xf32>
    %max3A = arith.constant 9.99999996E-13 : f32
    %max3A_8 = vector.broadcast %max3A : f32 to vector<512x1xf32>
    %max3A_9 = arith.maximumf %add3A, %max3A_8 : vector<512x1xf32>
    %rsqrt3A = math.rsqrt %max3A_9 : vector<512x1xf32>
    %jit3A = arith.constant 0.000000e+00 : f32
    %broadcast_in_dim3A = vector.broadcast %jit3A : f32 to vector<512x1xf32>
    %select_n3A = arith.select %gt3A_7, %rsqrt3A, %broadcast_in_dim3A : vector<512x1xi1>, vector<512x1xf32>
    %get3A_10 = arith.constant 0 : index
    %get3A_11 = arith.constant 0 : index
    %get3A_12 = vector.load %arg1[%get3A_10, %get3A_11] : memref<512x128xf32, #tpu.memory_space<vmem>>, vector<512x128xf32>
    %get3A_13 = arith.constant 0 : index
    %get3A_14 = arith.constant 0 : index
    %get3A_15 = vector.load %arg2[%get3A_13, %get3A_14] : memref<512x128xf32, #tpu.memory_space<vmem>>, vector<512x128xf32>
    %add3A_16 = arith.addf %get3A_12, %get3A_15 : vector<512x128xf32>
    %mul3A = vector.broadcast %select_n3A : vector<512x1xf32> to vector<512x128xf32>
    %mul3A_17 = arith.mulf %add3A_16, %mul3A : vector<512x128xf32>
    %get3A_18 = arith.constant 0 : index
    %get3A_19 = vector.load %arg5[%get3A_18] : memref<128xf32, #tpu.memory_space<vmem>>, vector<128xf32>
    %broadcast_in_dim3A_20 = vector.shape_cast %get3A_19 : vector<128xf32> to vector<1x128xf32>
    %add3A_21 = vector.broadcast %broadcast_in_dim3A_20 : vector<1x128xf32> to vector<512x128xf32>
    %add3A_22 = arith.addf %mul3A_17, %add3A_21 : vector<512x128xf32>
    %get3A_23 = arith.constant 0 : index
    %get3A_24 = arith.constant 0 : index
    %get3A_25 = vector.load %arg6[%get3A_23, %get3A_24] : memref<512x128xf32, #tpu.memory_space<vmem>>, vector<512x128xf32>
    %sub3A = arith.subf %add3A_22, %get3A_25 : vector<512x128xf32>
    %mul3A_26 = arith.constant 512 : i32
    %mul3A_27 = arith.muli %arg0, %mul3A_26 : i32
    %iota3A = tpu.iota {dimensions = array<i32: 0>} : vector<512x1xi32>
    %add3A_28 = vector.broadcast %mul3A_27 : i32 to vector<512x1xi32>
    %add3A_29 = arith.addi %add3A_28, %iota3A : vector<512x1xi32>
    %lt3A = arith.constant 10000 : i32
    %lt3A_30 = vector.broadcast %lt3A : i32 to vector<512x1xi32>
    %lt3A_31 = arith.cmpi slt, %add3A_29, %lt3A_30 : vector<512x1xi32>
    %convert_element_type3A = arith.extui %lt3A_31 : vector<512x1xi1> to vector<512x1xi32>
    %convert_element_type3A_32 = arith.sitofp %convert_element_type3A : vector<512x1xi32> to vector<512x1xf32>
    %mul3A_33 = arith.mulf %sub3A, %sub3A : vector<512x128xf32>
    %mul3A_34 = vector.broadcast %convert_element_type3A_32 : vector<512x1xf32> to vector<512x128xf32>
    %mul3A_35 = arith.mulf %mul3A_33, %mul3A_34 : vector<512x128xf32>
    %reduce_sum3A = vector.shape_cast %mul3A_35 : vector<512x128xf32> to vector<1x512x128xf32>
    %reduce_sum3A_36 = arith.constant dense<0.000000e+00> : vector<1xf32>
    %reduce_sum3A_37 = vector.multi_reduction <add>, %reduce_sum3A, %reduce_sum3A_36 [1, 2] : vector<1x512x128xf32> to vector<1xf32>
    %reduce_sum3A_38 = vector.shape_cast %reduce_sum3A_37 : vector<1xf32> to vector<1x1x1xf32>
    %reduce_sum3A_39 = vector.extract %reduce_sum3A_38[0, 0, 0] : f32 from vector<1x1x1xf32>
    %eq3A = arith.constant 0 : i32
    %eq3A_40 = arith.cmpi eq, %arg0, %eq3A : i32
    %convert_element_type3A_41 = arith.extui %eq3A_40 : i1 to i32
    %cond3A = arith.constant 0 : i32
    %cond3A_42 = arith.cmpi ne, %convert_element_type3A_41, %cond3A : i32
    scf.if %cond3A_42 {
      %get3A_49 = arith.constant 0 : index
      %get3A_50 = arith.constant 0 : index
      %get3A_51 = memref.load %arg7[%get3A_49, %get3A_50] : memref<1x1xf32, #tpu.memory_space<smem>>
      %swap3A_52 = arith.constant 0 : index
      %swap3A_53 = arith.constant 0 : index
      %swap3A_54 = memref.load %arg8[%swap3A_52, %swap3A_53] : memref<1x1xf32, #tpu.memory_space<smem>>
      memref.store %get3A_51, %arg8[%swap3A_52, %swap3A_53] : memref<1x1xf32, #tpu.memory_space<smem>>
    } else {
    }
    %get3A_43 = arith.constant 0 : index
    %get3A_44 = arith.constant 0 : index
    %get3A_45 = memref.load %arg8[%get3A_43, %get3A_44] : memref<1x1xf32, #tpu.memory_space<smem>>
    %add3A_46 = arith.addf %get3A_45, %reduce_sum3A_39 : f32
    %swap3A = arith.constant 0 : index
    %swap3A_47 = arith.constant 0 : index
    %swap3A_48 = memref.load %arg8[%swap3A, %swap3A_47] : memref<1x1xf32, #tpu.memory_space<smem>>
    memref.store %add3A_46, %arg8[%swap3A, %swap3A_47] : memref<1x1xf32, #tpu.memory_space<smem>>
    return
  }
  func.func @transform_0(%arg0: i32) -> (i32, i32) {
    %c0_i32 = arith.constant 0 : i32
    %c0_i32_0 = arith.constant 0 : i32
    return %arg0, %c0_i32 : i32, i32
  }
  func.func @transform_1(%arg0: i32) -> (i32, i32) {
    %add3A = arith.constant 20 : i32
    %add3A_0 = arith.addi %add3A, %arg0 : i32
    %c0_i32 = arith.constant 0 : i32
    %c0_i32_1 = arith.constant 0 : i32
    return %add3A_0, %c0_i32 : i32, i32
  }
  func.func @transform_2(%arg0: i32) -> (i32, i32) {
    %add3A = arith.constant 20 : i32
    %add3A_0 = arith.addi %add3A, %arg0 : i32
    %c0_i32 = arith.constant 0 : i32
    %c0_i32_1 = arith.constant 0 : i32
    return %add3A_0, %c0_i32 : i32, i32
  }
  func.func @transform_3(%arg0: i32) -> (i32, i32) {
    %add3A = arith.constant 60 : i32
    %add3A_0 = arith.addi %add3A, %arg0 : i32
    %c0_i32 = arith.constant 0 : i32
    %c0_i32_1 = arith.constant 0 : i32
    return %add3A_0, %c0_i32 : i32, i32
  }
  func.func @transform_4(%arg0: i32) -> i32 {
    %c0_i32 = arith.constant 0 : i32
    %c0_i32_0 = arith.constant 0 : i32
    return %c0_i32 : i32
  }
  func.func @transform_5(%arg0: i32) -> (i32, i32) {
    %c0_i32 = arith.constant 0 : i32
    %c0_i32_0 = arith.constant 0 : i32
    return %arg0, %c0_i32 : i32, i32
  }
  func.func @transform_6(%arg0: i32) -> (i32, i32) {
    %c0_i32 = arith.constant 0 : i32
    %c0_i32_0 = arith.constant 0 : i32
    %c0_i32_1 = arith.constant 0 : i32
    return %c0_i32, %c0_i32_0 : i32, i32
  }
  func.func @transform_7(%arg0: i32) -> (i32, i32) {
    %c0_i32 = arith.constant 0 : i32
    %c0_i32_0 = arith.constant 0 : i32
    %c0_i32_1 = arith.constant 0 : i32
    return %c0_i32, %c0_i32_0 : i32, i32
  }
}

</mosaic_0001>

<sc_bundles>
// kernel: kernel.12.cloned.1.call-start
scs
__scs_entry_jumppad:
0x0: {  	(pc) =	sbr.rel $0x88, $3  }
0x1: {  	(tag) =	ssettag $0x0;
	lr =	simm.s32 $0x1  }
0x2: {  	[smem:$0x3F93] =	sst lr;
	_ =	strace $0xD0000000  }
0x3: {  	_ = 	snop  }
0x4: {  	_ = 	snop  }
0x5: {  	_ = 	snop  }
0x6: {  	_ = 	snop  }
0x7: {  	_ = 	snop  }
__scs_overlays_trampoline_lowered:
0x8: {  	[smem:$0x3FA2] =	sst s0  }
0x9: {  	[smem:$0x3FA3] =	sst s1  }
0xa: {  	[smem:$0x3FA4] =	sst s2  }
0xb: {  	[smem:$0x3FA5] =	sst s3  }
0xc: {  	[smem:$0x3FA6] =	sst s4  }
0xd: {  	[smem:$0x3FA7] =	sst s5  }
0xe: {  	[smem:$0x3FA8] =	sst s6  }
0xf: {  	[smem:$0x3FA9] =	sst s7  }
0x10: {  	[smem:$0x3FAA] =	sst s8  }
0x11: {  	[smem:$0x3FAB] =	sst s9;
	s0 =	simm.s32 @!p0 $0x0  }
0x12: {  	s1 =	sld [smem:$0x3F91];
	s0 =	simm.s32 @p0 $0x1  }
0x13: {  	[smem:$0x3FAC] =	sst s0;
	s0 =	simm.s32 @!p1 $0x0  }
0x14: {  	s2 =	sld [smem:$0x3F90];
	s0 =	simm.s32 @p1 $0x1  }
0x15: {  	[smem:$0x3FAD] =	sst s0;
	s0 =	simm.s32 @!p2 $0x0  }
0x16: {  	s3 =	sld [smem:$0x3FDB];
	s0 =	simm.s32 @p2 $0x1  }
0x17: {  	s4 =	simm.s32 $0x1BF5;
	[smem:$0x3FAF] =	sst s0  }
0x18: {  	s0 =	sld [smem:$0x3F92];
	_ =	swait.ge [sflag:s4], $0x0  }
0x19: {  	s7 =	sld [smem:$0x3F93]  }
0x1a: {  	s8 =	sadd.s32 $0xFFFFE003, lr  }
0x1b: {  	s9 =	sadd.s32 $0xFFFFFEF7, lr;
	s5 =	simm.s32 $0xFFFFFFFF;
	p2 =	slt.u32 s8, $0xFFFFF086  }
0x1c: {  	p1 =	slt.u32 s9, $0xF7A;
	s5 =	simm.s32 @!p2 $0x0  }
0x1d: {  	s5 =	simm.s32 @p1 $0x1;
	p0 =	seq.s32 s7, s2  }
0x1e: {  	s7 =	smul.u32 @!p0 $0xF7A, s2;
	p2 =	seq.s32 @!p0 s5, $0x0  }
0x1f: {  	s9 =	smul.u32 $0xF7A, s1;
	s8 =	simm.s32 @!p0 $0x1BF5;
	p2 =	por !p2, p0  }
0x20: {  	[sflag:s8] =	ssyncset.s32 @!p0 $0xFFFFF086;
	s6 =	sadd.s32 @!p0 s3, s7;
	s7 =	simm.s32 @!p0 $0x108  }
0x21: {  	s3 =	sadd.s32 s3, s9;
	s6 =	sadd.s32 @!p0 $0x88, s6;
	s7 =	simm.s32 @p2 $0x1082  }
0x22: {  	[simem:s7], [sflag:s8] =	dma.local @!p0 [hbm:s6], $0xF7A  }
0x23: {  	s9 =	sor.u32 $0xD0000000, s2;
	s6 =	simm.s32 $0x108;
	_ =	swait.ge @!p0 [sflag:s8], $0x0  }
0x24: {  	s3 =	sadd.s32 $0x88, s3;
	s6 =	simm.s32 @!p1 $0x1082;
	[sflag:s4] =	ssyncset.s32 $0xFFFFF086  }
0x25: {  	[simem:s6], [sflag:s4] =	dma.local [hbm:s3], $0xF7A  }
0x26: {  	[smem:$0x3F93] =	sst s1;
	(tag) =	ssettag s2;
	_ =	strace s9  }
0x27: {  	s1 =	sld [smem:$0x3FA3]  }
0x28: {  	s2 =	sld [smem:$0x3FA4]  }
0x29: {  	s4 =	sld [smem:$0x3FA6]  }
0x2a: {  	p0 =	seq.s32 s5, $0x0;
	s5 =	sld [smem:$0x3FA7]  }
0x2b: {  	s6 =	sld [smem:$0x3FA8]  }
0x2c: {  	s7 =	sld [smem:$0x3FA9]  }
0x2d: {  	s3 =	simm.s32 $0x108;
	s8 =	sld [smem:$0x3FAA]  }
0x2e: {  	s3 =	simm.s32 @!p0 $0x1082;
	s9 =	sld [smem:$0x3FAB]  }
0x2f: {  	lr =	sadd.s32 s0, s3;
	s0 =	sld [smem:$0x3FA2]  }
0x30: {  	s3 =	sld [smem:$0x3FA5]  }
0x31: {  	[smem:$0x3FAE] =	sst s10  }
0x32: {  	s10 =	sld [smem:$0x3FAC];
	_ =	sdelay $0x3  }
0x33: {  	p0 =	seq.s32 s10, $0x1;
	s10 =	sld [smem:$0x3FAE];
	_ =	sdelay $0x3  }
0x34: {  	[smem:$0x3FAE] =	sst s10  }
0x35: {  	s10 =	sld [smem:$0x3FAD];
	_ =	sdelay $0x3  }
0x36: {  	p1 =	seq.s32 s10, $0x1;
	s10 =	sld [smem:$0x3FAE];
	_ =	sdelay $0x3  }
0x37: {  	[smem:$0x3FAE] =	sst s10  }
0x38: {  	s10 =	sld [smem:$0x3FAF]  }
0x39: {  	_ = 	snop;
	(pc) =	sbr.ind lr, $3  }
0x3a: {  	_ = 	snop  }
0x3b: {  	_ = 	snop  }
0x3c: {  	p2 =	seq.s32 s10, $0x1;
	s10 =	sld [smem:$0x3FAE]  }
0x3d: {  	_ =	shalt  }
0x3e: {  	_ =	shalt  }
0x3f: {  	_ =	shalt  }
0x40: {  	_ =	shalt  }
0x41: {  	_ =	shalt  }
0x42: {  	_ =	shalt  }
0x43: {  	_ =	shalt  }
0x44: {  	_ =	shalt  }
0x45: {  	_ =	shalt  }
0x46: {  	_ =	shalt  }
0x47: {  	_ =	shalt  }
0x48: {  	_ =	shalt  }
0x49: {  	_ =	shalt  }
0x4a: {  	_ =	shalt  }
0x4b: {  	_ =	shalt  }
0x4c: {  	_ =	shalt  }
0x4d: {  	_ =	shalt  }
0x4e: {  	_ =	shalt  }
0x4f: {  	_ =	shalt  }
0x50: {  	_ =	shalt  }
0x51: {  	_ =	shalt  }
0x52: {  	_ =	shalt  }
0x53: {  	_ =	shalt  }
0x54: {  	_ =	shalt  }
0x55: {  	_ =	shalt  }
0x56: {  	_ =	shalt  }
0x57: {  	_ =	shalt  }
0x58: {  	_ =	shalt  }
0x59: {  	_ =	shalt  }
0x5a: {  	_ =	shalt  }
0x5b: {  	_ =	shalt  }
0x5c: {  	_ =	shalt  }
0x5d: {  	_ =	shalt  }
0x5e: {  	_ =	shalt  }
0x5f: {  	_ =	shalt  }
0x60: {  	_ =	shalt  }
0x61: {  	_ =	shalt  }
0x62: {  	_ =	shalt  }
0x63: {  	_ =	shalt  }
0x64: {  	_ =	shalt  }
0x65: {  	_ =	shalt  }
0x66: {  	_ =	shalt  }
0x67: {  	_ =	shalt  }
0x68: {  	_ =	shalt  }
0x69: {  	_ =	shalt  }
0x6a: {  	_ =	shalt  }
0x6b: {  	_ =	shalt  }
0x6c: {  	_ =	shalt  }
0x6d: {  	_ =	shalt  }
0x6e: {  	_ =	shalt  }
0x6f: {  	_ =	shalt  }
0x70: {  	_ =	shalt  }
0x71: {  	_ =	shalt  }
0x72: {  	_ =	shalt  }
0x73: {  	_ =	shalt  }
0x74: {  	_ =	shalt  }
0x75: {  	_ =	shalt  }
0x76: {  	_ =	shalt  }
0x77: {  	_ =	shalt  }
0x78: {  	_ =	shalt  }
0x79: {  	_ =	shalt  }
0x7a: {  	_ =	shalt  }
0x7b: {  	_ =	shalt  }
0x7c: {  	_ =	shalt  }
0x7d: {  	_ =	shalt  }
0x7e: {  	_ =	shalt  }
0x7f: {  	_ =	shalt  }
0x80: {  	_ =	shalt  }
0x81: {  	_ =	shalt  }
0x82: {  	_ =	shalt  }
0x83: {  	_ =	shalt  }
0x84: {  	_ =	shalt  }
0x85: {  	_ =	shalt  }
0x86: {  	_ =	shalt  }
0x87: {  	_ =	shalt  }
.Lfunc_end0:
.L_simem_size_0:
called_computation_lowered:
.L_overlay_start_0:
0x88: {  	s2 =	sld [smem:$0x3FD9]  }
0x89: {  	s3 =	sld [smem:$0x3FFE];
	_ =	sdelay $0x1  }
0x8a: {  	s1 =	srdreg.scid  }
0x8b: {  	s0 =	sand.u32 $0x1, s1  }
0x8c: {  	s16 =	sshll.u32 s0, $0xA;
	s2 =	sadd.s32 s3, s2  }
0x8d: {  	s2 =	sadd.s32 s2, s16  }
0x8e: {  	[smem:$0x3FBA] =	sst s2  }
0x8f: {  	_ = 	snop  }
0x90: {  	(tm) =	ssettm $0x1  }
0x91: {  	s17 =	sld [smem:$0x3FFB];
	_ =	sdelay $0x3  }
0x92: {  	_ =	strace s17  }
0x93: {  	s2 =	sld [smem:$0x3FFC];
	_ =	sdelay $0x3  }
0x94: {  	_ =	strace s2  }
0x95: {  	s2 =	sld [smem:$0x3FFD];
	_ =	sdelay $0x3  }
0x96: {  	_ =	strace s2  }
0x97: {  	_ =	strace $0x8FFFFFFF  }
0x98: {  	s18 =	sld [smem:$0x3FDB];
	_ =	sdelay $0x1  }
0x99: {  	s19 =	simm.s32 $_scs_section_size  }
0x9a: {  	s4 =	simm.s32 $_size__tile_overlayer_lowered;
	s5 =	simm.s32 $_tile_overlayer_lowered  }
0x9b: {  	s22 =	simm.s32 $0x1BFF;
	s21 =	sshll.u32 s5, $0x1;
	s2 =	sadd.s32 s19, s18  }
0x9c: {  	s6 =	simm.s32 $0x0;
	s20 =	sshll.u32 s4, $0x1;
	s4 =	sadd.s32 s21, s2  }
0x9d: {  	[timem:s6], [sflag:s22] =	dma.local [hbm:s4], s20  }
0x9e: {  	_ =	swait.ge [sflag:s22], s20  }
0x9f: {  	s3 =	ssub.s32 $0x0, s20;
	[sflag:s22] =	ssyncset.done $0x0  }
0xa0: {  	[sflag:s22] =	ssyncadd.s32 s3;
	_ =	sdelay $0x1  }
0xa1: {  	s23 =	simm.s32 $0x1B8B  }
0xa2: {  	_ =	swait.ge [sflag:s23], $0x1  }
0xa3: {  	[sflag:s23] =	ssyncset.done $0x0  }
0xa4: {  	s25 =	simm.s32 $0x1B8E;
	s24 =	sld [smem:$0x3FFE];
	[sflag:s23] =	ssyncadd.s32 $0xFFFFFFFF  }
0xa5: {  	s26 =	simm.s32 $execute0_lowered;
	[smem:$0x3FD2] =	sst s25  }
0xa6: {  	s4 =	sshll.u32 s26, $0x1;
	_ =	strace $0x80000046;
	[dreg:$0x1] =	wrdreg $0xFFFFFFFF  }
0xa7: {  	s28 =	simm.s32 $_size_execute0_lowered;
	s2 =	sadd.s32 s2, s4;
	[dreg:$0x0] =	wrdreg $0x0  }
0xa8: {  	s4 =	sshll.u32 s28, $0x1;
	[dreg:$0x2] =	wrdreg s2  }
0xa9: {  	[dreg:$0x3] =	wrdreg s4  }
0xaa: {  	[dreg:$0x4] =	wrdreg $0xC0  }
0xab: {  	_ =	task [dreg:s6], $0x5FFFF  }
0xac: {  	[dreg:$0x1] =	wrdreg $0xFFFFFFFF  }
0xad: {  	[dreg:$0x0] =	wrdreg $0x60  }
0xae: {  	[dreg:$0x2] =	wrdreg s24  }
0xaf: {  	[dreg:$0x3] =	wrdreg $0x90000  }
0xb0: {  	[dreg:$0x4] =	wrdreg $0xB8000  }
0xb1: {  	[dreg:$0x5] =	wrdreg $0x9  }
0xb2: {  	_ =	task.clear_ibuf [dreg:s6], $0x6FFFF;
	_ =	strace $0x90000046  }
0xb3: {  	s29 =	simm.s32 $0x9;
	_ =	strace $0x80000048  }
0xb4: {  	_ =	swait.ge [sflag:s29], $0x1  }
0xb5: {  	[sflag:s29] =	ssyncadd.s32 $0xFFFFFFFF  }
0xb6: {  	_ =	strace $0x90000048  }
0xb7: {  	_ =	sfence  }
0xb8: {  	s30 =	sld [smem:$0x0];
	_ =	sdelay $0x2  }
0xb9: {  	s31 =	sshll.u32 s1, $0xD;
	s1 =	sshrl.u32 s1, $0x2  }
0xba: {  	s3 =	sand.u32 $0x4000, s31;
	s1 =	sadd.s32 s1, s30  }
0xbb: {  	s0 =	sor.u32 s3, s0;
	s1 =	sshll.u32 s1, $0x11  }
0xbc: {  	s0 =	sor.u32 s1, s0  }
0xbd: {  	s0 =	sadd.s32 $0x8F2B, s0  }
0xbe: {  	[sflag:s0] =	ssyncadd.remote.s32 $0x1  }
0xbf: {  	_ =	sfence.sel $0xFFFF  }
0xc0: {  	[dreg:$0x0] =	wrdreg $0xFFFFFFFF;
	(pc) =	sbr.abs _section_cstart, $3  }
0xc1: {  	[dreg:$0x1] =	wrdreg $0xFFFFFFFF  }
0xc2: {  	_ =	task.clear_ibuf [dreg:s6], $0x2FFFF;
	_ =	strace $0x9FFFFFFF  }
0xc3: {  	(tm) =	ssettm $0x7FFFFFFF  }
tec
execute0_lowered:
.L_overlay_start_1:
0x0: {  	(tag) =	ssettag $0x1  }
0x1: {  	s8 =	rddreg [dreg:$0x0]  }
0x2: {  	s2 =	rddreg [dreg:$0x1]  }
0x3: {  	s0 =	srdreg.scid;
	s3 =	rddreg [dreg:$0x2];
	s4 =	simm.s32 $0x0  }
0x4: {  	s17 =	simm.s32 $0x2800;
	s7 =	sand.u32 $0x1, s0;
	s0 =	stileid.u32  }
0x5: {  	s18 =	simm.s32 $0x80;
	s19 =	simm.s32 $0x0;
	s9 =	smul.u32 $0x280, s0  }
0x6: {  	[smem:$0x7FF] =	sst s4;
	s6 =	sadd.s32 $0x1B800, s8;
	s10 =	smul.u32 $0x5000, s7  }
0x7: {  	s1 =	sshll.u32 s7, $0x4;
	s7 =	ssub.s32 $0x2, s7;
	s12 =	smul.u32 $0x14000, s0  }
0x8: {  	s31 =	sshll.u32 s0, $0x6;
	s1 =	sor.u32 s0, s1;
	s30 =	sshrl.u32 s7, $0x1  }
0x9: {  	s5 =	smul.u32 $0x500, s1;
	s1 =	rddreg [dreg:$0x3];
	_ =	strace $0x80000047  }
0xa: {  	s9 =	sadd.s32 s9, s10;
	s14 =	ssub.s32 s7, s30;
	s15 =	sadd.s32 s12, s2  }
0xb: {  	s7 =	sor.u32 $0x1C01, s31;
	s16 =	sadd.s32 s12, s3;
	s9 =	sshll.u32 s9, $0x4  }
0xc: {  	s12 =	smax.u32 s14, $0x1;
	s14 =	simm.s32 $0x1;
	s11 =	sadd.s32 s5, s8  }
0xd: {  	s5 =	sadd.s32 $0x19000, s8;
	s13 =	sadd.s32 s9, s8;
	s8 =	sadd.s32 $0xF000, s11  }
0xe: {  	s9 =	sadd.s32 $0x5000, s11;
	s10 =	sadd.s32 $0x1C000, s13;
	s11 =	sadd.s32 $0x44000, s13  }
0xf: {  	s13 =	sshrl.u32 s15, $0x3;
	s15 =	sshrl.u32 s16, $0x3;
	s16 =	simm.s32 $0x5000  }
.LBB2_1:
0x10: {  	[spmem:s13], [sflag:s7] =	dma.local [hbm:s5], $0x2800  }
0x11: {  	_ =	swait.ge [sflag:s14], $0x2800  }
0x12: {  	[sflag:s14] =	ssyncset.done $0x0  }
0x13: {  	[sflag:s14] =	ssyncadd.s32 $0xFFFFD800  }
0x14: {  	[spmem:s15], [sflag:s7] =	dma.local [hbm:s5], $0x2800  }
0x15: {  	_ =	swait.ge [sflag:s14], $0x2800  }
0x16: {  	[sflag:s14] =	ssyncset.done $0x0  }
0x17: {  	[sflag:s14] =	ssyncadd.s32 $0xFFFFD800  }
0x18: {  	[tilespmem:s16], [sflag:$0x1] =	stream.linear.gather [hbm4b:s6+s4], $0x4000, $0x38;
	[tilespmem:$0xE000] =	vst v63  }
0x19: {  	_ =	swait.ge [sflag:s14], $0x4000  }
0x1a: {  	[sflag:s14] =	ssyncset.done $0x0  }
0x1b: {  	[sflag:s14] =	ssyncadd.s32 $0xFFFFC000  }
0x1c: {  	[tilespmem:s4], [sflag:$0x1] =	stream.linear.gather [hbm4b:s8+s4], $0x2800, $0x38;
	[tilespmem:$0xE000] =	vst v63  }
0x1d: {  	_ =	swait.ge [sflag:s14], $0x2800  }
0x1e: {  	[sflag:s14] =	ssyncset.done $0x0  }
0x1f: {  	[sflag:s14] =	ssyncadd.s32 $0xFFFFD800  }
0x20: {  	[tilespmem:s17], [sflag:$0x1] =	stream.linear.gather [hbm4b:s9+s4], $0x2800, $0x38;
	[tilespmem:$0xE000] =	vst v63  }
0x21: {  	_ =	swait.ge [sflag:s14], $0x2800  }
0x22: {  	[sflag:s14] =	ssyncset.done $0x0  }
0x23: {  	[sflag:s14] =	ssyncadd.s32 $0xFFFFD800  }
0x24: {  	s20 =	simm.s32 $0x0;
	[bflag:$0x0] =	sbarrier.arrive $0xFFFF  }
0x25: {  	[spmem:s2] =	stream.indirect.scatter.add.f32 [tilespmem:s16], [sflag:$0x1], $0x10, s20, s18, $0xb8;
	[tilespmem:$0xE000] =	vst v63  }
0x26: {  	_ =	swait.ge [sflag:s14], $0x800  }
0x27: {  	[sflag:s14] =	ssyncset.done $0x0  }
0x28: {  	s31 =	simm.s32 $0x2800;
	[sflag:s14] =	ssyncadd.s32 $0xFFFFF800  }
0x29: {  	[spmem:s3] =	stream.indirect.scatter.add.f32 [tilespmem:s16], [sflag:$0x1], $0x10, s31, s18, $0xb8;
	[tilespmem:$0xE000] =	vst v63  }
0x2a: {  	_ =	swait.ge [sflag:s14], $0x800  }
0x2b: {  	s21 =	simm.s32 $0x400;
	s20 =	simm.s32 $0x200;
	[sflag:s14] =	ssyncset.done $0x0  }
.LBB2_2:
0x2c: {  	s22 =	sshra.s32 s20, $0x2  }
0x2d: {  	[sflag:s14] =	ssyncadd.s32 $0xFFFFF800;
	s20 =	smov.u32 s21;
	s23 =	sadd.s32 $0x200, s21  }
0x2e: {  	[spmem:s2] =	stream.indirect.scatter.add.f32 [tilespmem:s16], [sflag:$0x1], $0x10, s22, s18, $0xb8;
	[tilespmem:$0xE000] =	vst v63  }
0x2f: {  	p0 =	sne.s32 s21, $0x9E00;
	_ =	swait.ge [sflag:s14], $0x800  }
.Ltmp0:
0x30: {  	[sflag:s14] =	ssyncset.done $0x0;
	(pc) =	sbr.rel @p0 .LBB2_2-.Ltmp0, $4  }
0x31: {  	s21 =	sadd.s32 $0x2800, s22;
	[sflag:s14] =	ssyncadd.s32 $0xFFFFF800  }
0x32: {  	[spmem:s3] =	stream.indirect.scatter.add.f32 [tilespmem:s16], [sflag:$0x1], $0x10, s21, s18, $0xb8;
	[tilespmem:$0xE000] =	vst v63  }
0x33: {  	_ =	swait.ge [sflag:s14], $0x800  }
0x34: {  	s21 =	smov.u32 s23;
	[sflag:s14] =	ssyncset.done $0x0  }
0x35: {  	s20 =	sshra.s32 s20, $0x2;
	[sflag:s14] =	ssyncadd.s32 $0xFFFFF800  }
0x36: {  	[spmem:s2] =	stream.indirect.scatter.add.f32 [tilespmem:s16], [sflag:$0x1], $0x10, s20, s18, $0xb8;
	[tilespmem:$0xE000] =	vst v63  }
0x37: {  	_ =	swait.ge [sflag:s14], $0x800  }
0x38: {  	[sflag:s14] =	ssyncset.done $0x0  }
0x39: {  	s20 =	sadd.s32 $0x2800, s20;
	[sflag:s14] =	ssyncadd.s32 $0xFFFFF800  }
0x3a: {  	[spmem:s3] =	stream.indirect.scatter.add.f32 [tilespmem:s16], [sflag:$0x1], $0x10, s20, s18, $0xb8;
	[tilespmem:$0xE000] =	vst v63  }
0x3b: {  	_ =	swait.ge [sflag:s14], $0x800  }
0x3c: {  	[sflag:s14] =	ssyncset.done $0x0  }
0x3d: {  	[sflag:s14] =	ssyncadd.s32 $0xFFFFF800  }
0x3e: {  	[bflag:$0x0] =	sbarrier.arrive $0xFFFF  }
0x3f: {  	[hbm:s10], [sflag:s7] =	dma.local [spmem:s13], $0x2800  }
0x40: {  	s19 =	sadd.s32 $0x1, s19;
	_ =	swait.ge [sflag:s14], $0x2800  }
0x41: {  	p0 =	sne.s32 s19, s12;
	[sflag:s14] =	ssyncset.done $0x0  }
.Ltmp1:
0x42: {  	[sflag:s14] =	ssyncadd.s32 $0xFFFFD800;
	(pc) =	sbr.rel @p0 .LBB2_1-.Ltmp1, $4  }
0x43: {  	[hbm:s11], [sflag:s7] =	dma.local [spmem:s15], $0x2800  }
0x44: {  	_ =	swait.ge [sflag:s14], $0x2800  }
0x45: {  	[sflag:s14] =	ssyncset.done $0x0  }
0x46: {  	[sflag:s14] =	ssyncadd.s32 $0xFFFFD800  }
0x47: {  	_ =	sfence.sel $0x180000  }
0x48: {  	[bflag:$0x0] =	sbarrier.arrive $0xFFFF  }
0x49: {  	p0 =	sne.s32 s0, $0x0;
	_ =	strace $0x90000047  }
0x4a: {  	s0 =	sadd.s32 @!p0 $0x100000, s1;
	[bflag:$0x2] =	sbarrier.arrive $0xFFFF  }
0x4b: {  	[sflag:s0] =	ssyncadd.tile.s32 @!p0 $0x1;
	_ =	shalt  }
.Lfunc_end2:
_tile_overlayer_lowered:
.L_overlay_start_2:
0x4c: {  	(tag) =	ssettag $0x2  }
0x4d: {  	s0 =	rddreg [dreg:$0x0];
	s2 =	stileid.u32  }
0x4e: {  	s1 =	rddreg [dreg:$0x1];
	p0 =	sne.s32 s2, $0x0  }
0x4f: {  	s3 =	rddreg [dreg:$0x2];
	[bflag:$0x3] =	sbarrier.arrive $0xFFFF;
	s2 =	simm.s32 @!p0 $0x1C01  }
0x50: {  	[timem:s3], [sflag:s2] =	dma.local @!p0 [hbm:s0], s1  }
0x51: {  	s0 =	simm.s32 @!p0 $0x1  }
0x52: {  	_ =	swait.ge @!p0 [sflag:s0], s1  }
0x53: {  	s1 =	ssub.s32 @!p0 $0x0, s1;
	[sflag:s0] =	ssyncset.done @!p0 $0x0  }
0x54: {  	[sflag:s0] =	ssyncadd.s32 @!p0 s1  }
0x55: {  	[bflag:$0x3] =	sbarrier.arrive $0xFFFF  }
0x56: {  	_ =	shalt  }

// kernel: kernel.15.cloned.1.call-start
scs
__scs_entry_jumppad:
0x0: {  	(pc) =	sbr.rel $0x88, $3  }
0x1: {  	(tag) =	ssettag $0x0;
	lr =	simm.s32 $0x1  }
0x2: {  	[smem:$0x3F93] =	sst lr;
	_ =	strace $0xD0000000  }
0x3: {  	_ = 	snop  }
0x4: {  	_ = 	snop  }
0x5: {  	_ = 	snop  }
0x6: {  	_ = 	snop  }
0x7: {  	_ = 	snop  }
__scs_overlays_trampoline_lowered:
0x8: {  	[smem:$0x3FA2] =	sst s0  }
0x9: {  	[smem:$0x3FA3] =	sst s1  }
0xa: {  	[smem:$0x3FA4] =	sst s2  }
0xb: {  	[smem:$0x3FA5] =	sst s3  }
0xc: {  	[smem:$0x3FA6] =	sst s4  }
0xd: {  	[smem:$0x3FA7] =	sst s5  }
0xe: {  	[smem:$0x3FA8] =	sst s6  }
0xf: {  	[smem:$0x3FA9] =	sst s7  }
0x10: {  	[smem:$0x3FAA] =	sst s8  }
0x11: {  	[smem:$0x3FAB] =	sst s9;
	s0 =	simm.s32 @!p0 $0x0  }
0x12: {  	s1 =	sld [smem:$0x3F91];
	s0 =	simm.s32 @p0 $0x1  }
0x13: {  	[smem:$0x3FAC] =	sst s0;
	s0 =	simm.s32 @!p1 $0x0  }
0x14: {  	s2 =	sld [smem:$0x3F90];
	s0 =	simm.s32 @p1 $0x1  }
0x15: {  	[smem:$0x3FAD] =	sst s0;
	s0 =	simm.s32 @!p2 $0x0  }
0x16: {  	s3 =	sld [smem:$0x3FDB];
	s0 =	simm.s32 @p2 $0x1  }
0x17: {  	s4 =	simm.s32 $0x1BF5;
	[smem:$0x3FAF] =	sst s0  }
0x18: {  	s0 =	sld [smem:$0x3F92];
	_ =	swait.ge [sflag:s4], $0x0  }
0x19: {  	s7 =	sld [smem:$0x3F93]  }
0x1a: {  	s8 =	sadd.s32 $0xFFFFE003, lr  }
0x1b: {  	s9 =	sadd.s32 $0xFFFFFEF7, lr;
	s5 =	simm.s32 $0xFFFFFFFF;
	p2 =	slt.u32 s8, $0xFFFFF086  }
0x1c: {  	p1 =	slt.u32 s9, $0xF7A;
	s5 =	simm.s32 @!p2 $0x0  }
0x1d: {  	s5 =	simm.s32 @p1 $0x1;
	p0 =	seq.s32 s7, s2  }
0x1e: {  	s7 =	smul.u32 @!p0 $0xF7A, s2;
	p2 =	seq.s32 @!p0 s5, $0x0  }
0x1f: {  	s9 =	smul.u32 $0xF7A, s1;
	s8 =	simm.s32 @!p0 $0x1BF5;
	p2 =	por !p2, p0  }
0x20: {  	[sflag:s8] =	ssyncset.s32 @!p0 $0xFFFFF086;
	s6 =	sadd.s32 @!p0 s3, s7;
	s7 =	simm.s32 @!p0 $0x108  }
0x21: {  	s3 =	sadd.s32 s3, s9;
	s6 =	sadd.s32 @!p0 $0x88, s6;
	s7 =	simm.s32 @p2 $0x1082  }
0x22: {  	[simem:s7], [sflag:s8] =	dma.local @!p0 [hbm:s6], $0xF7A  }
0x23: {  	s9 =	sor.u32 $0xD0000000, s2;
	s6 =	simm.s32 $0x108;
	_ =	swait.ge @!p0 [sflag:s8], $0x0  }
0x24: {  	s3 =	sadd.s32 $0x88, s3;
	s6 =	simm.s32 @!p1 $0x1082;
	[sflag:s4] =	ssyncset.s32 $0xFFFFF086  }
0x25: {  	[simem:s6], [sflag:s4] =	dma.local [hbm:s3], $0xF7A  }
0x26: {  	[smem:$0x3F93] =	sst s1;
	(tag) =	ssettag s2;
	_ =	strace s9  }
0x27: {  	s1 =	sld [smem:$0x3FA3]  }
0x28: {  	s2 =	sld [smem:$0x3FA4]  }
0x29: {  	s4 =	sld [smem:$0x3FA6]  }
0x2a: {  	p0 =	seq.s32 s5, $0x0;
	s5 =	sld [smem:$0x3FA7]  }
0x2b: {  	s6 =	sld [smem:$0x3FA8]  }
0x2c: {  	s7 =	sld [smem:$0x3FA9]  }
0x2d: {  	s3 =	simm.s32 $0x108;
	s8 =	sld [smem:$0x3FAA]  }
0x2e: {  	s3 =	simm.s32 @!p0 $0x1082;
	s9 =	sld [smem:$0x3FAB]  }
0x2f: {  	lr =	sadd.s32 s0, s3;
	s0 =	sld [smem:$0x3FA2]  }
0x30: {  	s3 =	sld [smem:$0x3FA5]  }
0x31: {  	[smem:$0x3FAE] =	sst s10  }
0x32: {  	s10 =	sld [smem:$0x3FAC];
	_ =	sdelay $0x3  }
0x33: {  	p0 =	seq.s32 s10, $0x1;
	s10 =	sld [smem:$0x3FAE];
	_ =	sdelay $0x3  }
0x34: {  	[smem:$0x3FAE] =	sst s10  }
0x35: {  	s10 =	sld [smem:$0x3FAD];
	_ =	sdelay $0x3  }
0x36: {  	p1 =	seq.s32 s10, $0x1;
	s10 =	sld [smem:$0x3FAE];
	_ =	sdelay $0x3  }
0x37: {  	[smem:$0x3FAE] =	sst s10  }
0x38: {  	s10 =	sld [smem:$0x3FAF]  }
0x39: {  	_ = 	snop;
	(pc) =	sbr.ind lr, $3  }
0x3a: {  	_ = 	snop  }
0x3b: {  	_ = 	snop  }
0x3c: {  	p2 =	seq.s32 s10, $0x1;
	s10 =	sld [smem:$0x3FAE]  }
0x3d: {  	_ =	shalt  }
0x3e: {  	_ =	shalt  }
0x3f: {  	_ =	shalt  }
0x40: {  	_ =	shalt  }
0x41: {  	_ =	shalt  }
0x42: {  	_ =	shalt  }
0x43: {  	_ =	shalt  }
0x44: {  	_ =	shalt  }
0x45: {  	_ =	shalt  }
0x46: {  	_ =	shalt  }
0x47: {  	_ =	shalt  }
0x48: {  	_ =	shalt  }
0x49: {  	_ =	shalt  }
0x4a: {  	_ =	shalt  }
0x4b: {  	_ =	shalt  }
0x4c: {  	_ =	shalt  }
0x4d: {  	_ =	shalt  }
0x4e: {  	_ =	shalt  }
0x4f: {  	_ =	shalt  }
0x50: {  	_ =	shalt  }
0x51: {  	_ =	shalt  }
0x52: {  	_ =	shalt  }
0x53: {  	_ =	shalt  }
0x54: {  	_ =	shalt  }
0x55: {  	_ =	shalt  }
0x56: {  	_ =	shalt  }
0x57: {  	_ =	shalt  }
0x58: {  	_ =	shalt  }
0x59: {  	_ =	shalt  }
0x5a: {  	_ =	shalt  }
0x5b: {  	_ =	shalt  }
0x5c: {  	_ =	shalt  }
0x5d: {  	_ =	shalt  }
0x5e: {  	_ =	shalt  }
0x5f: {  	_ =	shalt  }
0x60: {  	_ =	shalt  }
0x61: {  	_ =	shalt  }
0x62: {  	_ =	shalt  }
0x63: {  	_ =	shalt  }
0x64: {  	_ =	shalt  }
0x65: {  	_ =	shalt  }
0x66: {  	_ =	shalt  }
0x67: {  	_ =	shalt  }
0x68: {  	_ =	shalt  }
0x69: {  	_ =	shalt  }
0x6a: {  	_ =	shalt  }
0x6b: {  	_ =	shalt  }
0x6c: {  	_ =	shalt  }
0x6d: {  	_ =	shalt  }
0x6e: {  	_ =	shalt  }
0x6f: {  	_ =	shalt  }
0x70: {  	_ =	shalt  }
0x71: {  	_ =	shalt  }
0x72: {  	_ =	shalt  }
0x73: {  	_ =	shalt  }
0x74: {  	_ =	shalt  }
0x75: {  	_ =	shalt  }
0x76: {  	_ =	shalt  }
0x77: {  	_ =	shalt  }
0x78: {  	_ =	shalt  }
0x79: {  	_ =	shalt  }
0x7a: {  	_ =	shalt  }
0x7b: {  	_ =	shalt  }
0x7c: {  	_ =	shalt  }
0x7d: {  	_ =	shalt  }
0x7e: {  	_ =	shalt  }
0x7f: {  	_ =	shalt  }
0x80: {  	_ =	shalt  }
0x81: {  	_ =	shalt  }
0x82: {  	_ =	shalt  }
0x83: {  	_ =	shalt  }
0x84: {  	_ =	shalt  }
0x85: {  	_ =	shalt  }
0x86: {  	_ =	shalt  }
0x87: {  	_ =	shalt  }
.Lfunc_end0:
.L_simem_size_0:
called_computation.1_lowered:
.L_overlay_start_0:
0x88: {  	s2 =	sld [smem:$0x3FD9]  }
0x89: {  	s3 =	sld [smem:$0x3FFE];
	_ =	sdelay $0x1  }
0x8a: {  	s1 =	srdreg.scid  }
0x8b: {  	s0 =	sand.u32 $0x1, s1  }
0x8c: {  	s16 =	sshll.u32 s0, $0xA;
	s2 =	sadd.s32 s3, s2  }
0x8d: {  	s2 =	sadd.s32 s2, s16  }
0x8e: {  	[smem:$0x3FBA] =	sst s2  }
0x8f: {  	_ = 	snop  }
0x90: {  	(tm) =	ssettm $0x1  }
0x91: {  	s17 =	sld [smem:$0x3FFB];
	_ =	sdelay $0x3  }
0x92: {  	_ =	strace s17  }
0x93: {  	s2 =	sld [smem:$0x3FFC];
	_ =	sdelay $0x3  }
0x94: {  	_ =	strace s2  }
0x95: {  	s2 =	sld [smem:$0x3FFD];
	_ =	sdelay $0x3  }
0x96: {  	_ =	strace s2  }
0x97: {  	_ =	strace $0x8FFFFFFF  }
0x98: {  	s18 =	sld [smem:$0x3FDB];
	_ =	sdelay $0x1  }
0x99: {  	s19 =	simm.s32 $_scs_section_size  }
0x9a: {  	s4 =	simm.s32 $_size__tile_overlayer_lowered;
	s5 =	simm.s32 $_tile_overlayer_lowered  }
0x9b: {  	s22 =	simm.s32 $0x1BFF;
	s21 =	sshll.u32 s5, $0x1;
	s2 =	sadd.s32 s19, s18  }
0x9c: {  	s6 =	simm.s32 $0x0;
	s20 =	sshll.u32 s4, $0x1;
	s4 =	sadd.s32 s21, s2  }
0x9d: {  	[timem:s6], [sflag:s22] =	dma.local [hbm:s4], s20  }
0x9e: {  	_ =	swait.ge [sflag:s22], s20  }
0x9f: {  	s3 =	ssub.s32 $0x0, s20;
	[sflag:s22] =	ssyncset.done $0x0  }
0xa0: {  	[sflag:s22] =	ssyncadd.s32 s3;
	_ =	sdelay $0x1  }
0xa1: {  	s23 =	simm.s32 $0x1B8B  }
0xa2: {  	_ =	swait.ge [sflag:s23], $0x1  }
0xa3: {  	[sflag:s23] =	ssyncset.done $0x0  }
0xa4: {  	s25 =	simm.s32 $0x1B8E;
	s24 =	sld [smem:$0x3FFE];
	[sflag:s23] =	ssyncadd.s32 $0xFFFFFFFF  }
0xa5: {  	s26 =	simm.s32 $execute0_lowered;
	[smem:$0x3FD2] =	sst s25  }
0xa6: {  	s4 =	sshll.u32 s26, $0x1;
	_ =	strace $0x80000049;
	[dreg:$0x1] =	wrdreg $0xFFFFFFFF  }
0xa7: {  	s28 =	simm.s32 $_size_execute0_lowered;
	s2 =	sadd.s32 s2, s4;
	[dreg:$0x0] =	wrdreg $0x0  }
0xa8: {  	s4 =	sshll.u32 s28, $0x1;
	[dreg:$0x2] =	wrdreg s2  }
0xa9: {  	[dreg:$0x3] =	wrdreg s4  }
0xaa: {  	[dreg:$0x4] =	wrdreg $0xC0  }
0xab: {  	_ =	task [dreg:s6], $0x5FFFF  }
0xac: {  	[dreg:$0x1] =	wrdreg $0xFFFFFFFF  }
0xad: {  	[dreg:$0x0] =	wrdreg $0x60  }
0xae: {  	[dreg:$0x2] =	wrdreg s24  }
0xaf: {  	[dreg:$0x3] =	wrdreg $0x82000  }
0xb0: {  	[dreg:$0x4] =	wrdreg $0x9  }
0xb1: {  	_ =	task.clear_ibuf [dreg:s6], $0x5FFFF;
	_ =	strace $0x90000049  }
0xb2: {  	s29 =	simm.s32 $0x9;
	_ =	strace $0x8000004B  }
0xb3: {  	_ =	swait.ge [sflag:s29], $0x1  }
0xb4: {  	[sflag:s29] =	ssyncadd.s32 $0xFFFFFFFF  }
0xb5: {  	_ =	strace $0x9000004B  }
0xb6: {  	_ =	sfence  }
0xb7: {  	s30 =	sld [smem:$0x0];
	_ =	sdelay $0x2  }
0xb8: {  	s31 =	sshll.u32 s1, $0xD;
	s1 =	sshrl.u32 s1, $0x2  }
0xb9: {  	s3 =	sand.u32 $0x4000, s31;
	s1 =	sadd.s32 s1, s30  }
0xba: {  	s0 =	sor.u32 s3, s0;
	s1 =	sshll.u32 s1, $0x11  }
0xbb: {  	s0 =	sor.u32 s1, s0  }
0xbc: {  	s0 =	sadd.s32 $0x8F2B, s0  }
0xbd: {  	[sflag:s0] =	ssyncadd.remote.s32 $0x1  }
0xbe: {  	_ =	sfence.sel $0xFFFF  }
0xbf: {  	[dreg:$0x0] =	wrdreg $0xFFFFFFFF;
	(pc) =	sbr.abs _section_cstart, $3  }
0xc0: {  	[dreg:$0x1] =	wrdreg $0xFFFFFFFF  }
0xc1: {  	_ =	task.clear_ibuf [dreg:s6], $0x2FFFF;
	_ =	strace $0x9FFFFFFF  }
0xc2: {  	(tm) =	ssettm $0x7FFFFFFF  }
0xc3: {  	_ =	shalt  }
tec
execute0_lowered:
.L_overlay_start_1:
0x0: {  	(tag) =	ssettag $0x1  }
0x1: {  	s6 =	rddreg [dreg:$0x0]  }
0x2: {  	s2 =	rddreg [dreg:$0x1]  }
0x3: {  	s0 =	rddreg [dreg:$0x2]  }
0x4: {  	s4 =	srdreg.scid;
	s1 =	stileid.u32  }
0x5: {  	s3 =	simm.s32 $0x0;
	s15 =	simm.s32 $0x100;
	s16 =	simm.s32 $0x3  }
0x6: {  	s17 =	simm.s32 $0x80;
	s18 =	simm.s32 $0x200;
	s19 =	simm.s32 $0x4  }
0x7: {  	s20 =	simm.s32 $0x4200;
	s21 =	simm.s32 $0x1;
	s22 =	simm.s32 $0x2  }
0x8: {  	s23 =	simm.s32 $0x180;
	s24 =	simm.s32 $0x0;
	s5 =	smul.u32 $0x2800, s1  }
0x9: {  	s7 =	sand.u32 $0x1, s4;
	[smem:$0x7FF] =	sst s3;
	s25 =	smul.u32 $0x50000, s1  }
0xa: {  	s4 =	sadd.s32 $0xF8000, s6;
	s10 =	sadd.s32 $0xE4000, s6;
	s13 =	smul.u32 $0x50, s1  }
0xb: {  	s29 =	sshll.u32 s1, $0x6;
	s8 =	smul.u32 $0x28000, s7;
	_ =	strace $0x8000004A  }
0xc: {  	s26 =	ssub.s32 $0x2, s7;
	s11 =	sshll.u32 s7, $0x4;
	s7 =	smul.u32 $0x500, s7  }
0xd: {  	s12 =	sshrl.u32 s26, $0x1;
	s11 =	sor.u32 s1, s11;
	s8 =	sadd.s32 s5, s8  }
0xe: {  	s5 =	sadd.s32 $0x5000, s6;
	s12 =	ssub.s32 s26, s12;
	s28 =	smul.u32 $0xA00, s11  }
0xf: {  	s30 =	sadd.s32 s13, s7;
	s9 =	sadd.s32 s8, s6;
	s6 =	sshrl.u32 s25, $0x2  }
0x10: {  	s11 =	sshll.u32 s30, $0x5;
	s14 =	sadd.s32 s6, s2;
	s6 =	sor.u32 $0x1C05, s29  }
0x11: {  	s7 =	sadd.s32 s10, s28;
	s9 =	sadd.s32 $0x120000, s9;
	s31 =	sadd.s32 s11, s10  }
0x12: {  	s10 =	smax.u32 s12, $0x1;
	s8 =	sadd.s32 $0x20, s7;
	s11 =	sadd.s32 $0x60, s31  }
0x13: {  	s12 =	sadd.s32 $0x40, s31;
	s13 =	sshrl.u32 s14, $0x3;
	s14 =	simm.s32 $0x5  }
.LBB2_1:
0x14: {  	[spmem:s13], [sflag:s6] =	dma.local [hbm:s5], $0x2800  }
0x15: {  	_ =	swait.ge [sflag:s14], $0x2800  }
0x16: {  	[sflag:s14] =	ssyncset.done $0x0  }
0x17: {  	[sflag:s14] =	ssyncadd.s32 $0xFFFFD800  }
0x18: {  	[bflag:$0x0] =	sbarrier.arrive $0xFFFF  }
0x19: {  	[tilespmem:s3], [sflag:$0x3] =	stream.linear.gather [hbm4b:s7+s3], $0x100, $0x38;
	[tilespmem:$0x1C200] =	vst v63  }
0x1a: {  	_ = 	snop  }
0x1b: {  	[tilespmem:s15], [sflag:$0x4] =	stream.linear.gather [hbm4b:s8+s3], $0x100, $0x38;
	[tilespmem:$0x1C200] =	vst v63  }
0x1c: {  	_ =	swait.ge [sflag:s16], $0x100  }
0x1d: {  	[sflag:s16] =	ssyncset.done $0x0  }
0x1e: {  	[sflag:s16] =	ssyncadd.s32 $0xFFFFFF00  }
0x1f: {  	[tilespmem:s18], [sflag:$0x1] =	stream.indirect.gather [hbm4b:s4+s17], $0x80, s3, s17, $0xb8;
	[tilespmem:$0x1C200] =	vst v63  }
0x20: {  	_ =	swait.ge [sflag:s19], $0x100  }
0x21: {  	[sflag:s19] =	ssyncset.done $0x0  }
0x22: {  	[sflag:s19] =	ssyncadd.s32 $0xFFFFFF00  }
0x23: {  	[tilespmem:s20], [sflag:$0x2] =	stream.indirect.gather [hbm4b:s4+s17], $0x80, s15, s17, $0xb8;
	[tilespmem:$0x1C200] =	vst v63  }
0x24: {  	_ =	swait.ge [sflag:s21], $0x4000  }
0x25: {  	[sflag:s21] =	ssyncset.done $0x0  }
0x26: {  	[sflag:s21] =	ssyncadd.s32 $0xFFFFC000  }
0x27: {  	[spmem:s2] =	stream.indirect.scatter.add.f32 [tilespmem:s18], [sflag:$0x5], $0x80, s17, s17, $0xb8;
	[tilespmem:$0x1C200] =	vst v63  }
0x28: {  	_ =	swait.ge [sflag:s14], $0x4000  }
0x29: {  	[sflag:s14] =	ssyncset.done $0x0  }
0x2a: {  	s25 =	sadd.s32 $0x0, s12;
	[sflag:s14] =	ssyncadd.s32 $0xFFFFC000  }
0x2b: {  	[tilespmem:s3], [sflag:$0x3] =	stream.linear.gather [hbm4b:s25+s3], $0x100, $0x38;
	[tilespmem:$0x1C200] =	vst v63  }
0x2c: {  	_ =	swait.ge [sflag:s16], $0x100  }
0x2d: {  	[sflag:s16] =	ssyncset.done $0x0  }
0x2e: {  	[sflag:s16] =	ssyncadd.s32 $0xFFFFFF00  }
0x2f: {  	[tilespmem:s18], [sflag:$0x1] =	stream.indirect.gather [hbm4b:s4+s17], $0x80, s3, s17, $0xb8;
	[tilespmem:$0x1C200] =	vst v63  }
0x30: {  	_ =	swait.ge [sflag:s22], $0x4000  }
0x31: {  	[sflag:s22] =	ssyncset.done $0x0  }
0x32: {  	[sflag:s22] =	ssyncadd.s32 $0xFFFFC000  }
0x33: {  	[spmem:s2] =	stream.indirect.scatter.add.f32 [tilespmem:s20], [sflag:$0x5], $0x80, s23, s17, $0xb8;
	[tilespmem:$0x1C200] =	vst v63  }
0x34: {  	_ =	swait.ge [sflag:s14], $0x4000  }
0x35: {  	[sflag:s14] =	ssyncset.done $0x0  }
0x36: {  	s26 =	sadd.s32 $0x0, s11;
	s25 =	simm.s32 $0x40;
	[sflag:s14] =	ssyncadd.s32 $0xFFFFC000  }
.LBB2_2:
0x37: {  	[tilespmem:s15], [sflag:$0x4] =	stream.linear.gather [hbm4b:s26+s3], $0x100, $0x38;
	[tilespmem:$0x1C200] =	vst v63  }
0x38: {  	s26 =	smov.u32 s25  }
0x39: {  	p0 =	sne.s32 s25, $0x980;
	s25 =	sadd.s32 $0x40, s25;
	_ =	swait.ge [sflag:s19], $0x100  }
0x3a: {  	[sflag:s19] =	ssyncset.done $0x0  }
0x3b: {  	[sflag:s19] =	ssyncadd.s32 $0xFFFFFF00  }
0x3c: {  	[tilespmem:s20], [sflag:$0x2] =	stream.indirect.gather [hbm4b:s4+s17], $0x80, s15, s17, $0xb8;
	[tilespmem:$0x1C200] =	vst v63  }
0x3d: {  	_ =	swait.ge [sflag:s21], $0x4000  }
0x3e: {  	[sflag:s21] =	ssyncset.done $0x0  }
0x3f: {  	[sflag:s21] =	ssyncadd.s32 $0xFFFFC000  }
0x40: {  	[spmem:s2] =	stream.indirect.scatter.add.f32 [tilespmem:s18], [sflag:$0x5], $0x80, s17, s17, $0xb8;
	[tilespmem:$0x1C200] =	vst v63  }
0x41: {  	_ =	swait.ge [sflag:s14], $0x4000  }
0x42: {  	[sflag:s14] =	ssyncset.done $0x0  }
0x43: {  	s28 =	sadd.s32 s26, s12;
	[sflag:s14] =	ssyncadd.s32 $0xFFFFC000  }
0x44: {  	[tilespmem:s3], [sflag:$0x3] =	stream.linear.gather [hbm4b:s28+s3], $0x100, $0x38;
	[tilespmem:$0x1C200] =	vst v63  }
0x45: {  	_ =	swait.ge [sflag:s16], $0x100  }
0x46: {  	[sflag:s16] =	ssyncset.done $0x0  }
0x47: {  	[sflag:s16] =	ssyncadd.s32 $0xFFFFFF00  }
0x48: {  	[tilespmem:s18], [sflag:$0x1] =	stream.indirect.gather [hbm4b:s4+s17], $0x80, s3, s17, $0xb8;
	[tilespmem:$0x1C200] =	vst v63  }
0x49: {  	_ =	swait.ge [sflag:s22], $0x4000  }
0x4a: {  	[sflag:s22] =	ssyncset.done $0x0  }
.Ltmp0:
0x4b: {  	[sflag:s22] =	ssyncadd.s32 $0xFFFFC000;
	(pc) =	sbr.rel @p0 .LBB2_2-.Ltmp0, $4  }
0x4c: {  	[spmem:s2] =	stream.indirect.scatter.add.f32 [tilespmem:s20], [sflag:$0x5], $0x80, s23, s17, $0xb8;
	[tilespmem:$0x1C200] =	vst v63  }
0x4d: {  	_ =	swait.ge [sflag:s14], $0x4000  }
0x4e: {  	[sflag:s14] =	ssyncset.done $0x0  }
0x4f: {  	s26 =	sadd.s32 s26, s11;
	[sflag:s14] =	ssyncadd.s32 $0xFFFFC000  }
0x50: {  	[tilespmem:s15], [sflag:$0x4] =	stream.linear.gather [hbm4b:s26+s3], $0x100, $0x38;
	[tilespmem:$0x1C200] =	vst v63  }
0x51: {  	_ =	swait.ge [sflag:s19], $0x100  }
0x52: {  	[sflag:s19] =	ssyncset.done $0x0  }
0x53: {  	[sflag:s19] =	ssyncadd.s32 $0xFFFFFF00  }
0x54: {  	[tilespmem:s20], [sflag:$0x2] =	stream.indirect.gather [hbm4b:s4+s17], $0x80, s15, s17, $0xb8;
	[tilespmem:$0x1C200] =	vst v63  }
0x55: {  	_ =	swait.ge [sflag:s21], $0x4000  }
0x56: {  	[sflag:s21] =	ssyncset.done $0x0  }
0x57: {  	[sflag:s21] =	ssyncadd.s32 $0xFFFFC000  }
0x58: {  	[spmem:s2] =	stream.indirect.scatter.add.f32 [tilespmem:s18], [sflag:$0x5], $0x80, s17, s17, $0xb8;
	[tilespmem:$0x1C200] =	vst v63  }
0x59: {  	_ =	swait.ge [sflag:s14], $0x4000  }
0x5a: {  	[sflag:s14] =	ssyncset.done $0x0  }
0x5b: {  	[sflag:s14] =	ssyncadd.s32 $0xFFFFC000  }
0x5c: {  	_ =	swait.ge [sflag:s22], $0x4000  }
0x5d: {  	[sflag:s22] =	ssyncset.done $0x0  }
0x5e: {  	[sflag:s22] =	ssyncadd.s32 $0xFFFFC000  }
0x5f: {  	[spmem:s2] =	stream.indirect.scatter.add.f32 [tilespmem:s20], [sflag:$0x5], $0x80, s23, s17, $0xb8;
	[tilespmem:$0x1C200] =	vst v63  }
0x60: {  	_ =	swait.ge [sflag:s14], $0x4000  }
0x61: {  	s24 =	sadd.s32 $0x1, s24;
	[sflag:s14] =	ssyncset.done $0x0  }
0x62: {  	p0 =	sne.s32 s24, s10;
	[sflag:s14] =	ssyncadd.s32 $0xFFFFC000  }
.Ltmp1:
0x63: {  	[bflag:$0x0] =	sbarrier.arrive $0xFFFF;
	(pc) =	sbr.rel @p0 .LBB2_1-.Ltmp1, $4  }
0x64: {  	[hbm:s9], [sflag:s6] =	dma.local [spmem:s13], $0x2800  }
0x65: {  	_ =	swait.ge [sflag:s14], $0x2800  }
0x66: {  	[sflag:s14] =	ssyncset.done $0x0  }
0x67: {  	[sflag:s14] =	ssyncadd.s32 $0xFFFFD800  }
0x68: {  	_ =	sfence.sel $0x180000  }
0x69: {  	[bflag:$0x0] =	sbarrier.arrive $0xFFFF  }
0x6a: {  	p0 =	sne.s32 s1, $0x0;
	_ =	strace $0x9000004A  }
0x6b: {  	s0 =	sadd.s32 @!p0 $0x100000, s0;
	[bflag:$0x2] =	sbarrier.arrive $0xFFFF  }
0x6c: {  	[sflag:s0] =	ssyncadd.tile.s32 @!p0 $0x1;
	_ =	shalt  }
.Lfunc_end2:
_tile_overlayer_lowered:
.L_overlay_start_2:
0x6d: {  	(tag) =	ssettag $0x2  }
0x6e: {  	s0 =	rddreg [dreg:$0x0];
	s2 =	stileid.u32  }
0x6f: {  	s1 =	rddreg [dreg:$0x1];
	p0 =	sne.s32 s2, $0x0  }
0x70: {  	s3 =	rddreg [dreg:$0x2];
	[bflag:$0x3] =	sbarrier.arrive $0xFFFF;
	s2 =	simm.s32 @!p0 $0x1C05  }
0x71: {  	[timem:s3], [sflag:s2] =	dma.local @!p0 [hbm:s0], s1  }
0x72: {  	s0 =	simm.s32 @!p0 $0x5  }
0x73: {  	_ =	swait.ge @!p0 [sflag:s0], s1  }
0x74: {  	s1 =	ssub.s32 @!p0 $0x0, s1;
	[sflag:s0] =	ssyncset.done @!p0 $0x0  }
0x75: {  	[sflag:s0] =	ssyncadd.s32 @!p0 s1  }
0x76: {  	[bflag:$0x3] =	sbarrier.arrive $0xFFFF  }
0x77: {  	_ =	shalt  }

// kernel: kernel.18.cloned.1.call-start
scs
__scs_entry_jumppad:
0x0: {  	(pc) =	sbr.rel $0x88, $3  }
0x1: {  	(tag) =	ssettag $0x0;
	lr =	simm.s32 $0x1  }
0x2: {  	[smem:$0x3F93] =	sst lr;
	_ =	strace $0xD0000000  }
0x3: {  	_ = 	snop  }
0x4: {  	_ = 	snop  }
0x5: {  	_ = 	snop  }
0x6: {  	_ = 	snop  }
0x7: {  	_ = 	snop  }
__scs_overlays_trampoline_lowered:
0x8: {  	[smem:$0x3FA2] =	sst s0  }
0x9: {  	[smem:$0x3FA3] =	sst s1  }
0xa: {  	[smem:$0x3FA4] =	sst s2  }
0xb: {  	[smem:$0x3FA5] =	sst s3  }
0xc: {  	[smem:$0x3FA6] =	sst s4  }
0xd: {  	[smem:$0x3FA7] =	sst s5  }
0xe: {  	[smem:$0x3FA8] =	sst s6  }
0xf: {  	[smem:$0x3FA9] =	sst s7  }
0x10: {  	[smem:$0x3FAA] =	sst s8  }
0x11: {  	[smem:$0x3FAB] =	sst s9;
	s0 =	simm.s32 @!p0 $0x0  }
0x12: {  	s1 =	sld [smem:$0x3F91];
	s0 =	simm.s32 @p0 $0x1  }
0x13: {  	[smem:$0x3FAC] =	sst s0;
	s0 =	simm.s32 @!p1 $0x0  }
0x14: {  	s2 =	sld [smem:$0x3F90];
	s0 =	simm.s32 @p1 $0x1  }
0x15: {  	[smem:$0x3FAD] =	sst s0;
	s0 =	simm.s32 @!p2 $0x0  }
0x16: {  	s3 =	sld [smem:$0x3FDB];
	s0 =	simm.s32 @p2 $0x1  }
0x17: {  	s4 =	simm.s32 $0x1BF5;
	[smem:$0x3FAF] =	sst s0  }
0x18: {  	s0 =	sld [smem:$0x3F92];
	_ =	swait.ge [sflag:s4], $0x0  }
0x19: {  	s7 =	sld [smem:$0x3F93]  }
0x1a: {  	s8 =	sadd.s32 $0xFFFFE003, lr  }
0x1b: {  	s9 =	sadd.s32 $0xFFFFFEF7, lr;
	s5 =	simm.s32 $0xFFFFFFFF;
	p2 =	slt.u32 s8, $0xFFFFF086  }
0x1c: {  	p1 =	slt.u32 s9, $0xF7A;
	s5 =	simm.s32 @!p2 $0x0  }
0x1d: {  	s5 =	simm.s32 @p1 $0x1;
	p0 =	seq.s32 s7, s2  }
0x1e: {  	s7 =	smul.u32 @!p0 $0xF7A, s2;
	p2 =	seq.s32 @!p0 s5, $0x0  }
0x1f: {  	s9 =	smul.u32 $0xF7A, s1;
	s8 =	simm.s32 @!p0 $0x1BF5;
	p2 =	por !p2, p0  }
0x20: {  	[sflag:s8] =	ssyncset.s32 @!p0 $0xFFFFF086;
	s6 =	sadd.s32 @!p0 s3, s7;
	s7 =	simm.s32 @!p0 $0x108  }
0x21: {  	s3 =	sadd.s32 s3, s9;
	s6 =	sadd.s32 @!p0 $0x88, s6;
	s7 =	simm.s32 @p2 $0x1082  }
0x22: {  	[simem:s7], [sflag:s8] =	dma.local @!p0 [hbm:s6], $0xF7A  }
0x23: {  	s9 =	sor.u32 $0xD0000000, s2;
	s6 =	simm.s32 $0x108;
	_ =	swait.ge @!p0 [sflag:s8], $0x0  }
0x24: {  	s3 =	sadd.s32 $0x88, s3;
	s6 =	simm.s32 @!p1 $0x1082;
	[sflag:s4] =	ssyncset.s32 $0xFFFFF086  }
0x25: {  	[simem:s6], [sflag:s4] =	dma.local [hbm:s3], $0xF7A  }
0x26: {  	[smem:$0x3F93] =	sst s1;
	(tag) =	ssettag s2;
	_ =	strace s9  }
0x27: {  	s1 =	sld [smem:$0x3FA3]  }
0x28: {  	s2 =	sld [smem:$0x3FA4]  }
0x29: {  	s4 =	sld [smem:$0x3FA6]  }
0x2a: {  	p0 =	seq.s32 s5, $0x0;
	s5 =	sld [smem:$0x3FA7]  }
0x2b: {  	s6 =	sld [smem:$0x3FA8]  }
0x2c: {  	s7 =	sld [smem:$0x3FA9]  }
0x2d: {  	s3 =	simm.s32 $0x108;
	s8 =	sld [smem:$0x3FAA]  }
0x2e: {  	s3 =	simm.s32 @!p0 $0x1082;
	s9 =	sld [smem:$0x3FAB]  }
0x2f: {  	lr =	sadd.s32 s0, s3;
	s0 =	sld [smem:$0x3FA2]  }
0x30: {  	s3 =	sld [smem:$0x3FA5]  }
0x31: {  	[smem:$0x3FAE] =	sst s10  }
0x32: {  	s10 =	sld [smem:$0x3FAC];
	_ =	sdelay $0x3  }
0x33: {  	p0 =	seq.s32 s10, $0x1;
	s10 =	sld [smem:$0x3FAE];
	_ =	sdelay $0x3  }
0x34: {  	[smem:$0x3FAE] =	sst s10  }
0x35: {  	s10 =	sld [smem:$0x3FAD];
	_ =	sdelay $0x3  }
0x36: {  	p1 =	seq.s32 s10, $0x1;
	s10 =	sld [smem:$0x3FAE];
	_ =	sdelay $0x3  }
0x37: {  	[smem:$0x3FAE] =	sst s10  }
0x38: {  	s10 =	sld [smem:$0x3FAF]  }
0x39: {  	_ = 	snop;
	(pc) =	sbr.ind lr, $3  }
0x3a: {  	_ = 	snop  }
0x3b: {  	_ = 	snop  }
0x3c: {  	p2 =	seq.s32 s10, $0x1;
	s10 =	sld [smem:$0x3FAE]  }
0x3d: {  	_ =	shalt  }
0x3e: {  	_ =	shalt  }
0x3f: {  	_ =	shalt  }
0x40: {  	_ =	shalt  }
0x41: {  	_ =	shalt  }
0x42: {  	_ =	shalt  }
0x43: {  	_ =	shalt  }
0x44: {  	_ =	shalt  }
0x45: {  	_ =	shalt  }
0x46: {  	_ =	shalt  }
0x47: {  	_ =	shalt  }
0x48: {  	_ =	shalt  }
0x49: {  	_ =	shalt  }
0x4a: {  	_ =	shalt  }
0x4b: {  	_ =	shalt  }
0x4c: {  	_ =	shalt  }
0x4d: {  	_ =	shalt  }
0x4e: {  	_ =	shalt  }
0x4f: {  	_ =	shalt  }
0x50: {  	_ =	shalt  }
0x51: {  	_ =	shalt  }
0x52: {  	_ =	shalt  }
0x53: {  	_ =	shalt  }
0x54: {  	_ =	shalt  }
0x55: {  	_ =	shalt  }
0x56: {  	_ =	shalt  }
0x57: {  	_ =	shalt  }
0x58: {  	_ =	shalt  }
0x59: {  	_ =	shalt  }
0x5a: {  	_ =	shalt  }
0x5b: {  	_ =	shalt  }
0x5c: {  	_ =	shalt  }
0x5d: {  	_ =	shalt  }
0x5e: {  	_ =	shalt  }
0x5f: {  	_ =	shalt  }
0x60: {  	_ =	shalt  }
0x61: {  	_ =	shalt  }
0x62: {  	_ =	shalt  }
0x63: {  	_ =	shalt  }
0x64: {  	_ =	shalt  }
0x65: {  	_ =	shalt  }
0x66: {  	_ =	shalt  }
0x67: {  	_ =	shalt  }
0x68: {  	_ =	shalt  }
0x69: {  	_ =	shalt  }
0x6a: {  	_ =	shalt  }
0x6b: {  	_ =	shalt  }
0x6c: {  	_ =	shalt  }
0x6d: {  	_ =	shalt  }
0x6e: {  	_ =	shalt  }
0x6f: {  	_ =	shalt  }
0x70: {  	_ =	shalt  }
0x71: {  	_ =	shalt  }
0x72: {  	_ =	shalt  }
0x73: {  	_ =	shalt  }
0x74: {  	_ =	shalt  }
0x75: {  	_ =	shalt  }
0x76: {  	_ =	shalt  }
0x77: {  	_ =	shalt  }
0x78: {  	_ =	shalt  }
0x79: {  	_ =	shalt  }
0x7a: {  	_ =	shalt  }
0x7b: {  	_ =	shalt  }
0x7c: {  	_ =	shalt  }
0x7d: {  	_ =	shalt  }
0x7e: {  	_ =	shalt  }
0x7f: {  	_ =	shalt  }
0x80: {  	_ =	shalt  }
0x81: {  	_ =	shalt  }
0x82: {  	_ =	shalt  }
0x83: {  	_ =	shalt  }
0x84: {  	_ =	shalt  }
0x85: {  	_ =	shalt  }
0x86: {  	_ =	shalt  }
0x87: {  	_ =	shalt  }
.Lfunc_end0:
.L_simem_size_0:
called_computation.2_lowered:
.L_overlay_start_0:
0x88: {  	s2 =	sld [smem:$0x3FD9]  }
0x89: {  	s3 =	sld [smem:$0x3FFE];
	_ =	sdelay $0x1  }
0x8a: {  	s1 =	srdreg.scid  }
0x8b: {  	s0 =	sand.u32 $0x1, s1  }
0x8c: {  	s16 =	sshll.u32 s0, $0xA;
	s2 =	sadd.s32 s3, s2  }
0x8d: {  	s2 =	sadd.s32 s2, s16  }
0x8e: {  	[smem:$0x3FBA] =	sst s2  }
0x8f: {  	_ = 	snop  }
0x90: {  	(tm) =	ssettm $0x1  }
0x91: {  	s17 =	sld [smem:$0x3FFB];
	_ =	sdelay $0x3  }
0x92: {  	_ =	strace s17  }
0x93: {  	s2 =	sld [smem:$0x3FFC];
	_ =	sdelay $0x3  }
0x94: {  	_ =	strace s2  }
0x95: {  	s2 =	sld [smem:$0x3FFD];
	_ =	sdelay $0x3  }
0x96: {  	_ =	strace s2  }
0x97: {  	_ =	strace $0x8FFFFFFF  }
0x98: {  	s18 =	sld [smem:$0x3FDB];
	_ =	sdelay $0x1  }
0x99: {  	s19 =	simm.s32 $_scs_section_size  }
0x9a: {  	s4 =	simm.s32 $_size__tile_overlayer_lowered;
	s5 =	simm.s32 $_tile_overlayer_lowered  }
0x9b: {  	s22 =	simm.s32 $0x1BFF;
	s21 =	sshll.u32 s5, $0x1;
	s2 =	sadd.s32 s19, s18  }
0x9c: {  	s6 =	simm.s32 $0x0;
	s20 =	sshll.u32 s4, $0x1;
	s4 =	sadd.s32 s21, s2  }
0x9d: {  	[timem:s6], [sflag:s22] =	dma.local [hbm:s4], s20  }
0x9e: {  	_ =	swait.ge [sflag:s22], s20  }
0x9f: {  	s3 =	ssub.s32 $0x0, s20;
	[sflag:s22] =	ssyncset.done $0x0  }
0xa0: {  	[sflag:s22] =	ssyncadd.s32 s3;
	_ =	sdelay $0x1  }
0xa1: {  	s23 =	simm.s32 $0x1B8B  }
0xa2: {  	_ =	swait.ge [sflag:s23], $0x1  }
0xa3: {  	[sflag:s23] =	ssyncset.done $0x0  }
0xa4: {  	s25 =	simm.s32 $0x1B8E;
	s24 =	sld [smem:$0x3FFE];
	[sflag:s23] =	ssyncadd.s32 $0xFFFFFFFF  }
0xa5: {  	s26 =	simm.s32 $execute0_lowered;
	[smem:$0x3FD2] =	sst s25  }
0xa6: {  	s4 =	sshll.u32 s26, $0x1;
	_ =	strace $0x8000004C;
	[dreg:$0x1] =	wrdreg $0xFFFFFFFF  }
0xa7: {  	s28 =	simm.s32 $_size_execute0_lowered;
	s2 =	sadd.s32 s2, s4;
	[dreg:$0x0] =	wrdreg $0x0  }
0xa8: {  	s4 =	sshll.u32 s28, $0x1;
	[dreg:$0x2] =	wrdreg s2  }
0xa9: {  	[dreg:$0x3] =	wrdreg s4  }
0xaa: {  	[dreg:$0x4] =	wrdreg $0xC0  }
0xab: {  	_ =	task [dreg:s6], $0x5FFFF  }
0xac: {  	[dreg:$0x1] =	wrdreg $0xFFFFFFFF  }
0xad: {  	[dreg:$0x0] =	wrdreg $0x60  }
0xae: {  	[dreg:$0x2] =	wrdreg s24  }
0xaf: {  	[dreg:$0x3] =	wrdreg $0x82000  }
0xb0: {  	[dreg:$0x4] =	wrdreg $0x9  }
0xb1: {  	_ =	task.clear_ibuf [dreg:s6], $0x5FFFF;
	_ =	strace $0x9000004C  }
0xb2: {  	s29 =	simm.s32 $0x9;
	_ =	strace $0x8000004E  }
0xb3: {  	_ =	swait.ge [sflag:s29], $0x1  }
0xb4: {  	[sflag:s29] =	ssyncadd.s32 $0xFFFFFFFF  }
0xb5: {  	_ =	strace $0x9000004E  }
0xb6: {  	_ =	sfence  }
0xb7: {  	s30 =	sld [smem:$0x0];
	_ =	sdelay $0x2  }
0xb8: {  	s31 =	sshll.u32 s1, $0xD;
	s1 =	sshrl.u32 s1, $0x2  }
0xb9: {  	s3 =	sand.u32 $0x4000, s31;
	s1 =	sadd.s32 s1, s30  }
0xba: {  	s0 =	sor.u32 s3, s0;
	s1 =	sshll.u32 s1, $0x11  }
0xbb: {  	s0 =	sor.u32 s1, s0  }
0xbc: {  	s0 =	sadd.s32 $0x8F2B, s0  }
0xbd: {  	[sflag:s0] =	ssyncadd.remote.s32 $0x1  }
0xbe: {  	_ =	sfence.sel $0xFFFF  }
0xbf: {  	[dreg:$0x0] =	wrdreg $0xFFFFFFFF;
	(pc) =	sbr.abs _section_cstart, $3  }
0xc0: {  	[dreg:$0x1] =	wrdreg $0xFFFFFFFF  }
0xc1: {  	_ =	task.clear_ibuf [dreg:s6], $0x2FFFF;
	_ =	strace $0x9FFFFFFF  }
0xc2: {  	(tm) =	ssettm $0x7FFFFFFF  }
0xc3: {  	_ =	shalt  }
tec
execute0_lowered:
.L_overlay_start_1:
0x0: {  	(tag) =	ssettag $0x1  }
0x1: {  	s6 =	rddreg [dreg:$0x0]  }
0x2: {  	s2 =	rddreg [dreg:$0x1]  }
0x3: {  	s0 =	rddreg [dreg:$0x2]  }
0x4: {  	s4 =	srdreg.scid;
	s1 =	stileid.u32  }
0x5: {  	s3 =	simm.s32 $0x0;
	s15 =	simm.s32 $0x100;
	s16 =	simm.s32 $0x3  }
0x6: {  	s17 =	simm.s32 $0x80;
	s18 =	simm.s32 $0x200;
	s19 =	simm.s32 $0x4  }
0x7: {  	s20 =	simm.s32 $0x4200;
	s21 =	simm.s32 $0x1;
	s22 =	simm.s32 $0x2  }
0x8: {  	s23 =	simm.s32 $0x180;
	s24 =	simm.s32 $0x0;
	s5 =	smul.u32 $0x2800, s1  }
0x9: {  	s7 =	sand.u32 $0x1, s4;
	[smem:$0x7FF] =	sst s3;
	s25 =	smul.u32 $0x50000, s1  }
0xa: {  	s4 =	sadd.s32 $0xF8000, s6;
	s10 =	sadd.s32 $0xE4000, s6;
	s13 =	smul.u32 $0x50, s1  }
0xb: {  	s29 =	sshll.u32 s1, $0x6;
	s8 =	smul.u32 $0x28000, s7;
	_ =	strace $0x8000004D  }
0xc: {  	s26 =	ssub.s32 $0x2, s7;
	s11 =	sshll.u32 s7, $0x4;
	s7 =	smul.u32 $0x500, s7  }
0xd: {  	s12 =	sshrl.u32 s26, $0x1;
	s11 =	sor.u32 s1, s11;
	s8 =	sadd.s32 s5, s8  }
0xe: {  	s5 =	sadd.s32 $0x5000, s6;
	s12 =	ssub.s32 s26, s12;
	s28 =	smul.u32 $0xA00, s11  }
0xf: {  	s30 =	sadd.s32 s13, s7;
	s9 =	sadd.s32 s8, s6;
	s6 =	sshrl.u32 s25, $0x2  }
0x10: {  	s11 =	sshll.u32 s30, $0x5;
	s14 =	sadd.s32 s6, s2;
	s6 =	sor.u32 $0x1C05, s29  }
0x11: {  	s7 =	sadd.s32 s10, s28;
	s9 =	sadd.s32 $0x120000, s9;
	s31 =	sadd.s32 s11, s10  }
0x12: {  	s10 =	smax.u32 s12, $0x1;
	s8 =	sadd.s32 $0x20, s7;
	s11 =	sadd.s32 $0x60, s31  }
0x13: {  	s12 =	sadd.s32 $0x40, s31;
	s13 =	sshrl.u32 s14, $0x3;
	s14 =	simm.s32 $0x5  }
.LBB2_1:
0x14: {  	[spmem:s13], [sflag:s6] =	dma.local [hbm:s5], $0x2800  }
0x15: {  	_ =	swait.ge [sflag:s14], $0x2800  }
0x16: {  	[sflag:s14] =	ssyncset.done $0x0  }
0x17: {  	[sflag:s14] =	ssyncadd.s32 $0xFFFFD800  }
0x18: {  	[bflag:$0x0] =	sbarrier.arrive $0xFFFF  }
0x19: {  	[tilespmem:s3], [sflag:$0x3] =	stream.linear.gather [hbm4b:s7+s3], $0x100, $0x38;
	[tilespmem:$0x1C200] =	vst v63  }
0x1a: {  	_ = 	snop  }
0x1b: {  	[tilespmem:s15], [sflag:$0x4] =	stream.linear.gather [hbm4b:s8+s3], $0x100, $0x38;
	[tilespmem:$0x1C200] =	vst v63  }
0x1c: {  	_ =	swait.ge [sflag:s16], $0x100  }
0x1d: {  	[sflag:s16] =	ssyncset.done $0x0  }
0x1e: {  	[sflag:s16] =	ssyncadd.s32 $0xFFFFFF00  }
0x1f: {  	[tilespmem:s18], [sflag:$0x1] =	stream.indirect.gather [hbm4b:s4+s17], $0x80, s3, s17, $0xb8;
	[tilespmem:$0x1C200] =	vst v63  }
0x20: {  	_ =	swait.ge [sflag:s19], $0x100  }
0x21: {  	[sflag:s19] =	ssyncset.done $0x0  }
0x22: {  	[sflag:s19] =	ssyncadd.s32 $0xFFFFFF00  }
0x23: {  	[tilespmem:s20], [sflag:$0x2] =	stream.indirect.gather [hbm4b:s4+s17], $0x80, s15, s17, $0xb8;
	[tilespmem:$0x1C200] =	vst v63  }
0x24: {  	_ =	swait.ge [sflag:s21], $0x4000  }
0x25: {  	[sflag:s21] =	ssyncset.done $0x0  }
0x26: {  	[sflag:s21] =	ssyncadd.s32 $0xFFFFC000  }
0x27: {  	[spmem:s2] =	stream.indirect.scatter.add.f32 [tilespmem:s18], [sflag:$0x5], $0x80, s17, s17, $0xb8;
	[tilespmem:$0x1C200] =	vst v63  }
0x28: {  	_ =	swait.ge [sflag:s14], $0x4000  }
0x29: {  	[sflag:s14] =	ssyncset.done $0x0  }
0x2a: {  	s25 =	sadd.s32 $0x0, s12;
	[sflag:s14] =	ssyncadd.s32 $0xFFFFC000  }
0x2b: {  	[tilespmem:s3], [sflag:$0x3] =	stream.linear.gather [hbm4b:s25+s3], $0x100, $0x38;
	[tilespmem:$0x1C200] =	vst v63  }
0x2c: {  	_ =	swait.ge [sflag:s16], $0x100  }
0x2d: {  	[sflag:s16] =	ssyncset.done $0x0  }
0x2e: {  	[sflag:s16] =	ssyncadd.s32 $0xFFFFFF00  }
0x2f: {  	[tilespmem:s18], [sflag:$0x1] =	stream.indirect.gather [hbm4b:s4+s17], $0x80, s3, s17, $0xb8;
	[tilespmem:$0x1C200] =	vst v63  }
0x30: {  	_ =	swait.ge [sflag:s22], $0x4000  }
0x31: {  	[sflag:s22] =	ssyncset.done $0x0  }
0x32: {  	[sflag:s22] =	ssyncadd.s32 $0xFFFFC000  }
0x33: {  	[spmem:s2] =	stream.indirect.scatter.add.f32 [tilespmem:s20], [sflag:$0x5], $0x80, s23, s17, $0xb8;
	[tilespmem:$0x1C200] =	vst v63  }
0x34: {  	_ =	swait.ge [sflag:s14], $0x4000  }
0x35: {  	[sflag:s14] =	ssyncset.done $0x0  }
0x36: {  	s26 =	sadd.s32 $0x0, s11;
	s25 =	simm.s32 $0x40;
	[sflag:s14] =	ssyncadd.s32 $0xFFFFC000  }
.LBB2_2:
0x37: {  	[tilespmem:s15], [sflag:$0x4] =	stream.linear.gather [hbm4b:s26+s3], $0x100, $0x38;
	[tilespmem:$0x1C200] =	vst v63  }
0x38: {  	s26 =	smov.u32 s25  }
0x39: {  	p0 =	sne.s32 s25, $0x980;
	s25 =	sadd.s32 $0x40, s25;
	_ =	swait.ge [sflag:s19], $0x100  }
0x3a: {  	[sflag:s19] =	ssyncset.done $0x0  }
0x3b: {  	[sflag:s19] =	ssyncadd.s32 $0xFFFFFF00  }
0x3c: {  	[tilespmem:s20], [sflag:$0x2] =	stream.indirect.gather [hbm4b:s4+s17], $0x80, s15, s17, $0xb8;
	[tilespmem:$0x1C200] =	vst v63  }
0x3d: {  	_ =	swait.ge [sflag:s21], $0x4000  }
0x3e: {  	[sflag:s21] =	ssyncset.done $0x0  }
0x3f: {  	[sflag:s21] =	ssyncadd.s32 $0xFFFFC000  }
0x40: {  	[spmem:s2] =	stream.indirect.scatter.add.f32 [tilespmem:s18], [sflag:$0x5], $0x80, s17, s17, $0xb8;
	[tilespmem:$0x1C200] =	vst v63  }
0x41: {  	_ =	swait.ge [sflag:s14], $0x4000  }
0x42: {  	[sflag:s14] =	ssyncset.done $0x0  }
0x43: {  	s28 =	sadd.s32 s26, s12;
	[sflag:s14] =	ssyncadd.s32 $0xFFFFC000  }
0x44: {  	[tilespmem:s3], [sflag:$0x3] =	stream.linear.gather [hbm4b:s28+s3], $0x100, $0x38;
	[tilespmem:$0x1C200] =	vst v63  }
0x45: {  	_ =	swait.ge [sflag:s16], $0x100  }
0x46: {  	[sflag:s16] =	ssyncset.done $0x0  }
0x47: {  	[sflag:s16] =	ssyncadd.s32 $0xFFFFFF00  }
0x48: {  	[tilespmem:s18], [sflag:$0x1] =	stream.indirect.gather [hbm4b:s4+s17], $0x80, s3, s17, $0xb8;
	[tilespmem:$0x1C200] =	vst v63  }
0x49: {  	_ =	swait.ge [sflag:s22], $0x4000  }
0x4a: {  	[sflag:s22] =	ssyncset.done $0x0  }
.Ltmp0:
0x4b: {  	[sflag:s22] =	ssyncadd.s32 $0xFFFFC000;
	(pc) =	sbr.rel @p0 .LBB2_2-.Ltmp0, $4  }
0x4c: {  	[spmem:s2] =	stream.indirect.scatter.add.f32 [tilespmem:s20], [sflag:$0x5], $0x80, s23, s17, $0xb8;
	[tilespmem:$0x1C200] =	vst v63  }
0x4d: {  	_ =	swait.ge [sflag:s14], $0x4000  }
0x4e: {  	[sflag:s14] =	ssyncset.done $0x0  }
0x4f: {  	s26 =	sadd.s32 s26, s11;
	[sflag:s14] =	ssyncadd.s32 $0xFFFFC000  }
0x50: {  	[tilespmem:s15], [sflag:$0x4] =	stream.linear.gather [hbm4b:s26+s3], $0x100, $0x38;
	[tilespmem:$0x1C200] =	vst v63  }
0x51: {  	_ =	swait.ge [sflag:s19], $0x100  }
0x52: {  	[sflag:s19] =	ssyncset.done $0x0  }
0x53: {  	[sflag:s19] =	ssyncadd.s32 $0xFFFFFF00  }
0x54: {  	[tilespmem:s20], [sflag:$0x2] =	stream.indirect.gather [hbm4b:s4+s17], $0x80, s15, s17, $0xb8;
	[tilespmem:$0x1C200] =	vst v63  }
0x55: {  	_ =	swait.ge [sflag:s21], $0x4000  }
0x56: {  	[sflag:s21] =	ssyncset.done $0x0  }
0x57: {  	[sflag:s21] =	ssyncadd.s32 $0xFFFFC000  }
0x58: {  	[spmem:s2] =	stream.indirect.scatter.add.f32 [tilespmem:s18], [sflag:$0x5], $0x80, s17, s17, $0xb8;
	[tilespmem:$0x1C200] =	vst v63  }
0x59: {  	_ =	swait.ge [sflag:s14], $0x4000  }
0x5a: {  	[sflag:s14] =	ssyncset.done $0x0  }
0x5b: {  	[sflag:s14] =	ssyncadd.s32 $0xFFFFC000  }
0x5c: {  	_ =	swait.ge [sflag:s22], $0x4000  }
0x5d: {  	[sflag:s22] =	ssyncset.done $0x0  }
0x5e: {  	[sflag:s22] =	ssyncadd.s32 $0xFFFFC000  }
0x5f: {  	[spmem:s2] =	stream.indirect.scatter.add.f32 [tilespmem:s20], [sflag:$0x5], $0x80, s23, s17, $0xb8;
	[tilespmem:$0x1C200] =	vst v63  }
0x60: {  	_ =	swait.ge [sflag:s14], $0x4000  }
0x61: {  	s24 =	sadd.s32 $0x1, s24;
	[sflag:s14] =	ssyncset.done $0x0  }
0x62: {  	p0 =	sne.s32 s24, s10;
	[sflag:s14] =	ssyncadd.s32 $0xFFFFC000  }
.Ltmp1:
0x63: {  	[bflag:$0x0] =	sbarrier.arrive $0xFFFF;
	(pc) =	sbr.rel @p0 .LBB2_1-.Ltmp1, $4  }
0x64: {  	[hbm:s9], [sflag:s6] =	dma.local [spmem:s13], $0x2800  }
0x65: {  	_ =	swait.ge [sflag:s14], $0x2800  }
0x66: {  	[sflag:s14] =	ssyncset.done $0x0  }
0x67: {  	[sflag:s14] =	ssyncadd.s32 $0xFFFFD800  }
0x68: {  	_ =	sfence.sel $0x180000  }
0x69: {  	[bflag:$0x0] =	sbarrier.arrive $0xFFFF  }
0x6a: {  	p0 =	sne.s32 s1, $0x0;
	_ =	strace $0x9000004D  }
0x6b: {  	s0 =	sadd.s32 @!p0 $0x100000, s0;
	[bflag:$0x2] =	sbarrier.arrive $0xFFFF  }
0x6c: {  	[sflag:s0] =	ssyncadd.tile.s32 @!p0 $0x1;
	_ =	shalt  }
.Lfunc_end2:
_tile_overlayer_lowered:
.L_overlay_start_2:
0x6d: {  	(tag) =	ssettag $0x2  }
0x6e: {  	s0 =	rddreg [dreg:$0x0];
	s2 =	stileid.u32  }
0x6f: {  	s1 =	rddreg [dreg:$0x1];
	p0 =	sne.s32 s2, $0x0  }
0x70: {  	s3 =	rddreg [dreg:$0x2];
	[bflag:$0x3] =	sbarrier.arrive $0xFFFF;
	s2 =	simm.s32 @!p0 $0x1C05  }
0x71: {  	[timem:s3], [sflag:s2] =	dma.local @!p0 [hbm:s0], s1  }
0x72: {  	s0 =	simm.s32 @!p0 $0x5  }
0x73: {  	_ =	swait.ge @!p0 [sflag:s0], s1  }
0x74: {  	s1 =	ssub.s32 @!p0 $0x0, s1;
	[sflag:s0] =	ssyncset.done @!p0 $0x0  }
0x75: {  	[sflag:s0] =	ssyncadd.s32 @!p0 s1  }
0x76: {  	[bflag:$0x3] =	sbarrier.arrive $0xFFFF  }
0x77: {  	_ =	shalt  }

// kernel: kernel.21.cloned.1.call-start
scs
__scs_entry_jumppad:
0x0: {  	(pc) =	sbr.rel $0x88, $3  }
0x1: {  	(tag) =	ssettag $0x0;
	lr =	simm.s32 $0x1  }
0x2: {  	[smem:$0x3F93] =	sst lr;
	_ =	strace $0xD0000000  }
0x3: {  	_ = 	snop  }
0x4: {  	_ = 	snop  }
0x5: {  	_ = 	snop  }
0x6: {  	_ = 	snop  }
0x7: {  	_ = 	snop  }
__scs_overlays_trampoline_lowered:
0x8: {  	[smem:$0x3FA2] =	sst s0  }
0x9: {  	[smem:$0x3FA3] =	sst s1  }
0xa: {  	[smem:$0x3FA4] =	sst s2  }
0xb: {  	[smem:$0x3FA5] =	sst s3  }
0xc: {  	[smem:$0x3FA6] =	sst s4  }
0xd: {  	[smem:$0x3FA7] =	sst s5  }
0xe: {  	[smem:$0x3FA8] =	sst s6  }
0xf: {  	[smem:$0x3FA9] =	sst s7  }
0x10: {  	[smem:$0x3FAA] =	sst s8  }
0x11: {  	[smem:$0x3FAB] =	sst s9;
	s0 =	simm.s32 @!p0 $0x0  }
0x12: {  	s1 =	sld [smem:$0x3F91];
	s0 =	simm.s32 @p0 $0x1  }
0x13: {  	[smem:$0x3FAC] =	sst s0;
	s0 =	simm.s32 @!p1 $0x0  }
0x14: {  	s2 =	sld [smem:$0x3F90];
	s0 =	simm.s32 @p1 $0x1  }
0x15: {  	[smem:$0x3FAD] =	sst s0;
	s0 =	simm.s32 @!p2 $0x0  }
0x16: {  	s3 =	sld [smem:$0x3FDB];
	s0 =	simm.s32 @p2 $0x1  }
0x17: {  	s4 =	simm.s32 $0x1BF5;
	[smem:$0x3FAF] =	sst s0  }
0x18: {  	s0 =	sld [smem:$0x3F92];
	_ =	swait.ge [sflag:s4], $0x0  }
0x19: {  	s7 =	sld [smem:$0x3F93]  }
0x1a: {  	s8 =	sadd.s32 $0xFFFFE003, lr  }
0x1b: {  	s9 =	sadd.s32 $0xFFFFFEF7, lr;
	s5 =	simm.s32 $0xFFFFFFFF;
	p2 =	slt.u32 s8, $0xFFFFF086  }
0x1c: {  	p1 =	slt.u32 s9, $0xF7A;
	s5 =	simm.s32 @!p2 $0x0  }
0x1d: {  	s5 =	simm.s32 @p1 $0x1;
	p0 =	seq.s32 s7, s2  }
0x1e: {  	s7 =	smul.u32 @!p0 $0xF7A, s2;
	p2 =	seq.s32 @!p0 s5, $0x0  }
0x1f: {  	s9 =	smul.u32 $0xF7A, s1;
	s8 =	simm.s32 @!p0 $0x1BF5;
	p2 =	por !p2, p0  }
0x20: {  	[sflag:s8] =	ssyncset.s32 @!p0 $0xFFFFF086;
	s6 =	sadd.s32 @!p0 s3, s7;
	s7 =	simm.s32 @!p0 $0x108  }
0x21: {  	s3 =	sadd.s32 s3, s9;
	s6 =	sadd.s32 @!p0 $0x88, s6;
	s7 =	simm.s32 @p2 $0x1082  }
0x22: {  	[simem:s7], [sflag:s8] =	dma.local @!p0 [hbm:s6], $0xF7A  }
0x23: {  	s9 =	sor.u32 $0xD0000000, s2;
	s6 =	simm.s32 $0x108;
	_ =	swait.ge @!p0 [sflag:s8], $0x0  }
0x24: {  	s3 =	sadd.s32 $0x88, s3;
	s6 =	simm.s32 @!p1 $0x1082;
	[sflag:s4] =	ssyncset.s32 $0xFFFFF086  }
0x25: {  	[simem:s6], [sflag:s4] =	dma.local [hbm:s3], $0xF7A  }
0x26: {  	[smem:$0x3F93] =	sst s1;
	(tag) =	ssettag s2;
	_ =	strace s9  }
0x27: {  	s1 =	sld [smem:$0x3FA3]  }
0x28: {  	s2 =	sld [smem:$0x3FA4]  }
0x29: {  	s4 =	sld [smem:$0x3FA6]  }
0x2a: {  	p0 =	seq.s32 s5, $0x0;
	s5 =	sld [smem:$0x3FA7]  }
0x2b: {  	s6 =	sld [smem:$0x3FA8]  }
0x2c: {  	s7 =	sld [smem:$0x3FA9]  }
0x2d: {  	s3 =	simm.s32 $0x108;
	s8 =	sld [smem:$0x3FAA]  }
0x2e: {  	s3 =	simm.s32 @!p0 $0x1082;
	s9 =	sld [smem:$0x3FAB]  }
0x2f: {  	lr =	sadd.s32 s0, s3;
	s0 =	sld [smem:$0x3FA2]  }
0x30: {  	s3 =	sld [smem:$0x3FA5]  }
0x31: {  	[smem:$0x3FAE] =	sst s10  }
0x32: {  	s10 =	sld [smem:$0x3FAC];
	_ =	sdelay $0x3  }
0x33: {  	p0 =	seq.s32 s10, $0x1;
	s10 =	sld [smem:$0x3FAE];
	_ =	sdelay $0x3  }
0x34: {  	[smem:$0x3FAE] =	sst s10  }
0x35: {  	s10 =	sld [smem:$0x3FAD];
	_ =	sdelay $0x3  }
0x36: {  	p1 =	seq.s32 s10, $0x1;
	s10 =	sld [smem:$0x3FAE];
	_ =	sdelay $0x3  }
0x37: {  	[smem:$0x3FAE] =	sst s10  }
0x38: {  	s10 =	sld [smem:$0x3FAF]  }
0x39: {  	_ = 	snop;
	(pc) =	sbr.ind lr, $3  }
0x3a: {  	_ = 	snop  }
0x3b: {  	_ = 	snop  }
0x3c: {  	p2 =	seq.s32 s10, $0x1;
	s10 =	sld [smem:$0x3FAE]  }
0x3d: {  	_ =	shalt  }
0x3e: {  	_ =	shalt  }
0x3f: {  	_ =	shalt  }
0x40: {  	_ =	shalt  }
0x41: {  	_ =	shalt  }
0x42: {  	_ =	shalt  }
0x43: {  	_ =	shalt  }
0x44: {  	_ =	shalt  }
0x45: {  	_ =	shalt  }
0x46: {  	_ =	shalt  }
0x47: {  	_ =	shalt  }
0x48: {  	_ =	shalt  }
0x49: {  	_ =	shalt  }
0x4a: {  	_ =	shalt  }
0x4b: {  	_ =	shalt  }
0x4c: {  	_ =	shalt  }
0x4d: {  	_ =	shalt  }
0x4e: {  	_ =	shalt  }
0x4f: {  	_ =	shalt  }
0x50: {  	_ =	shalt  }
0x51: {  	_ =	shalt  }
0x52: {  	_ =	shalt  }
0x53: {  	_ =	shalt  }
0x54: {  	_ =	shalt  }
0x55: {  	_ =	shalt  }
0x56: {  	_ =	shalt  }
0x57: {  	_ =	shalt  }
0x58: {  	_ =	shalt  }
0x59: {  	_ =	shalt  }
0x5a: {  	_ =	shalt  }
0x5b: {  	_ =	shalt  }
0x5c: {  	_ =	shalt  }
0x5d: {  	_ =	shalt  }
0x5e: {  	_ =	shalt  }
0x5f: {  	_ =	shalt  }
0x60: {  	_ =	shalt  }
0x61: {  	_ =	shalt  }
0x62: {  	_ =	shalt  }
0x63: {  	_ =	shalt  }
0x64: {  	_ =	shalt  }
0x65: {  	_ =	shalt  }
0x66: {  	_ =	shalt  }
0x67: {  	_ =	shalt  }
0x68: {  	_ =	shalt  }
0x69: {  	_ =	shalt  }
0x6a: {  	_ =	shalt  }
0x6b: {  	_ =	shalt  }
0x6c: {  	_ =	shalt  }
0x6d: {  	_ =	shalt  }
0x6e: {  	_ =	shalt  }
0x6f: {  	_ =	shalt  }
0x70: {  	_ =	shalt  }
0x71: {  	_ =	shalt  }
0x72: {  	_ =	shalt  }
0x73: {  	_ =	shalt  }
0x74: {  	_ =	shalt  }
0x75: {  	_ =	shalt  }
0x76: {  	_ =	shalt  }
0x77: {  	_ =	shalt  }
0x78: {  	_ =	shalt  }
0x79: {  	_ =	shalt  }
0x7a: {  	_ =	shalt  }
0x7b: {  	_ =	shalt  }
0x7c: {  	_ =	shalt  }
0x7d: {  	_ =	shalt  }
0x7e: {  	_ =	shalt  }
0x7f: {  	_ =	shalt  }
0x80: {  	_ =	shalt  }
0x81: {  	_ =	shalt  }
0x82: {  	_ =	shalt  }
0x83: {  	_ =	shalt  }
0x84: {  	_ =	shalt  }
0x85: {  	_ =	shalt  }
0x86: {  	_ =	shalt  }
0x87: {  	_ =	shalt  }
.Lfunc_end0:
.L_simem_size_0:
called_computation.3_lowered:
.L_overlay_start_0:
0x88: {  	s2 =	sld [smem:$0x3FD9]  }
0x89: {  	s3 =	sld [smem:$0x3FFE];
	_ =	sdelay $0x1  }
0x8a: {  	s1 =	srdreg.scid  }
0x8b: {  	s0 =	sand.u32 $0x1, s1  }
0x8c: {  	s16 =	sshll.u32 s0, $0xA;
	s2 =	sadd.s32 s3, s2  }
0x8d: {  	s2 =	sadd.s32 s2, s16  }
0x8e: {  	[smem:$0x3FBA] =	sst s2  }
0x8f: {  	_ = 	snop  }
0x90: {  	(tm) =	ssettm $0x1  }
0x91: {  	s17 =	sld [smem:$0x3FFB];
	_ =	sdelay $0x3  }
0x92: {  	_ =	strace s17  }
0x93: {  	s2 =	sld [smem:$0x3FFC];
	_ =	sdelay $0x3  }
0x94: {  	_ =	strace s2  }
0x95: {  	s2 =	sld [smem:$0x3FFD];
	_ =	sdelay $0x3  }
0x96: {  	_ =	strace s2  }
0x97: {  	_ =	strace $0x8FFFFFFF  }
0x98: {  	s18 =	sld [smem:$0x3FDB];
	_ =	sdelay $0x1  }
0x99: {  	s19 =	simm.s32 $_scs_section_size  }
0x9a: {  	s4 =	simm.s32 $_size__tile_overlayer_lowered;
	s5 =	simm.s32 $_tile_overlayer_lowered  }
0x9b: {  	s22 =	simm.s32 $0x1BFF;
	s21 =	sshll.u32 s5, $0x1;
	s2 =	sadd.s32 s19, s18  }
0x9c: {  	s6 =	simm.s32 $0x0;
	s20 =	sshll.u32 s4, $0x1;
	s4 =	sadd.s32 s21, s2  }
0x9d: {  	[timem:s6], [sflag:s22] =	dma.local [hbm:s4], s20  }
0x9e: {  	_ =	swait.ge [sflag:s22], s20  }
0x9f: {  	s3 =	ssub.s32 $0x0, s20;
	[sflag:s22] =	ssyncset.done $0x0  }
0xa0: {  	[sflag:s22] =	ssyncadd.s32 s3;
	_ =	sdelay $0x1  }
0xa1: {  	s23 =	simm.s32 $0x1B8B  }
0xa2: {  	_ =	swait.ge [sflag:s23], $0x1  }
0xa3: {  	[sflag:s23] =	ssyncset.done $0x0  }
0xa4: {  	s25 =	simm.s32 $0x1B8E;
	s24 =	sld [smem:$0x3FFE];
	[sflag:s23] =	ssyncadd.s32 $0xFFFFFFFF  }
0xa5: {  	s26 =	simm.s32 $execute0_lowered;
	[smem:$0x3FD2] =	sst s25  }
0xa6: {  	s4 =	sshll.u32 s26, $0x1;
	_ =	strace $0x8000004F;
	[dreg:$0x1] =	wrdreg $0xFFFFFFFF  }
0xa7: {  	s28 =	simm.s32 $_size_execute0_lowered;
	s2 =	sadd.s32 s2, s4;
	[dreg:$0x0] =	wrdreg $0x0  }
0xa8: {  	s4 =	sshll.u32 s28, $0x1;
	[dreg:$0x2] =	wrdreg s2  }
0xa9: {  	[dreg:$0x3] =	wrdreg s4  }
0xaa: {  	[dreg:$0x4] =	wrdreg $0xC0  }
0xab: {  	_ =	task [dreg:s6], $0x5FFFF  }
0xac: {  	[dreg:$0x1] =	wrdreg $0xFFFFFFFF  }
0xad: {  	[dreg:$0x0] =	wrdreg $0x60  }
0xae: {  	[dreg:$0x2] =	wrdreg s24  }
0xaf: {  	[dreg:$0x3] =	wrdreg $0x82000  }
0xb0: {  	[dreg:$0x4] =	wrdreg $0x9  }
0xb1: {  	_ =	task.clear_ibuf [dreg:s6], $0x5FFFF;
	_ =	strace $0x9000004F  }
0xb2: {  	s29 =	simm.s32 $0x9;
	_ =	strace $0x80000051  }
0xb3: {  	_ =	swait.ge [sflag:s29], $0x1  }
0xb4: {  	[sflag:s29] =	ssyncadd.s32 $0xFFFFFFFF  }
0xb5: {  	_ =	strace $0x90000051  }
0xb6: {  	_ =	sfence  }
0xb7: {  	s30 =	sld [smem:$0x0];
	_ =	sdelay $0x2  }
0xb8: {  	s31 =	sshll.u32 s1, $0xD;
	s1 =	sshrl.u32 s1, $0x2  }
0xb9: {  	s3 =	sand.u32 $0x4000, s31;
	s1 =	sadd.s32 s1, s30  }
0xba: {  	s0 =	sor.u32 s3, s0;
	s1 =	sshll.u32 s1, $0x11  }
0xbb: {  	s0 =	sor.u32 s1, s0  }
0xbc: {  	s0 =	sadd.s32 $0x8F2B, s0  }
0xbd: {  	[sflag:s0] =	ssyncadd.remote.s32 $0x1  }
0xbe: {  	_ =	sfence.sel $0xFFFF  }
0xbf: {  	[dreg:$0x0] =	wrdreg $0xFFFFFFFF;
	(pc) =	sbr.abs _section_cstart, $3  }
0xc0: {  	[dreg:$0x1] =	wrdreg $0xFFFFFFFF  }
0xc1: {  	_ =	task.clear_ibuf [dreg:s6], $0x2FFFF;
	_ =	strace $0x9FFFFFFF  }
0xc2: {  	(tm) =	ssettm $0x7FFFFFFF  }
0xc3: {  	_ =	shalt  }
tec
execute0_lowered:
.L_overlay_start_1:
0x0: {  	(tag) =	ssettag $0x1  }
0x1: {  	s6 =	rddreg [dreg:$0x0]  }
0x2: {  	s2 =	rddreg [dreg:$0x1]  }
0x3: {  	s0 =	rddreg [dreg:$0x2]  }
0x4: {  	s4 =	srdreg.scid;
	s1 =	stileid.u32  }
0x5: {  	s3 =	simm.s32 $0x0;
	s15 =	simm.s32 $0x100;
	s16 =	simm.s32 $0x3  }
0x6: {  	s17 =	simm.s32 $0x80;
	s18 =	simm.s32 $0x200;
	s19 =	simm.s32 $0x4  }
0x7: {  	s20 =	simm.s32 $0x4200;
	s21 =	simm.s32 $0x1;
	s22 =	simm.s32 $0x2  }
0x8: {  	s23 =	simm.s32 $0x180;
	s24 =	simm.s32 $0x0;
	s5 =	smul.u32 $0x2800, s1  }
0x9: {  	s7 =	sand.u32 $0x1, s4;
	[smem:$0x7FF] =	sst s3;
	s25 =	smul.u32 $0x50000, s1  }
0xa: {  	s4 =	sadd.s32 $0xF8000, s6;
	s10 =	sadd.s32 $0xE4000, s6;
	s13 =	smul.u32 $0x50, s1  }
0xb: {  	s29 =	sshll.u32 s1, $0x6;
	s8 =	smul.u32 $0x28000, s7;
	_ =	strace $0x80000050  }
0xc: {  	s26 =	ssub.s32 $0x2, s7;
	s11 =	sshll.u32 s7, $0x4;
	s7 =	smul.u32 $0x500, s7  }
0xd: {  	s12 =	sshrl.u32 s26, $0x1;
	s11 =	sor.u32 s1, s11;
	s8 =	sadd.s32 s5, s8  }
0xe: {  	s5 =	sadd.s32 $0x5000, s6;
	s12 =	ssub.s32 s26, s12;
	s28 =	smul.u32 $0xA00, s11  }
0xf: {  	s30 =	sadd.s32 s13, s7;
	s9 =	sadd.s32 s8, s6;
	s6 =	sshrl.u32 s25, $0x2  }
0x10: {  	s11 =	sshll.u32 s30, $0x5;
	s14 =	sadd.s32 s6, s2;
	s6 =	sor.u32 $0x1C05, s29  }
0x11: {  	s7 =	sadd.s32 s10, s28;
	s9 =	sadd.s32 $0x120000, s9;
	s31 =	sadd.s32 s11, s10  }
0x12: {  	s10 =	smax.u32 s12, $0x1;
	s8 =	sadd.s32 $0x20, s7;
	s11 =	sadd.s32 $0x60, s31  }
0x13: {  	s12 =	sadd.s32 $0x40, s31;
	s13 =	sshrl.u32 s14, $0x3;
	s14 =	simm.s32 $0x5  }
.LBB2_1:
0x14: {  	[spmem:s13], [sflag:s6] =	dma.local [hbm:s5], $0x2800  }
0x15: {  	_ =	swait.ge [sflag:s14], $0x2800  }
0x16: {  	[sflag:s14] =	ssyncset.done $0x0  }
0x17: {  	[sflag:s14] =	ssyncadd.s32 $0xFFFFD800  }
0x18: {  	[bflag:$0x0] =	sbarrier.arrive $0xFFFF  }
0x19: {  	[tilespmem:s3], [sflag:$0x3] =	stream.linear.gather [hbm4b:s7+s3], $0x100, $0x38;
	[tilespmem:$0x1C200] =	vst v63  }
0x1a: {  	_ = 	snop  }
0x1b: {  	[tilespmem:s15], [sflag:$0x4] =	stream.linear.gather [hbm4b:s8+s3], $0x100, $0x38;
	[tilespmem:$0x1C200] =	vst v63  }
0x1c: {  	_ =	swait.ge [sflag:s16], $0x100  }
0x1d: {  	[sflag:s16] =	ssyncset.done $0x0  }
0x1e: {  	[sflag:s16] =	ssyncadd.s32 $0xFFFFFF00  }
0x1f: {  	[tilespmem:s18], [sflag:$0x1] =	stream.indirect.gather [hbm4b:s4+s17], $0x80, s3, s17, $0xb8;
	[tilespmem:$0x1C200] =	vst v63  }
0x20: {  	_ =	swait.ge [sflag:s19], $0x100  }
0x21: {  	[sflag:s19] =	ssyncset.done $0x0  }
0x22: {  	[sflag:s19] =	ssyncadd.s32 $0xFFFFFF00  }
0x23: {  	[tilespmem:s20], [sflag:$0x2] =	stream.indirect.gather [hbm4b:s4+s17], $0x80, s15, s17, $0xb8;
	[tilespmem:$0x1C200] =	vst v63  }
0x24: {  	_ =	swait.ge [sflag:s21], $0x4000  }
0x25: {  	[sflag:s21] =	ssyncset.done $0x0  }
0x26: {  	[sflag:s21] =	ssyncadd.s32 $0xFFFFC000  }
0x27: {  	[spmem:s2] =	stream.indirect.scatter.add.f32 [tilespmem:s18], [sflag:$0x5], $0x80, s17, s17, $0xb8;
	[tilespmem:$0x1C200] =	vst v63  }
0x28: {  	_ =	swait.ge [sflag:s14], $0x4000  }
0x29: {  	[sflag:s14] =	ssyncset.done $0x0  }
0x2a: {  	s25 =	sadd.s32 $0x0, s12;
	[sflag:s14] =	ssyncadd.s32 $0xFFFFC000  }
0x2b: {  	[tilespmem:s3], [sflag:$0x3] =	stream.linear.gather [hbm4b:s25+s3], $0x100, $0x38;
	[tilespmem:$0x1C200] =	vst v63  }
0x2c: {  	_ =	swait.ge [sflag:s16], $0x100  }
0x2d: {  	[sflag:s16] =	ssyncset.done $0x0  }
0x2e: {  	[sflag:s16] =	ssyncadd.s32 $0xFFFFFF00  }
0x2f: {  	[tilespmem:s18], [sflag:$0x1] =	stream.indirect.gather [hbm4b:s4+s17], $0x80, s3, s17, $0xb8;
	[tilespmem:$0x1C200] =	vst v63  }
0x30: {  	_ =	swait.ge [sflag:s22], $0x4000  }
0x31: {  	[sflag:s22] =	ssyncset.done $0x0  }
0x32: {  	[sflag:s22] =	ssyncadd.s32 $0xFFFFC000  }
0x33: {  	[spmem:s2] =	stream.indirect.scatter.add.f32 [tilespmem:s20], [sflag:$0x5], $0x80, s23, s17, $0xb8;
	[tilespmem:$0x1C200] =	vst v63  }
0x34: {  	_ =	swait.ge [sflag:s14], $0x4000  }
0x35: {  	[sflag:s14] =	ssyncset.done $0x0  }
0x36: {  	s26 =	sadd.s32 $0x0, s11;
	s25 =	simm.s32 $0x40;
	[sflag:s14] =	ssyncadd.s32 $0xFFFFC000  }
.LBB2_2:
0x37: {  	[tilespmem:s15], [sflag:$0x4] =	stream.linear.gather [hbm4b:s26+s3], $0x100, $0x38;
	[tilespmem:$0x1C200] =	vst v63  }
0x38: {  	s26 =	smov.u32 s25  }
0x39: {  	p0 =	sne.s32 s25, $0x980;
	s25 =	sadd.s32 $0x40, s25;
	_ =	swait.ge [sflag:s19], $0x100  }
0x3a: {  	[sflag:s19] =	ssyncset.done $0x0  }
0x3b: {  	[sflag:s19] =	ssyncadd.s32 $0xFFFFFF00  }
0x3c: {  	[tilespmem:s20], [sflag:$0x2] =	stream.indirect.gather [hbm4b:s4+s17], $0x80, s15, s17, $0xb8;
	[tilespmem:$0x1C200] =	vst v63  }
0x3d: {  	_ =	swait.ge [sflag:s21], $0x4000  }
0x3e: {  	[sflag:s21] =	ssyncset.done $0x0  }
0x3f: {  	[sflag:s21] =	ssyncadd.s32 $0xFFFFC000  }
0x40: {  	[spmem:s2] =	stream.indirect.scatter.add.f32 [tilespmem:s18], [sflag:$0x5], $0x80, s17, s17, $0xb8;
	[tilespmem:$0x1C200] =	vst v63  }
0x41: {  	_ =	swait.ge [sflag:s14], $0x4000  }
0x42: {  	[sflag:s14] =	ssyncset.done $0x0  }
0x43: {  	s28 =	sadd.s32 s26, s12;
	[sflag:s14] =	ssyncadd.s32 $0xFFFFC000  }
0x44: {  	[tilespmem:s3], [sflag:$0x3] =	stream.linear.gather [hbm4b:s28+s3], $0x100, $0x38;
	[tilespmem:$0x1C200] =	vst v63  }
0x45: {  	_ =	swait.ge [sflag:s16], $0x100  }
0x46: {  	[sflag:s16] =	ssyncset.done $0x0  }
0x47: {  	[sflag:s16] =	ssyncadd.s32 $0xFFFFFF00  }
0x48: {  	[tilespmem:s18], [sflag:$0x1] =	stream.indirect.gather [hbm4b:s4+s17], $0x80, s3, s17, $0xb8;
	[tilespmem:$0x1C200] =	vst v63  }
0x49: {  	_ =	swait.ge [sflag:s22], $0x4000  }
0x4a: {  	[sflag:s22] =	ssyncset.done $0x0  }
.Ltmp0:
0x4b: {  	[sflag:s22] =	ssyncadd.s32 $0xFFFFC000;
	(pc) =	sbr.rel @p0 .LBB2_2-.Ltmp0, $4  }
0x4c: {  	[spmem:s2] =	stream.indirect.scatter.add.f32 [tilespmem:s20], [sflag:$0x5], $0x80, s23, s17, $0xb8;
	[tilespmem:$0x1C200] =	vst v63  }
0x4d: {  	_ =	swait.ge [sflag:s14], $0x4000  }
0x4e: {  	[sflag:s14] =	ssyncset.done $0x0  }
0x4f: {  	s26 =	sadd.s32 s26, s11;
	[sflag:s14] =	ssyncadd.s32 $0xFFFFC000  }
0x50: {  	[tilespmem:s15], [sflag:$0x4] =	stream.linear.gather [hbm4b:s26+s3], $0x100, $0x38;
	[tilespmem:$0x1C200] =	vst v63  }
0x51: {  	_ =	swait.ge [sflag:s19], $0x100  }
0x52: {  	[sflag:s19] =	ssyncset.done $0x0  }
0x53: {  	[sflag:s19] =	ssyncadd.s32 $0xFFFFFF00  }
0x54: {  	[tilespmem:s20], [sflag:$0x2] =	stream.indirect.gather [hbm4b:s4+s17], $0x80, s15, s17, $0xb8;
	[tilespmem:$0x1C200] =	vst v63  }
0x55: {  	_ =	swait.ge [sflag:s21], $0x4000  }
0x56: {  	[sflag:s21] =	ssyncset.done $0x0  }
0x57: {  	[sflag:s21] =	ssyncadd.s32 $0xFFFFC000  }
0x58: {  	[spmem:s2] =	stream.indirect.scatter.add.f32 [tilespmem:s18], [sflag:$0x5], $0x80, s17, s17, $0xb8;
	[tilespmem:$0x1C200] =	vst v63  }
0x59: {  	_ =	swait.ge [sflag:s14], $0x4000  }
0x5a: {  	[sflag:s14] =	ssyncset.done $0x0  }
0x5b: {  	[sflag:s14] =	ssyncadd.s32 $0xFFFFC000  }
0x5c: {  	_ =	swait.ge [sflag:s22], $0x4000  }
0x5d: {  	[sflag:s22] =	ssyncset.done $0x0  }
0x5e: {  	[sflag:s22] =	ssyncadd.s32 $0xFFFFC000  }
0x5f: {  	[spmem:s2] =	stream.indirect.scatter.add.f32 [tilespmem:s20], [sflag:$0x5], $0x80, s23, s17, $0xb8;
	[tilespmem:$0x1C200] =	vst v63  }
0x60: {  	_ =	swait.ge [sflag:s14], $0x4000  }
0x61: {  	s24 =	sadd.s32 $0x1, s24;
	[sflag:s14] =	ssyncset.done $0x0  }
0x62: {  	p0 =	sne.s32 s24, s10;
	[sflag:s14] =	ssyncadd.s32 $0xFFFFC000  }
.Ltmp1:
0x63: {  	[bflag:$0x0] =	sbarrier.arrive $0xFFFF;
	(pc) =	sbr.rel @p0 .LBB2_1-.Ltmp1, $4  }
0x64: {  	[hbm:s9], [sflag:s6] =	dma.local [spmem:s13], $0x2800  }
0x65: {  	_ =	swait.ge [sflag:s14], $0x2800  }
0x66: {  	[sflag:s14] =	ssyncset.done $0x0  }
0x67: {  	[sflag:s14] =	ssyncadd.s32 $0xFFFFD800  }
0x68: {  	_ =	sfence.sel $0x180000  }
0x69: {  	[bflag:$0x0] =	sbarrier.arrive $0xFFFF  }
0x6a: {  	p0 =	sne.s32 s1, $0x0;
	_ =	strace $0x90000050  }
0x6b: {  	s0 =	sadd.s32 @!p0 $0x100000, s0;
	[bflag:$0x2] =	sbarrier.arrive $0xFFFF  }
0x6c: {  	[sflag:s0] =	ssyncadd.tile.s32 @!p0 $0x1;
	_ =	shalt  }
.Lfunc_end2:
_tile_overlayer_lowered:
.L_overlay_start_2:
0x6d: {  	(tag) =	ssettag $0x2  }
0x6e: {  	s0 =	rddreg [dreg:$0x0];
	s2 =	stileid.u32  }
0x6f: {  	s1 =	rddreg [dreg:$0x1];
	p0 =	sne.s32 s2, $0x0  }
0x70: {  	s3 =	rddreg [dreg:$0x2];
	[bflag:$0x3] =	sbarrier.arrive $0xFFFF;
	s2 =	simm.s32 @!p0 $0x1C05  }
0x71: {  	[timem:s3], [sflag:s2] =	dma.local @!p0 [hbm:s0], s1  }
0x72: {  	s0 =	simm.s32 @!p0 $0x5  }
0x73: {  	_ =	swait.ge @!p0 [sflag:s0], s1  }
0x74: {  	s1 =	ssub.s32 @!p0 $0x0, s1;
	[sflag:s0] =	ssyncset.done @!p0 $0x0  }
0x75: {  	[sflag:s0] =	ssyncadd.s32 @!p0 s1  }
0x76: {  	[bflag:$0x3] =	sbarrier.arrive $0xFFFF  }
0x77: {  	_ =	shalt  }

// kernel: kernel.24.cloned.1.call-start
scs
__scs_entry_jumppad:
0x0: {  	(pc) =	sbr.rel $0x88, $3  }
0x1: {  	(tag) =	ssettag $0x0;
	lr =	simm.s32 $0x1  }
0x2: {  	[smem:$0x3F93] =	sst lr;
	_ =	strace $0xD0000000  }
0x3: {  	_ = 	snop  }
0x4: {  	_ = 	snop  }
0x5: {  	_ = 	snop  }
0x6: {  	_ = 	snop  }
0x7: {  	_ = 	snop  }
__scs_overlays_trampoline_lowered:
0x8: {  	[smem:$0x3FA2] =	sst s0  }
0x9: {  	[smem:$0x3FA3] =	sst s1  }
0xa: {  	[smem:$0x3FA4] =	sst s2  }
0xb: {  	[smem:$0x3FA5] =	sst s3  }
0xc: {  	[smem:$0x3FA6] =	sst s4  }
0xd: {  	[smem:$0x3FA7] =	sst s5  }
0xe: {  	[smem:$0x3FA8] =	sst s6  }
0xf: {  	[smem:$0x3FA9] =	sst s7  }
0x10: {  	[smem:$0x3FAA] =	sst s8  }
0x11: {  	[smem:$0x3FAB] =	sst s9;
	s0 =	simm.s32 @!p0 $0x0  }
0x12: {  	s1 =	sld [smem:$0x3F91];
	s0 =	simm.s32 @p0 $0x1  }
0x13: {  	[smem:$0x3FAC] =	sst s0;
	s0 =	simm.s32 @!p1 $0x0  }
0x14: {  	s2 =	sld [smem:$0x3F90];
	s0 =	simm.s32 @p1 $0x1  }
0x15: {  	[smem:$0x3FAD] =	sst s0;
	s0 =	simm.s32 @!p2 $0x0  }
0x16: {  	s3 =	sld [smem:$0x3FDB];
	s0 =	simm.s32 @p2 $0x1  }
0x17: {  	s4 =	simm.s32 $0x1BF5;
	[smem:$0x3FAF] =	sst s0  }
0x18: {  	s0 =	sld [smem:$0x3F92];
	_ =	swait.ge [sflag:s4], $0x0  }
0x19: {  	s7 =	sld [smem:$0x3F93]  }
0x1a: {  	s8 =	sadd.s32 $0xFFFFE003, lr  }
0x1b: {  	s9 =	sadd.s32 $0xFFFFFEF7, lr;
	s5 =	simm.s32 $0xFFFFFFFF;
	p2 =	slt.u32 s8, $0xFFFFF086  }
0x1c: {  	p1 =	slt.u32 s9, $0xF7A;
	s5 =	simm.s32 @!p2 $0x0  }
0x1d: {  	s5 =	simm.s32 @p1 $0x1;
	p0 =	seq.s32 s7, s2  }
0x1e: {  	s7 =	smul.u32 @!p0 $0xF7A, s2;
	p2 =	seq.s32 @!p0 s5, $0x0  }
0x1f: {  	s9 =	smul.u32 $0xF7A, s1;
	s8 =	simm.s32 @!p0 $0x1BF5;
	p2 =	por !p2, p0  }
0x20: {  	[sflag:s8] =	ssyncset.s32 @!p0 $0xFFFFF086;
	s6 =	sadd.s32 @!p0 s3, s7;
	s7 =	simm.s32 @!p0 $0x108  }
0x21: {  	s3 =	sadd.s32 s3, s9;
	s6 =	sadd.s32 @!p0 $0x88, s6;
	s7 =	simm.s32 @p2 $0x1082  }
0x22: {  	[simem:s7], [sflag:s8] =	dma.local @!p0 [hbm:s6], $0xF7A  }
0x23: {  	s9 =	sor.u32 $0xD0000000, s2;
	s6 =	simm.s32 $0x108;
	_ =	swait.ge @!p0 [sflag:s8], $0x0  }
0x24: {  	s3 =	sadd.s32 $0x88, s3;
	s6 =	simm.s32 @!p1 $0x1082;
	[sflag:s4] =	ssyncset.s32 $0xFFFFF086  }
0x25: {  	[simem:s6], [sflag:s4] =	dma.local [hbm:s3], $0xF7A  }
0x26: {  	[smem:$0x3F93] =	sst s1;
	(tag) =	ssettag s2;
	_ =	strace s9  }
0x27: {  	s1 =	sld [smem:$0x3FA3]  }
0x28: {  	s2 =	sld [smem:$0x3FA4]  }
0x29: {  	s4 =	sld [smem:$0x3FA6]  }
0x2a: {  	p0 =	seq.s32 s5, $0x0;
	s5 =	sld [smem:$0x3FA7]  }
0x2b: {  	s6 =	sld [smem:$0x3FA8]  }
0x2c: {  	s7 =	sld [smem:$0x3FA9]  }
0x2d: {  	s3 =	simm.s32 $0x108;
	s8 =	sld [smem:$0x3FAA]  }
0x2e: {  	s3 =	simm.s32 @!p0 $0x1082;
	s9 =	sld [smem:$0x3FAB]  }
0x2f: {  	lr =	sadd.s32 s0, s3;
	s0 =	sld [smem:$0x3FA2]  }
0x30: {  	s3 =	sld [smem:$0x3FA5]  }
0x31: {  	[smem:$0x3FAE] =	sst s10  }
0x32: {  	s10 =	sld [smem:$0x3FAC];
	_ =	sdelay $0x3  }
0x33: {  	p0 =	seq.s32 s10, $0x1;
	s10 =	sld [smem:$0x3FAE];
	_ =	sdelay $0x3  }
0x34: {  	[smem:$0x3FAE] =	sst s10  }
0x35: {  	s10 =	sld [smem:$0x3FAD];
	_ =	sdelay $0x3  }
0x36: {  	p1 =	seq.s32 s10, $0x1;
	s10 =	sld [smem:$0x3FAE];
	_ =	sdelay $0x3  }
0x37: {  	[smem:$0x3FAE] =	sst s10  }
0x38: {  	s10 =	sld [smem:$0x3FAF]  }
0x39: {  	_ = 	snop;
	(pc) =	sbr.ind lr, $3  }
0x3a: {  	_ = 	snop  }
0x3b: {  	_ = 	snop  }
0x3c: {  	p2 =	seq.s32 s10, $0x1;
	s10 =	sld [smem:$0x3FAE]  }
0x3d: {  	_ =	shalt  }
0x3e: {  	_ =	shalt  }
0x3f: {  	_ =	shalt  }
0x40: {  	_ =	shalt  }
0x41: {  	_ =	shalt  }
0x42: {  	_ =	shalt  }
0x43: {  	_ =	shalt  }
0x44: {  	_ =	shalt  }
0x45: {  	_ =	shalt  }
0x46: {  	_ =	shalt  }
0x47: {  	_ =	shalt  }
0x48: {  	_ =	shalt  }
0x49: {  	_ =	shalt  }
0x4a: {  	_ =	shalt  }
0x4b: {  	_ =	shalt  }
0x4c: {  	_ =	shalt  }
0x4d: {  	_ =	shalt  }
0x4e: {  	_ =	shalt  }
0x4f: {  	_ =	shalt  }
0x50: {  	_ =	shalt  }
0x51: {  	_ =	shalt  }
0x52: {  	_ =	shalt  }
0x53: {  	_ =	shalt  }
0x54: {  	_ =	shalt  }
0x55: {  	_ =	shalt  }
0x56: {  	_ =	shalt  }
0x57: {  	_ =	shalt  }
0x58: {  	_ =	shalt  }
0x59: {  	_ =	shalt  }
0x5a: {  	_ =	shalt  }
0x5b: {  	_ =	shalt  }
0x5c: {  	_ =	shalt  }
0x5d: {  	_ =	shalt  }
0x5e: {  	_ =	shalt  }
0x5f: {  	_ =	shalt  }
0x60: {  	_ =	shalt  }
0x61: {  	_ =	shalt  }
0x62: {  	_ =	shalt  }
0x63: {  	_ =	shalt  }
0x64: {  	_ =	shalt  }
0x65: {  	_ =	shalt  }
0x66: {  	_ =	shalt  }
0x67: {  	_ =	shalt  }
0x68: {  	_ =	shalt  }
0x69: {  	_ =	shalt  }
0x6a: {  	_ =	shalt  }
0x6b: {  	_ =	shalt  }
0x6c: {  	_ =	shalt  }
0x6d: {  	_ =	shalt  }
0x6e: {  	_ =	shalt  }
0x6f: {  	_ =	shalt  }
0x70: {  	_ =	shalt  }
0x71: {  	_ =	shalt  }
0x72: {  	_ =	shalt  }
0x73: {  	_ =	shalt  }
0x74: {  	_ =	shalt  }
0x75: {  	_ =	shalt  }
0x76: {  	_ =	shalt  }
0x77: {  	_ =	shalt  }
0x78: {  	_ =	shalt  }
0x79: {  	_ =	shalt  }
0x7a: {  	_ =	shalt  }
0x7b: {  	_ =	shalt  }
0x7c: {  	_ =	shalt  }
0x7d: {  	_ =	shalt  }
0x7e: {  	_ =	shalt  }
0x7f: {  	_ =	shalt  }
0x80: {  	_ =	shalt  }
0x81: {  	_ =	shalt  }
0x82: {  	_ =	shalt  }
0x83: {  	_ =	shalt  }
0x84: {  	_ =	shalt  }
0x85: {  	_ =	shalt  }
0x86: {  	_ =	shalt  }
0x87: {  	_ =	shalt  }
.Lfunc_end0:
.L_simem_size_0:
called_computation.4_lowered:
.L_overlay_start_0:
0x88: {  	s2 =	sld [smem:$0x3FD9]  }
0x89: {  	s3 =	sld [smem:$0x3FFE];
	_ =	sdelay $0x1  }
0x8a: {  	s1 =	srdreg.scid  }
0x8b: {  	s0 =	sand.u32 $0x1, s1  }
0x8c: {  	s16 =	sshll.u32 s0, $0xA;
	s2 =	sadd.s32 s3, s2  }
0x8d: {  	s2 =	sadd.s32 s2, s16  }
0x8e: {  	[smem:$0x3FBA] =	sst s2  }
0x8f: {  	_ = 	snop  }
0x90: {  	(tm) =	ssettm $0x1  }
0x91: {  	s17 =	sld [smem:$0x3FFB];
	_ =	sdelay $0x3  }
0x92: {  	_ =	strace s17  }
0x93: {  	s2 =	sld [smem:$0x3FFC];
	_ =	sdelay $0x3  }
0x94: {  	_ =	strace s2  }
0x95: {  	s2 =	sld [smem:$0x3FFD];
	_ =	sdelay $0x3  }
0x96: {  	_ =	strace s2  }
0x97: {  	_ =	strace $0x8FFFFFFF  }
0x98: {  	s18 =	sld [smem:$0x3FDB];
	_ =	sdelay $0x1  }
0x99: {  	s19 =	simm.s32 $_scs_section_size  }
0x9a: {  	s4 =	simm.s32 $_size__tile_overlayer_lowered;
	s5 =	simm.s32 $_tile_overlayer_lowered  }
0x9b: {  	s22 =	simm.s32 $0x1BFF;
	s21 =	sshll.u32 s5, $0x1;
	s2 =	sadd.s32 s19, s18  }
0x9c: {  	s6 =	simm.s32 $0x0;
	s20 =	sshll.u32 s4, $0x1;
	s4 =	sadd.s32 s21, s2  }
0x9d: {  	[timem:s6], [sflag:s22] =	dma.local [hbm:s4], s20  }
0x9e: {  	_ =	swait.ge [sflag:s22], s20  }
0x9f: {  	s3 =	ssub.s32 $0x0, s20;
	[sflag:s22] =	ssyncset.done $0x0  }
0xa0: {  	[sflag:s22] =	ssyncadd.s32 s3;
	_ =	sdelay $0x1  }
0xa1: {  	s23 =	simm.s32 $0x1B8B  }
0xa2: {  	_ =	swait.ge [sflag:s23], $0x1  }
0xa3: {  	[sflag:s23] =	ssyncset.done $0x0  }
0xa4: {  	s25 =	simm.s32 $0x1B8E;
	s24 =	sld [smem:$0x3FFE];
	[sflag:s23] =	ssyncadd.s32 $0xFFFFFFFF  }
0xa5: {  	s26 =	simm.s32 $execute0_lowered;
	[smem:$0x3FD2] =	sst s25  }
0xa6: {  	s4 =	sshll.u32 s26, $0x1;
	_ =	strace $0x80000052;
	[dreg:$0x1] =	wrdreg $0xFFFFFFFF  }
0xa7: {  	s28 =	simm.s32 $_size_execute0_lowered;
	s2 =	sadd.s32 s2, s4;
	[dreg:$0x0] =	wrdreg $0x0  }
0xa8: {  	s4 =	sshll.u32 s28, $0x1;
	[dreg:$0x2] =	wrdreg s2  }
0xa9: {  	[dreg:$0x3] =	wrdreg s4  }
0xaa: {  	[dreg:$0x4] =	wrdreg $0xC0  }
0xab: {  	_ =	task [dreg:s6], $0x5FFFF  }
0xac: {  	[dreg:$0x1] =	wrdreg $0xFFFFFFFF  }
0xad: {  	[dreg:$0x0] =	wrdreg $0x60  }
0xae: {  	[dreg:$0x2] =	wrdreg s24  }
0xaf: {  	[dreg:$0x3] =	wrdreg $0x82000  }
0xb0: {  	[dreg:$0x4] =	wrdreg $0x9  }
0xb1: {  	_ =	task.clear_ibuf [dreg:s6], $0x5FFFF;
	_ =	strace $0x90000052  }
0xb2: {  	s29 =	simm.s32 $0x9;
	_ =	strace $0x80000054  }
0xb3: {  	_ =	swait.ge [sflag:s29], $0x1  }
0xb4: {  	[sflag:s29] =	ssyncadd.s32 $0xFFFFFFFF  }
0xb5: {  	_ =	strace $0x90000054  }
0xb6: {  	_ =	sfence  }
0xb7: {  	s30 =	sld [smem:$0x0];
	_ =	sdelay $0x2  }
0xb8: {  	s31 =	sshll.u32 s1, $0xD;
	s1 =	sshrl.u32 s1, $0x2  }
0xb9: {  	s3 =	sand.u32 $0x4000, s31;
	s1 =	sadd.s32 s1, s30  }
0xba: {  	s0 =	sor.u32 s3, s0;
	s1 =	sshll.u32 s1, $0x11  }
0xbb: {  	s0 =	sor.u32 s1, s0  }
0xbc: {  	s0 =	sadd.s32 $0x8F2B, s0  }
0xbd: {  	[sflag:s0] =	ssyncadd.remote.s32 $0x1  }
0xbe: {  	_ =	sfence.sel $0xFFFF  }
0xbf: {  	[dreg:$0x0] =	wrdreg $0xFFFFFFFF;
	(pc) =	sbr.abs _section_cstart, $3  }
0xc0: {  	[dreg:$0x1] =	wrdreg $0xFFFFFFFF  }
0xc1: {  	_ =	task.clear_ibuf [dreg:s6], $0x2FFFF;
	_ =	strace $0x9FFFFFFF  }
0xc2: {  	(tm) =	ssettm $0x7FFFFFFF  }
0xc3: {  	_ =	shalt  }
tec
execute0_lowered:
.L_overlay_start_1:
0x0: {  	(tag) =	ssettag $0x1  }
0x1: {  	s6 =	rddreg [dreg:$0x0]  }
0x2: {  	s2 =	rddreg [dreg:$0x1]  }
0x3: {  	s0 =	rddreg [dreg:$0x2]  }
0x4: {  	s4 =	srdreg.scid;
	s1 =	stileid.u32  }
0x5: {  	s3 =	simm.s32 $0x0;
	s15 =	simm.s32 $0x100;
	s16 =	simm.s32 $0x3  }
0x6: {  	s17 =	simm.s32 $0x80;
	s18 =	simm.s32 $0x200;
	s19 =	simm.s32 $0x4  }
0x7: {  	s20 =	simm.s32 $0x4200;
	s21 =	simm.s32 $0x1;
	s22 =	simm.s32 $0x2  }
0x8: {  	s23 =	simm.s32 $0x180;
	s24 =	simm.s32 $0x0;
	s5 =	smul.u32 $0x2800, s1  }
0x9: {  	s7 =	sand.u32 $0x1, s4;
	[smem:$0x7FF] =	sst s3;
	s25 =	smul.u32 $0x50000, s1  }
0xa: {  	s4 =	sadd.s32 $0xF8000, s6;
	s10 =	sadd.s32 $0xE4000, s6;
	s13 =	smul.u32 $0x50, s1  }
0xb: {  	s29 =	sshll.u32 s1, $0x6;
	s8 =	smul.u32 $0x28000, s7;
	_ =	strace $0x80000053  }
0xc: {  	s26 =	ssub.s32 $0x2, s7;
	s11 =	sshll.u32 s7, $0x4;
	s7 =	smul.u32 $0x500, s7  }
0xd: {  	s12 =	sshrl.u32 s26, $0x1;
	s11 =	sor.u32 s1, s11;
	s8 =	sadd.s32 s5, s8  }
0xe: {  	s5 =	sadd.s32 $0x5000, s6;
	s12 =	ssub.s32 s26, s12;
	s28 =	smul.u32 $0xA00, s11  }
0xf: {  	s30 =	sadd.s32 s13, s7;
	s9 =	sadd.s32 s8, s6;
	s6 =	sshrl.u32 s25, $0x2  }
0x10: {  	s11 =	sshll.u32 s30, $0x5;
	s14 =	sadd.s32 s6, s2;
	s6 =	sor.u32 $0x1C05, s29  }
0x11: {  	s7 =	sadd.s32 s10, s28;
	s9 =	sadd.s32 $0x120000, s9;
	s31 =	sadd.s32 s11, s10  }
0x12: {  	s10 =	smax.u32 s12, $0x1;
	s8 =	sadd.s32 $0x20, s7;
	s11 =	sadd.s32 $0x60, s31  }
0x13: {  	s12 =	sadd.s32 $0x40, s31;
	s13 =	sshrl.u32 s14, $0x3;
	s14 =	simm.s32 $0x5  }
.LBB2_1:
0x14: {  	[spmem:s13], [sflag:s6] =	dma.local [hbm:s5], $0x2800  }
0x15: {  	_ =	swait.ge [sflag:s14], $0x2800  }
0x16: {  	[sflag:s14] =	ssyncset.done $0x0  }
0x17: {  	[sflag:s14] =	ssyncadd.s32 $0xFFFFD800  }
0x18: {  	[bflag:$0x0] =	sbarrier.arrive $0xFFFF  }
0x19: {  	[tilespmem:s3], [sflag:$0x3] =	stream.linear.gather [hbm4b:s7+s3], $0x100, $0x38;
	[tilespmem:$0x1C200] =	vst v63  }
0x1a: {  	_ = 	snop  }
0x1b: {  	[tilespmem:s15], [sflag:$0x4] =	stream.linear.gather [hbm4b:s8+s3], $0x100, $0x38;
	[tilespmem:$0x1C200] =	vst v63  }
0x1c: {  	_ =	swait.ge [sflag:s16], $0x100  }
0x1d: {  	[sflag:s16] =	ssyncset.done $0x0  }
0x1e: {  	[sflag:s16] =	ssyncadd.s32 $0xFFFFFF00  }
0x1f: {  	[tilespmem:s18], [sflag:$0x1] =	stream.indirect.gather [hbm4b:s4+s17], $0x80, s3, s17, $0xb8;
	[tilespmem:$0x1C200] =	vst v63  }
0x20: {  	_ =	swait.ge [sflag:s19], $0x100  }
0x21: {  	[sflag:s19] =	ssyncset.done $0x0  }
0x22: {  	[sflag:s19] =	ssyncadd.s32 $0xFFFFFF00  }
0x23: {  	[tilespmem:s20], [sflag:$0x2] =	stream.indirect.gather [hbm4b:s4+s17], $0x80, s15, s17, $0xb8;
	[tilespmem:$0x1C200] =	vst v63  }
0x24: {  	_ =	swait.ge [sflag:s21], $0x4000  }
0x25: {  	[sflag:s21] =	ssyncset.done $0x0  }
0x26: {  	[sflag:s21] =	ssyncadd.s32 $0xFFFFC000  }
0x27: {  	[spmem:s2] =	stream.indirect.scatter.add.f32 [tilespmem:s18], [sflag:$0x5], $0x80, s17, s17, $0xb8;
	[tilespmem:$0x1C200] =	vst v63  }
0x28: {  	_ =	swait.ge [sflag:s14], $0x4000  }
0x29: {  	[sflag:s14] =	ssyncset.done $0x0  }
0x2a: {  	s25 =	sadd.s32 $0x0, s12;
	[sflag:s14] =	ssyncadd.s32 $0xFFFFC000  }
0x2b: {  	[tilespmem:s3], [sflag:$0x3] =	stream.linear.gather [hbm4b:s25+s3], $0x100, $0x38;
	[tilespmem:$0x1C200] =	vst v63  }
0x2c: {  	_ =	swait.ge [sflag:s16], $0x100  }
0x2d: {  	[sflag:s16] =	ssyncset.done $0x0  }
0x2e: {  	[sflag:s16] =	ssyncadd.s32 $0xFFFFFF00  }
0x2f: {  	[tilespmem:s18], [sflag:$0x1] =	stream.indirect.gather [hbm4b:s4+s17], $0x80, s3, s17, $0xb8;
	[tilespmem:$0x1C200] =	vst v63  }
0x30: {  	_ =	swait.ge [sflag:s22], $0x4000  }
0x31: {  	[sflag:s22] =	ssyncset.done $0x0  }
0x32: {  	[sflag:s22] =	ssyncadd.s32 $0xFFFFC000  }
0x33: {  	[spmem:s2] =	stream.indirect.scatter.add.f32 [tilespmem:s20], [sflag:$0x5], $0x80, s23, s17, $0xb8;
	[tilespmem:$0x1C200] =	vst v63  }
0x34: {  	_ =	swait.ge [sflag:s14], $0x4000  }
0x35: {  	[sflag:s14] =	ssyncset.done $0x0  }
0x36: {  	s26 =	sadd.s32 $0x0, s11;
	s25 =	simm.s32 $0x40;
	[sflag:s14] =	ssyncadd.s32 $0xFFFFC000  }
.LBB2_2:
0x37: {  	[tilespmem:s15], [sflag:$0x4] =	stream.linear.gather [hbm4b:s26+s3], $0x100, $0x38;
	[tilespmem:$0x1C200] =	vst v63  }
0x38: {  	s26 =	smov.u32 s25  }
0x39: {  	p0 =	sne.s32 s25, $0x980;
	s25 =	sadd.s32 $0x40, s25;
	_ =	swait.ge [sflag:s19], $0x100  }
0x3a: {  	[sflag:s19] =	ssyncset.done $0x0  }
0x3b: {  	[sflag:s19] =	ssyncadd.s32 $0xFFFFFF00  }
0x3c: {  	[tilespmem:s20], [sflag:$0x2] =	stream.indirect.gather [hbm4b:s4+s17], $0x80, s15, s17, $0xb8;
	[tilespmem:$0x1C200] =	vst v63  }
0x3d: {  	_ =	swait.ge [sflag:s21], $0x4000  }
0x3e: {  	[sflag:s21] =	ssyncset.done $0x0  }
0x3f: {  	[sflag:s21] =	ssyncadd.s32 $0xFFFFC000  }
0x40: {  	[spmem:s2] =	stream.indirect.scatter.add.f32 [tilespmem:s18], [sflag:$0x5], $0x80, s17, s17, $0xb8;
	[tilespmem:$0x1C200] =	vst v63  }
0x41: {  	_ =	swait.ge [sflag:s14], $0x4000  }
0x42: {  	[sflag:s14] =	ssyncset.done $0x0  }
0x43: {  	s28 =	sadd.s32 s26, s12;
	[sflag:s14] =	ssyncadd.s32 $0xFFFFC000  }
0x44: {  	[tilespmem:s3], [sflag:$0x3] =	stream.linear.gather [hbm4b:s28+s3], $0x100, $0x38;
	[tilespmem:$0x1C200] =	vst v63  }
0x45: {  	_ =	swait.ge [sflag:s16], $0x100  }
0x46: {  	[sflag:s16] =	ssyncset.done $0x0  }
0x47: {  	[sflag:s16] =	ssyncadd.s32 $0xFFFFFF00  }
0x48: {  	[tilespmem:s18], [sflag:$0x1] =	stream.indirect.gather [hbm4b:s4+s17], $0x80, s3, s17, $0xb8;
	[tilespmem:$0x1C200] =	vst v63  }
0x49: {  	_ =	swait.ge [sflag:s22], $0x4000  }
0x4a: {  	[sflag:s22] =	ssyncset.done $0x0  }
.Ltmp0:
0x4b: {  	[sflag:s22] =	ssyncadd.s32 $0xFFFFC000;
	(pc) =	sbr.rel @p0 .LBB2_2-.Ltmp0, $4  }
0x4c: {  	[spmem:s2] =	stream.indirect.scatter.add.f32 [tilespmem:s20], [sflag:$0x5], $0x80, s23, s17, $0xb8;
	[tilespmem:$0x1C200] =	vst v63  }
0x4d: {  	_ =	swait.ge [sflag:s14], $0x4000  }
0x4e: {  	[sflag:s14] =	ssyncset.done $0x0  }
0x4f: {  	s26 =	sadd.s32 s26, s11;
	[sflag:s14] =	ssyncadd.s32 $0xFFFFC000  }
0x50: {  	[tilespmem:s15], [sflag:$0x4] =	stream.linear.gather [hbm4b:s26+s3], $0x100, $0x38;
	[tilespmem:$0x1C200] =	vst v63  }
0x51: {  	_ =	swait.ge [sflag:s19], $0x100  }
0x52: {  	[sflag:s19] =	ssyncset.done $0x0  }
0x53: {  	[sflag:s19] =	ssyncadd.s32 $0xFFFFFF00  }
0x54: {  	[tilespmem:s20], [sflag:$0x2] =	stream.indirect.gather [hbm4b:s4+s17], $0x80, s15, s17, $0xb8;
	[tilespmem:$0x1C200] =	vst v63  }
0x55: {  	_ =	swait.ge [sflag:s21], $0x4000  }
0x56: {  	[sflag:s21] =	ssyncset.done $0x0  }
0x57: {  	[sflag:s21] =	ssyncadd.s32 $0xFFFFC000  }
0x58: {  	[spmem:s2] =	stream.indirect.scatter.add.f32 [tilespmem:s18], [sflag:$0x5], $0x80, s17, s17, $0xb8;
	[tilespmem:$0x1C200] =	vst v63  }
0x59: {  	_ =	swait.ge [sflag:s14], $0x4000  }
0x5a: {  	[sflag:s14] =	ssyncset.done $0x0  }
0x5b: {  	[sflag:s14] =	ssyncadd.s32 $0xFFFFC000  }
0x5c: {  	_ =	swait.ge [sflag:s22], $0x4000  }
0x5d: {  	[sflag:s22] =	ssyncset.done $0x0  }
0x5e: {  	[sflag:s22] =	ssyncadd.s32 $0xFFFFC000  }
0x5f: {  	[spmem:s2] =	stream.indirect.scatter.add.f32 [tilespmem:s20], [sflag:$0x5], $0x80, s23, s17, $0xb8;
	[tilespmem:$0x1C200] =	vst v63  }
0x60: {  	_ =	swait.ge [sflag:s14], $0x4000  }
0x61: {  	s24 =	sadd.s32 $0x1, s24;
	[sflag:s14] =	ssyncset.done $0x0  }
0x62: {  	p0 =	sne.s32 s24, s10;
	[sflag:s14] =	ssyncadd.s32 $0xFFFFC000  }
.Ltmp1:
0x63: {  	[bflag:$0x0] =	sbarrier.arrive $0xFFFF;
	(pc) =	sbr.rel @p0 .LBB2_1-.Ltmp1, $4  }
0x64: {  	[hbm:s9], [sflag:s6] =	dma.local [spmem:s13], $0x2800  }
0x65: {  	_ =	swait.ge [sflag:s14], $0x2800  }
0x66: {  	[sflag:s14] =	ssyncset.done $0x0  }
0x67: {  	[sflag:s14] =	ssyncadd.s32 $0xFFFFD800  }
0x68: {  	_ =	sfence.sel $0x180000  }
0x69: {  	[bflag:$0x0] =	sbarrier.arrive $0xFFFF  }
0x6a: {  	p0 =	sne.s32 s1, $0x0;
	_ =	strace $0x90000053  }
0x6b: {  	s0 =	sadd.s32 @!p0 $0x100000, s0;
	[bflag:$0x2] =	sbarrier.arrive $0xFFFF  }
0x6c: {  	[sflag:s0] =	ssyncadd.tile.s32 @!p0 $0x1;
	_ =	shalt  }
.Lfunc_end2:
_tile_overlayer_lowered:
.L_overlay_start_2:
0x6d: {  	(tag) =	ssettag $0x2  }
0x6e: {  	s0 =	rddreg [dreg:$0x0];
	s2 =	stileid.u32  }
0x6f: {  	s1 =	rddreg [dreg:$0x1];
	p0 =	sne.s32 s2, $0x0  }
0x70: {  	s3 =	rddreg [dreg:$0x2];
	[bflag:$0x3] =	sbarrier.arrive $0xFFFF;
	s2 =	simm.s32 @!p0 $0x1C05  }
0x71: {  	[timem:s3], [sflag:s2] =	dma.local @!p0 [hbm:s0], s1  }
0x72: {  	s0 =	simm.s32 @!p0 $0x5  }
0x73: {  	_ =	swait.ge @!p0 [sflag:s0], s1  }
0x74: {  	s1 =	ssub.s32 @!p0 $0x0, s1;
	[sflag:s0] =	ssyncset.done @!p0 $0x0  }
0x75: {  	[sflag:s0] =	ssyncadd.s32 @!p0 s1  }
0x76: {  	[bflag:$0x3] =	sbarrier.arrive $0xFFFF  }
0x77: {  	_ =	shalt  }

</sc_bundles>
